<compile_context>
chip_gen: v7x
topology: tpu7x:2x2x1
jax: 0.10.2.dev20260603
libtpu: 0.0.44.dev20260713+nightly
codegen_flags: <defaults>
</compile_context>

<pallas_src>
import functools

import jax
import jax.numpy as jnp
from jax import lax
from jax.experimental import pallas as pl
from jax.experimental.pallas import tpu as pltpu
from jax.experimental.pallas import tpu_sc as plsc

_NUM_CORES = 2
_NUM_SUBCORES = 16
_NUM_WORKERS = _NUM_CORES * _NUM_SUBCORES
_LANES = 16
_BLK = 128

_CHUNK_GROUPS = 125


def _sc_disp_param(n_rows):
  n_groups = n_rows // _BLK
  assert n_groups % _CHUNK_GROUPS == 0
  chunk_rows = _CHUNK_GROUPS * _BLK
  n_chunks = n_groups // _CHUNK_GROUPS
  rounds = -(-n_chunks // _NUM_WORKERS)

  mesh = plsc.VectorSubcoreMesh(
      core_axis_name="c", subcore_axis_name="s",
      num_cores=_NUM_CORES, num_subcores=_NUM_SUBCORES)

  @functools.partial(
      pl.kernel,
      out_type=jax.ShapeDtypeStruct((n_groups, 2, _BLK), jnp.float32),
      mesh=mesh,
      scratch_types=[
          pltpu.VMEM((2, chunk_rows), jnp.int32),
          pltpu.VMEM((2, _CHUNK_GROUPS, 2, _BLK), jnp.float32),
          pltpu.VMEM((174,), jnp.float32),
          pltpu.VMEM((174 * _LANES,), jnp.float32),
          pltpu.SemaphoreType.DMA((2,)),
          pltpu.SemaphoreType.DMA((2,)),
      ],
      compiler_params=pltpu.CompilerParams(needs_layout_passes=False),
  )
  def body(disp_hbm, nums_hbm, tab_hbm, out_hbm,
           nums_v, io_v, tab_v, tabr_v, sem_in, sem_out):
    w = lax.axis_index("s") * _NUM_CORES + lax.axis_index("c")
    pltpu.sync_copy(tab_hbm, tab_v)

    lane = lax.iota(jnp.int32, _LANES)

    for base in (0, 16, 32, 48, 64, 80, 96, 112, 128, 144, 158):
      t16 = tab_v[pl.ds(base, _LANES)]
      eidx = (jnp.full((_LANES,), base, jnp.int32) + lane) * jnp.full(
          (_LANES,), _LANES, jnp.int32)
      for l in range(_LANES):
        plsc.store_scatter(tabr_v, [eidx + jnp.full((_LANES,), l, jnp.int32)],
                           t16)

    def start_in(chunk, buf):
      pltpu.async_copy(
          nums_hbm.at[pl.ds(chunk * chunk_rows, chunk_rows)],
          nums_v.at[buf], sem_in.at[buf])
      pltpu.async_copy(
          disp_hbm.at[pl.ds(chunk * _CHUNK_GROUPS, _CHUNK_GROUPS), :, :],
          io_v.at[buf], sem_in.at[buf])

    def wait_in(chunk, buf):
      pltpu.make_async_copy(
          nums_hbm.at[pl.ds(chunk * chunk_rows, chunk_rows)],
          nums_v.at[buf], sem_in.at[buf]).wait()
      pltpu.make_async_copy(
          disp_hbm.at[pl.ds(chunk * _CHUNK_GROUPS, _CHUNK_GROUPS), :, :],
          io_v.at[buf], sem_in.at[buf]).wait()

    def start_out(chunk, buf):
      pltpu.async_copy(
          io_v.at[buf],
          out_hbm.at[pl.ds(chunk * _CHUNK_GROUPS, _CHUNK_GROUPS), :, :],
          sem_out.at[buf])

    def wait_out(chunk, buf):
      pltpu.make_async_copy(
          io_v.at[buf],
          out_hbm.at[pl.ds(chunk * _CHUNK_GROUPS, _CHUNK_GROUPS), :, :],
          sem_out.at[buf]).wait()

    lane16 = lane + jnp.full((_LANES,), _LANES, jnp.int32)
    thirtytwo = jnp.full((_LANES,), 32, jnp.int32)
    lo = jnp.full((_LANES,), -4.0, jnp.float32)
    hi = jnp.full((_LANES,), 4.0, jnp.float32)

    start_in(w, 0)

    def round_body(k, carry):
      cid = w + _NUM_WORKERS * k
      b = lax.rem(k, 2)

      @pl.when(cid < n_chunks)
      def _():
        wait_in(cid, b)
        prev = cid - _NUM_WORKERS

        @pl.when(prev >= 0)
        def _():
          wait_out(prev, 1 - b)

        nxt = cid + _NUM_WORKERS

        @pl.when(nxt < n_chunks)
        def _():
          start_in(nxt, 1 - b)

        @plsc.parallel_loop(0, _CHUNK_GROUPS)
        def group(gi):
          gr = gi * _BLK
          for j in range(_BLK // _LANES):
            o = j * _LANES
            nums16 = nums_v[b, pl.ds(gr + o, _LANES)]
            nsh = nums16 * thirtytwo
            g0v = plsc.load_gather(tabr_v, [nsh + lane])
            g1v = plsc.load_gather(tabr_v, [nsh + lane16])
            x0 = io_v[b, gi, 0, pl.ds(o, _LANES)]
            x1 = io_v[b, gi, 1, pl.ds(o, _LANES)]
            m0 = jnp.exp(jnp.maximum(jnp.minimum(x0, hi), lo))
            m1 = jnp.exp(jnp.maximum(jnp.minimum(x1, hi), lo))
            io_v[b, gi, 0, pl.ds(o, _LANES)] = g0v * m0
            io_v[b, gi, 1, pl.ds(o, _LANES)] = g1v * m1

        start_out(cid, b)

      return carry

    lax.fori_loop(0, rounds, round_body, 0)

    k_last = lax.div(n_chunks - 1 - w, _NUM_WORKERS)
    parity = lax.rem(k_last, 2)

    @pl.when(parity == 0)
    def _():
      wait_out(w, 0)

    @pl.when(parity == 1)
    def _():
      wait_out(w, 1)

  return body


def kernel(disp_param, numbers, disp_param0):
  n_rows = disp_param.shape[0]
  disp3 = disp_param.reshape(n_rows // _BLK, _BLK, 2).transpose(0, 2, 1)
  fn = _sc_disp_param(n_rows)
  out3 = fn(disp3, numbers, disp_param0.reshape(-1))
  return out3.transpose(0, 2, 1).reshape(n_rows, 2)

# --- scband reference (transcript-rebuilt; emitter-appended) ---
"""Pipeline reference for scband-disp-param-18580028522576 (READ-ONLY COPY).

The authoritative reference and input builder live on the scoring server;
editing this copy changes nothing except your own understanding.
"""

import jax, jax.numpy as jnp
import numpy as np

N = 2000000

def _build_table():
    ref = np.zeros((87, 2), dtype=np.float32)
    c6 = np.arange(1, 88, dtype=np.float32)
    alpha = np.arange(1, 88, dtype=np.float32) * 0.5
    ref[:, 0] = c6
    ref[:, 1] = alpha
    # forced defaults from __init__
    ref[0, 0] = 0.0
    ref[0, 1] = 1.0
    return jnp.asarray(ref)

def setup_inputs(seed: int = 0) -> dict:
    key = jax.random.key(seed)
    k1, k2 = jax.random.split(key)
    disp_param = jax.random.normal(k1, (N, 2), dtype=jnp.float32)
    numbers = jax.random.randint(k2, (N,), 0, 87, dtype=jnp.int32)
    disp_param0 = _build_table()
    return {"disp_param": disp_param, "numbers": numbers, "disp_param0": disp_param0}

def reference(disp_param, numbers, disp_param0):
    # data[key_in].clamp(-4, 4).exp()
    disp_param_mult = jnp.exp(jnp.clip(disp_param, -4.0, 4.0))
    # buffer gather: disp_param0[data['numbers']]
    gathered = jnp.take(disp_param0, numbers, axis=0)
    vals = gathered * disp_param_mult
    return vals

if __name__ == "__main__":
    import jax
    _d = setup_inputs()
    print(jax.jit(kernel)(*tuple(_d.values())))

</pallas_src>

<mosaic_0001>
#map = affine_map<(d0, d1) -> (0, 0, 0)>
#map1 = affine_map<(d0, d1) -> (0)>
module attributes {stable_mosaic.version = 14 : i64} {
  func.func @body(%arg0: i32, %arg1: i32, %arg2: memref<15625x2x128xf32, #tpu.memory_space<hbm>>, %arg3: memref<2000000xi32, #tpu.memory_space<hbm>>, %arg4: memref<174xf32, #tpu.memory_space<hbm>>, %arg5: memref<15625x2x128xf32, #tpu.memory_space<hbm>>, %arg6: memref<2x16000xi32, #tpu.memory_space<vmem>>, %arg7: memref<2x125x2x128xf32, #tpu.memory_space<vmem>>, %arg8: memref<174xf32, #tpu.memory_space<vmem>>, %arg9: memref<2784xf32, #tpu.memory_space<vmem>>, %arg10: memref<2x!tpu.dma_semaphore, #tpu.memory_space<semaphore_mem>>, %arg11: memref<2x!tpu.dma_semaphore, #tpu.memory_space<semaphore_mem>>) attributes {dimension_semantics = [#tpu.dimension_semantics<core_parallel>, #tpu.dimension_semantics<subcore_parallel>], iteration_bounds = array<i64: 2, 16>, scalar_prefetch = 0 : i64, scratch_operands = 6 : i64, tpu.core_type = #tpu.core_type<sc_vector_subcore>, window_params = [{transform_indices = #map}, {transform_indices = #map1}, {transform_indices = #map1}, {transform_indices = #map}]} {
    %mul3A = arith.constant 2 : i32
    %mul3A_0 = arith.muli %arg1, %mul3A : i32
    %add3A = arith.addi %mul3A_0, %arg0 : i32
    "tpu.region"() ({
      %run_scoped3A = tpu.sem_alloc : memref<!tpu.dma_semaphore, #tpu.memory_space<semaphore_mem>>
      tpu.enqueue_dma source(%arg4 : memref<174xf32, #tpu.memory_space<hbm>>) target(%arg8 : memref<174xf32, #tpu.memory_space<vmem>>) target_semaphore(%run_scoped3A : memref<!tpu.dma_semaphore, #tpu.memory_space<semaphore_mem>>)
      tpu.wait_dma2 semaphore(%run_scoped3A : memref<!tpu.dma_semaphore, #tpu.memory_space<semaphore_mem>>) src(%arg4 : memref<174xf32, #tpu.memory_space<hbm>>) dst(%arg8 : memref<174xf32, #tpu.memory_space<vmem>>)
      tpu.yield
    }) : () -> ()
    %iota3A = tpu.iota {dimensions = array<i32: 0>} : vector<16xi32>
    %get3A = arith.constant 0 : index
    %get3A_1 = tpu.vector_load %arg8[%get3A] {strides = array<i32>} : memref<174xf32, #tpu.memory_space<vmem>>, vector<16xf32>,
    %broadcast_in_dim3A = arith.constant 0 : i32
    %broadcast_in_dim3A_2 = vector.broadcast %broadcast_in_dim3A : i32 to vector<16xi32>
    %add3A_3 = arith.addi %broadcast_in_dim3A_2, %iota3A : vector<16xi32>
    %broadcast_in_dim3A_4 = arith.constant 16 : i32
    %broadcast_in_dim3A_5 = vector.broadcast %broadcast_in_dim3A_4 : i32 to vector<16xi32>
    %mul3A_6 = arith.muli %add3A_3, %broadcast_in_dim3A_5 : vector<16xi32>
    %broadcast_in_dim3A_7 = arith.constant 0 : i32
    %broadcast_in_dim3A_8 = vector.broadcast %broadcast_in_dim3A_7 : i32 to vector<16xi32>
    %add3A_9 = arith.addi %mul3A_6, %broadcast_in_dim3A_8 : vector<16xi32>
    tpu.vector_store_idx %arg9[%add3A_9], %get3A_1 : memref<2784xf32, #tpu.memory_space<vmem>>[vector<16xi32>], vector<16xf32>,
    %broadcast_in_dim3A_10 = arith.constant 1 : i32
    %broadcast_in_dim3A_11 = vector.broadcast %broadcast_in_dim3A_10 : i32 to vector<16xi32>
    %add3A_12 = arith.addi %mul3A_6, %broadcast_in_dim3A_11 : vector<16xi32>
    tpu.vector_store_idx %arg9[%add3A_12], %get3A_1 : memref<2784xf32, #tpu.memory_space<vmem>>[vector<16xi32>], vector<16xf32>,
    %broadcast_in_dim3A_13 = arith.constant 2 : i32
    %broadcast_in_dim3A_14 = vector.broadcast %broadcast_in_dim3A_13 : i32 to vector<16xi32>
    %add3A_15 = arith.addi %mul3A_6, %broadcast_in_dim3A_14 : vector<16xi32>
    tpu.vector_store_idx %arg9[%add3A_15], %get3A_1 : memref<2784xf32, #tpu.memory_space<vmem>>[vector<16xi32>], vector<16xf32>,
    %broadcast_in_dim3A_16 = arith.constant 3 : i32
    %broadcast_in_dim3A_17 = vector.broadcast %broadcast_in_dim3A_16 : i32 to vector<16xi32>
    %add3A_18 = arith.addi %mul3A_6, %broadcast_in_dim3A_17 : vector<16xi32>
    tpu.vector_store_idx %arg9[%add3A_18], %get3A_1 : memref<2784xf32, #tpu.memory_space<vmem>>[vector<16xi32>], vector<16xf32>,
    %broadcast_in_dim3A_19 = arith.constant 4 : i32
    %broadcast_in_dim3A_20 = vector.broadcast %broadcast_in_dim3A_19 : i32 to vector<16xi32>
    %add3A_21 = arith.addi %mul3A_6, %broadcast_in_dim3A_20 : vector<16xi32>
    tpu.vector_store_idx %arg9[%add3A_21], %get3A_1 : memref<2784xf32, #tpu.memory_space<vmem>>[vector<16xi32>], vector<16xf32>,
    %broadcast_in_dim3A_22 = arith.constant 5 : i32
    %broadcast_in_dim3A_23 = vector.broadcast %broadcast_in_dim3A_22 : i32 to vector<16xi32>
    %add3A_24 = arith.addi %mul3A_6, %broadcast_in_dim3A_23 : vector<16xi32>
    tpu.vector_store_idx %arg9[%add3A_24], %get3A_1 : memref<2784xf32, #tpu.memory_space<vmem>>[vector<16xi32>], vector<16xf32>,
    %broadcast_in_dim3A_25 = arith.constant 6 : i32
    %broadcast_in_dim3A_26 = vector.broadcast %broadcast_in_dim3A_25 : i32 to vector<16xi32>
    %add3A_27 = arith.addi %mul3A_6, %broadcast_in_dim3A_26 : vector<16xi32>
    tpu.vector_store_idx %arg9[%add3A_27], %get3A_1 : memref<2784xf32, #tpu.memory_space<vmem>>[vector<16xi32>], vector<16xf32>,
    %broadcast_in_dim3A_28 = arith.constant 7 : i32
    %broadcast_in_dim3A_29 = vector.broadcast %broadcast_in_dim3A_28 : i32 to vector<16xi32>
    %add3A_30 = arith.addi %mul3A_6, %broadcast_in_dim3A_29 : vector<16xi32>
    tpu.vector_store_idx %arg9[%add3A_30], %get3A_1 : memref<2784xf32, #tpu.memory_space<vmem>>[vector<16xi32>], vector<16xf32>,
    %broadcast_in_dim3A_31 = arith.constant 8 : i32
    %broadcast_in_dim3A_32 = vector.broadcast %broadcast_in_dim3A_31 : i32 to vector<16xi32>
    %add3A_33 = arith.addi %mul3A_6, %broadcast_in_dim3A_32 : vector<16xi32>
    tpu.vector_store_idx %arg9[%add3A_33], %get3A_1 : memref<2784xf32, #tpu.memory_space<vmem>>[vector<16xi32>], vector<16xf32>,
    %broadcast_in_dim3A_34 = arith.constant 9 : i32
    %broadcast_in_dim3A_35 = vector.broadcast %broadcast_in_dim3A_34 : i32 to vector<16xi32>
    %add3A_36 = arith.addi %mul3A_6, %broadcast_in_dim3A_35 : vector<16xi32>
    tpu.vector_store_idx %arg9[%add3A_36], %get3A_1 : memref<2784xf32, #tpu.memory_space<vmem>>[vector<16xi32>], vector<16xf32>,
    %broadcast_in_dim3A_37 = arith.constant 10 : i32
    %broadcast_in_dim3A_38 = vector.broadcast %broadcast_in_dim3A_37 : i32 to vector<16xi32>
    %add3A_39 = arith.addi %mul3A_6, %broadcast_in_dim3A_38 : vector<16xi32>
    tpu.vector_store_idx %arg9[%add3A_39], %get3A_1 : memref<2784xf32, #tpu.memory_space<vmem>>[vector<16xi32>], vector<16xf32>,
    %broadcast_in_dim3A_40 = arith.constant 11 : i32
    %broadcast_in_dim3A_41 = vector.broadcast %broadcast_in_dim3A_40 : i32 to vector<16xi32>
    %add3A_42 = arith.addi %mul3A_6, %broadcast_in_dim3A_41 : vector<16xi32>
    tpu.vector_store_idx %arg9[%add3A_42], %get3A_1 : memref<2784xf32, #tpu.memory_space<vmem>>[vector<16xi32>], vector<16xf32>,
    %broadcast_in_dim3A_43 = arith.constant 12 : i32
    %broadcast_in_dim3A_44 = vector.broadcast %broadcast_in_dim3A_43 : i32 to vector<16xi32>
    %add3A_45 = arith.addi %mul3A_6, %broadcast_in_dim3A_44 : vector<16xi32>
    tpu.vector_store_idx %arg9[%add3A_45], %get3A_1 : memref<2784xf32, #tpu.memory_space<vmem>>[vector<16xi32>], vector<16xf32>,
    %broadcast_in_dim3A_46 = arith.constant 13 : i32
    %broadcast_in_dim3A_47 = vector.broadcast %broadcast_in_dim3A_46 : i32 to vector<16xi32>
    %add3A_48 = arith.addi %mul3A_6, %broadcast_in_dim3A_47 : vector<16xi32>
    tpu.vector_store_idx %arg9[%add3A_48], %get3A_1 : memref<2784xf32, #tpu.memory_space<vmem>>[vector<16xi32>], vector<16xf32>,
    %broadcast_in_dim3A_49 = arith.constant 14 : i32
    %broadcast_in_dim3A_50 = vector.broadcast %broadcast_in_dim3A_49 : i32 to vector<16xi32>
    %add3A_51 = arith.addi %mul3A_6, %broadcast_in_dim3A_50 : vector<16xi32>
    tpu.vector_store_idx %arg9[%add3A_51], %get3A_1 : memref<2784xf32, #tpu.memory_space<vmem>>[vector<16xi32>], vector<16xf32>,
    %broadcast_in_dim3A_52 = arith.constant 15 : i32
    %broadcast_in_dim3A_53 = vector.broadcast %broadcast_in_dim3A_52 : i32 to vector<16xi32>
    %add3A_54 = arith.addi %mul3A_6, %broadcast_in_dim3A_53 : vector<16xi32>
    tpu.vector_store_idx %arg9[%add3A_54], %get3A_1 : memref<2784xf32, #tpu.memory_space<vmem>>[vector<16xi32>], vector<16xf32>,
    %get3A_55 = arith.constant 16 : index
    %get3A_56 = tpu.vector_load %arg8[%get3A_55] {strides = array<i32>} : memref<174xf32, #tpu.memory_space<vmem>>, vector<16xf32>,
    %broadcast_in_dim3A_57 = arith.constant 16 : i32
    %broadcast_in_dim3A_58 = vector.broadcast %broadcast_in_dim3A_57 : i32 to vector<16xi32>
    %add3A_59 = arith.addi %broadcast_in_dim3A_58, %iota3A : vector<16xi32>
    %broadcast_in_dim3A_60 = arith.constant 16 : i32
    %broadcast_in_dim3A_61 = vector.broadcast %broadcast_in_dim3A_60 : i32 to vector<16xi32>
    %mul3A_62 = arith.muli %add3A_59, %broadcast_in_dim3A_61 : vector<16xi32>
    %broadcast_in_dim3A_63 = arith.constant 0 : i32
    %broadcast_in_dim3A_64 = vector.broadcast %broadcast_in_dim3A_63 : i32 to vector<16xi32>
    %add3A_65 = arith.addi %mul3A_62, %broadcast_in_dim3A_64 : vector<16xi32>
    tpu.vector_store_idx %arg9[%add3A_65], %get3A_56 : memref<2784xf32, #tpu.memory_space<vmem>>[vector<16xi32>], vector<16xf32>,
    %broadcast_in_dim3A_66 = arith.constant 1 : i32
    %broadcast_in_dim3A_67 = vector.broadcast %broadcast_in_dim3A_66 : i32 to vector<16xi32>
    %add3A_68 = arith.addi %mul3A_62, %broadcast_in_dim3A_67 : vector<16xi32>
    tpu.vector_store_idx %arg9[%add3A_68], %get3A_56 : memref<2784xf32, #tpu.memory_space<vmem>>[vector<16xi32>], vector<16xf32>,
    %broadcast_in_dim3A_69 = arith.constant 2 : i32
    %broadcast_in_dim3A_70 = vector.broadcast %broadcast_in_dim3A_69 : i32 to vector<16xi32>
    %add3A_71 = arith.addi %mul3A_62, %broadcast_in_dim3A_70 : vector<16xi32>
    tpu.vector_store_idx %arg9[%add3A_71], %get3A_56 : memref<2784xf32, #tpu.memory_space<vmem>>[vector<16xi32>], vector<16xf32>,
    %broadcast_in_dim3A_72 = arith.constant 3 : i32
    %broadcast_in_dim3A_73 = vector.broadcast %broadcast_in_dim3A_72 : i32 to vector<16xi32>
    %add3A_74 = arith.addi %mul3A_62, %broadcast_in_dim3A_73 : vector<16xi32>
    tpu.vector_store_idx %arg9[%add3A_74], %get3A_56 : memref<2784xf32, #tpu.memory_space<vmem>>[vector<16xi32>], vector<16xf32>,
    %broadcast_in_dim3A_75 = arith.constant 4 : i32
    %broadcast_in_dim3A_76 = vector.broadcast %broadcast_in_dim3A_75 : i32 to vector<16xi32>
    %add3A_77 = arith.addi %mul3A_62, %broadcast_in_dim3A_76 : vector<16xi32>
    tpu.vector_store_idx %arg9[%add3A_77], %get3A_56 : memref<2784xf32, #tpu.memory_space<vmem>>[vector<16xi32>], vector<16xf32>,
    %broadcast_in_dim3A_78 = arith.constant 5 : i32
    %broadcast_in_dim3A_79 = vector.broadcast %broadcast_in_dim3A_78 : i32 to vector<16xi32>
    %add3A_80 = arith.addi %mul3A_62, %broadcast_in_dim3A_79 : vector<16xi32>
    tpu.vector_store_idx %arg9[%add3A_80], %get3A_56 : memref<2784xf32, #tpu.memory_space<vmem>>[vector<16xi32>], vector<16xf32>,
    %broadcast_in_dim3A_81 = arith.constant 6 : i32
    %broadcast_in_dim3A_82 = vector.broadcast %broadcast_in_dim3A_81 : i32 to vector<16xi32>
    %add3A_83 = arith.addi %mul3A_62, %broadcast_in_dim3A_82 : vector<16xi32>
    tpu.vector_store_idx %arg9[%add3A_83], %get3A_56 : memref<2784xf32, #tpu.memory_space<vmem>>[vector<16xi32>], vector<16xf32>,
    %broadcast_in_dim3A_84 = arith.constant 7 : i32
    %broadcast_in_dim3A_85 = vector.broadcast %broadcast_in_dim3A_84 : i32 to vector<16xi32>
    %add3A_86 = arith.addi %mul3A_62, %broadcast_in_dim3A_85 : vector<16xi32>
    tpu.vector_store_idx %arg9[%add3A_86], %get3A_56 : memref<2784xf32, #tpu.memory_space<vmem>>[vector<16xi32>], vector<16xf32>,
    %broadcast_in_dim3A_87 = arith.constant 8 : i32
    %broadcast_in_dim3A_88 = vector.broadcast %broadcast_in_dim3A_87 : i32 to vector<16xi32>
    %add3A_89 = arith.addi %mul3A_62, %broadcast_in_dim3A_88 : vector<16xi32>
    tpu.vector_store_idx %arg9[%add3A_89], %get3A_56 : memref<2784xf32, #tpu.memory_space<vmem>>[vector<16xi32>], vector<16xf32>,
    %broadcast_in_dim3A_90 = arith.constant 9 : i32
    %broadcast_in_dim3A_91 = vector.broadcast %broadcast_in_dim3A_90 : i32 to vector<16xi32>
    %add3A_92 = arith.addi %mul3A_62, %broadcast_in_dim3A_91 : vector<16xi32>
    tpu.vector_store_idx %arg9[%add3A_92], %get3A_56 : memref<2784xf32, #tpu.memory_space<vmem>>[vector<16xi32>], vector<16xf32>,
    %broadcast_in_dim3A_93 = arith.constant 10 : i32
    %broadcast_in_dim3A_94 = vector.broadcast %broadcast_in_dim3A_93 : i32 to vector<16xi32>
    %add3A_95 = arith.addi %mul3A_62, %broadcast_in_dim3A_94 : vector<16xi32>
    tpu.vector_store_idx %arg9[%add3A_95], %get3A_56 : memref<2784xf32, #tpu.memory_space<vmem>>[vector<16xi32>], vector<16xf32>,
    %broadcast_in_dim3A_96 = arith.constant 11 : i32
    %broadcast_in_dim3A_97 = vector.broadcast %broadcast_in_dim3A_96 : i32 to vector<16xi32>
    %add3A_98 = arith.addi %mul3A_62, %broadcast_in_dim3A_97 : vector<16xi32>
    tpu.vector_store_idx %arg9[%add3A_98], %get3A_56 : memref<2784xf32, #tpu.memory_space<vmem>>[vector<16xi32>], vector<16xf32>,
    %broadcast_in_dim3A_99 = arith.constant 12 : i32
    %broadcast_in_dim3A_100 = vector.broadcast %broadcast_in_dim3A_99 : i32 to vector<16xi32>
    %add3A_101 = arith.addi %mul3A_62, %broadcast_in_dim3A_100 : vector<16xi32>
    tpu.vector_store_idx %arg9[%add3A_101], %get3A_56 : memref<2784xf32, #tpu.memory_space<vmem>>[vector<16xi32>], vector<16xf32>,
    %broadcast_in_dim3A_102 = arith.constant 13 : i32
    %broadcast_in_dim3A_103 = vector.broadcast %broadcast_in_dim3A_102 : i32 to vector<16xi32>
    %add3A_104 = arith.addi %mul3A_62, %broadcast_in_dim3A_103 : vector<16xi32>
    tpu.vector_store_idx %arg9[%add3A_104], %get3A_56 : memref<2784xf32, #tpu.memory_space<vmem>>[vector<16xi32>], vector<16xf32>,
    %broadcast_in_dim3A_105 = arith.constant 14 : i32
    %broadcast_in_dim3A_106 = vector.broadcast %broadcast_in_dim3A_105 : i32 to vector<16xi32>
    %add3A_107 = arith.addi %mul3A_62, %broadcast_in_dim3A_106 : vector<16xi32>
    tpu.vector_store_idx %arg9[%add3A_107], %get3A_56 : memref<2784xf32, #tpu.memory_space<vmem>>[vector<16xi32>], vector<16xf32>,
    %broadcast_in_dim3A_108 = arith.constant 15 : i32
    %broadcast_in_dim3A_109 = vector.broadcast %broadcast_in_dim3A_108 : i32 to vector<16xi32>
    %add3A_110 = arith.addi %mul3A_62, %broadcast_in_dim3A_109 : vector<16xi32>
    tpu.vector_store_idx %arg9[%add3A_110], %get3A_56 : memref<2784xf32, #tpu.memory_space<vmem>>[vector<16xi32>], vector<16xf32>,
    %get3A_111 = arith.constant 32 : index
    %get3A_112 = tpu.vector_load %arg8[%get3A_111] {strides = array<i32>} : memref<174xf32, #tpu.memory_space<vmem>>, vector<16xf32>,
    %broadcast_in_dim3A_113 = arith.constant 32 : i32
    %broadcast_in_dim3A_114 = vector.broadcast %broadcast_in_dim3A_113 : i32 to vector<16xi32>
    %add3A_115 = arith.addi %broadcast_in_dim3A_114, %iota3A : vector<16xi32>
    %broadcast_in_dim3A_116 = arith.constant 16 : i32
    %broadcast_in_dim3A_117 = vector.broadcast %broadcast_in_dim3A_116 : i32 to vector<16xi32>
    %mul3A_118 = arith.muli %add3A_115, %broadcast_in_dim3A_117 : vector<16xi32>
    %broadcast_in_dim3A_119 = arith.constant 0 : i32
    %broadcast_in_dim3A_120 = vector.broadcast %broadcast_in_dim3A_119 : i32 to vector<16xi32>
    %add3A_121 = arith.addi %mul3A_118, %broadcast_in_dim3A_120 : vector<16xi32>
    tpu.vector_store_idx %arg9[%add3A_121], %get3A_112 : memref<2784xf32, #tpu.memory_space<vmem>>[vector<16xi32>], vector<16xf32>,
    %broadcast_in_dim3A_122 = arith.constant 1 : i32
    %broadcast_in_dim3A_123 = vector.broadcast %broadcast_in_dim3A_122 : i32 to vector<16xi32>
    %add3A_124 = arith.addi %mul3A_118, %broadcast_in_dim3A_123 : vector<16xi32>
    tpu.vector_store_idx %arg9[%add3A_124], %get3A_112 : memref<2784xf32, #tpu.memory_space<vmem>>[vector<16xi32>], vector<16xf32>,
    %broadcast_in_dim3A_125 = arith.constant 2 : i32
    %broadcast_in_dim3A_126 = vector.broadcast %broadcast_in_dim3A_125 : i32 to vector<16xi32>
    %add3A_127 = arith.addi %mul3A_118, %broadcast_in_dim3A_126 : vector<16xi32>
    tpu.vector_store_idx %arg9[%add3A_127], %get3A_112 : memref<2784xf32, #tpu.memory_space<vmem>>[vector<16xi32>], vector<16xf32>,
    %broadcast_in_dim3A_128 = arith.constant 3 : i32
    %broadcast_in_dim3A_129 = vector.broadcast %broadcast_in_dim3A_128 : i32 to vector<16xi32>
    %add3A_130 = arith.addi %mul3A_118, %broadcast_in_dim3A_129 : vector<16xi32>
    tpu.vector_store_idx %arg9[%add3A_130], %get3A_112 : memref<2784xf32, #tpu.memory_space<vmem>>[vector<16xi32>], vector<16xf32>,
    %broadcast_in_dim3A_131 = arith.constant 4 : i32
    %broadcast_in_dim3A_132 = vector.broadcast %broadcast_in_dim3A_131 : i32 to vector<16xi32>
    %add3A_133 = arith.addi %mul3A_118, %broadcast_in_dim3A_132 : vector<16xi32>
    tpu.vector_store_idx %arg9[%add3A_133], %get3A_112 : memref<2784xf32, #tpu.memory_space<vmem>>[vector<16xi32>], vector<16xf32>,
    %broadcast_in_dim3A_134 = arith.constant 5 : i32
    %broadcast_in_dim3A_135 = vector.broadcast %broadcast_in_dim3A_134 : i32 to vector<16xi32>
    %add3A_136 = arith.addi %mul3A_118, %broadcast_in_dim3A_135 : vector<16xi32>
    tpu.vector_store_idx %arg9[%add3A_136], %get3A_112 : memref<2784xf32, #tpu.memory_space<vmem>>[vector<16xi32>], vector<16xf32>,
    %broadcast_in_dim3A_137 = arith.constant 6 : i32
    %broadcast_in_dim3A_138 = vector.broadcast %broadcast_in_dim3A_137 : i32 to vector<16xi32>
    %add3A_139 = arith.addi %mul3A_118, %broadcast_in_dim3A_138 : vector<16xi32>
    tpu.vector_store_idx %arg9[%add3A_139], %get3A_112 : memref<2784xf32, #tpu.memory_space<vmem>>[vector<16xi32>], vector<16xf32>,
    %broadcast_in_dim3A_140 = arith.constant 7 : i32
    %broadcast_in_dim3A_141 = vector.broadcast %broadcast_in_dim3A_140 : i32 to vector<16xi32>
    %add3A_142 = arith.addi %mul3A_118, %broadcast_in_dim3A_141 : vector<16xi32>
    tpu.vector_store_idx %arg9[%add3A_142], %get3A_112 : memref<2784xf32, #tpu.memory_space<vmem>>[vector<16xi32>], vector<16xf32>,
    %broadcast_in_dim3A_143 = arith.constant 8 : i32
    %broadcast_in_dim3A_144 = vector.broadcast %broadcast_in_dim3A_143 : i32 to vector<16xi32>
    %add3A_145 = arith.addi %mul3A_118, %broadcast_in_dim3A_144 : vector<16xi32>
    tpu.vector_store_idx %arg9[%add3A_145], %get3A_112 : memref<2784xf32, #tpu.memory_space<vmem>>[vector<16xi32>], vector<16xf32>,
    %broadcast_in_dim3A_146 = arith.constant 9 : i32
    %broadcast_in_dim3A_147 = vector.broadcast %broadcast_in_dim3A_146 : i32 to vector<16xi32>
    %add3A_148 = arith.addi %mul3A_118, %broadcast_in_dim3A_147 : vector<16xi32>
    tpu.vector_store_idx %arg9[%add3A_148], %get3A_112 : memref<2784xf32, #tpu.memory_space<vmem>>[vector<16xi32>], vector<16xf32>,
    %broadcast_in_dim3A_149 = arith.constant 10 : i32
    %broadcast_in_dim3A_150 = vector.broadcast %broadcast_in_dim3A_149 : i32 to vector<16xi32>
    %add3A_151 = arith.addi %mul3A_118, %broadcast_in_dim3A_150 : vector<16xi32>
    tpu.vector_store_idx %arg9[%add3A_151], %get3A_112 : memref<2784xf32, #tpu.memory_space<vmem>>[vector<16xi32>], vector<16xf32>,
    %broadcast_in_dim3A_152 = arith.constant 11 : i32
    %broadcast_in_dim3A_153 = vector.broadcast %broadcast_in_dim3A_152 : i32 to vector<16xi32>
    %add3A_154 = arith.addi %mul3A_118, %broadcast_in_dim3A_153 : vector<16xi32>
    tpu.vector_store_idx %arg9[%add3A_154], %get3A_112 : memref<2784xf32, #tpu.memory_space<vmem>>[vector<16xi32>], vector<16xf32>,
    %broadcast_in_dim3A_155 = arith.constant 12 : i32
    %broadcast_in_dim3A_156 = vector.broadcast %broadcast_in_dim3A_155 : i32 to vector<16xi32>
    %add3A_157 = arith.addi %mul3A_118, %broadcast_in_dim3A_156 : vector<16xi32>
    tpu.vector_store_idx %arg9[%add3A_157], %get3A_112 : memref<2784xf32, #tpu.memory_space<vmem>>[vector<16xi32>], vector<16xf32>,
    %broadcast_in_dim3A_158 = arith.constant 13 : i32
    %broadcast_in_dim3A_159 = vector.broadcast %broadcast_in_dim3A_158 : i32 to vector<16xi32>
    %add3A_160 = arith.addi %mul3A_118, %broadcast_in_dim3A_159 : vector<16xi32>
    tpu.vector_store_idx %arg9[%add3A_160], %get3A_112 : memref<2784xf32, #tpu.memory_space<vmem>>[vector<16xi32>], vector<16xf32>,
    %broadcast_in_dim3A_161 = arith.constant 14 : i32
    %broadcast_in_dim3A_162 = vector.broadcast %broadcast_in_dim3A_161 : i32 to vector<16xi32>
    %add3A_163 = arith.addi %mul3A_118, %broadcast_in_dim3A_162 : vector<16xi32>
    tpu.vector_store_idx %arg9[%add3A_163], %get3A_112 : memref<2784xf32, #tpu.memory_space<vmem>>[vector<16xi32>], vector<16xf32>,
    %broadcast_in_dim3A_164 = arith.constant 15 : i32
    %broadcast_in_dim3A_165 = vector.broadcast %broadcast_in_dim3A_164 : i32 to vector<16xi32>
    %add3A_166 = arith.addi %mul3A_118, %broadcast_in_dim3A_165 : vector<16xi32>
    tpu.vector_store_idx %arg9[%add3A_166], %get3A_112 : memref<2784xf32, #tpu.memory_space<vmem>>[vector<16xi32>], vector<16xf32>,
    %get3A_167 = arith.constant 48 : index
    %get3A_168 = tpu.vector_load %arg8[%get3A_167] {strides = array<i32>} : memref<174xf32, #tpu.memory_space<vmem>>, vector<16xf32>,
    %broadcast_in_dim3A_169 = arith.constant 48 : i32
    %broadcast_in_dim3A_170 = vector.broadcast %broadcast_in_dim3A_169 : i32 to vector<16xi32>
    %add3A_171 = arith.addi %broadcast_in_dim3A_170, %iota3A : vector<16xi32>
    %broadcast_in_dim3A_172 = arith.constant 16 : i32
    %broadcast_in_dim3A_173 = vector.broadcast %broadcast_in_dim3A_172 : i32 to vector<16xi32>
    %mul3A_174 = arith.muli %add3A_171, %broadcast_in_dim3A_173 : vector<16xi32>
    %broadcast_in_dim3A_175 = arith.constant 0 : i32
    %broadcast_in_dim3A_176 = vector.broadcast %broadcast_in_dim3A_175 : i32 to vector<16xi32>
    %add3A_177 = arith.addi %mul3A_174, %broadcast_in_dim3A_176 : vector<16xi32>
    tpu.vector_store_idx %arg9[%add3A_177], %get3A_168 : memref<2784xf32, #tpu.memory_space<vmem>>[vector<16xi32>], vector<16xf32>,
    %broadcast_in_dim3A_178 = arith.constant 1 : i32
    %broadcast_in_dim3A_179 = vector.broadcast %broadcast_in_dim3A_178 : i32 to vector<16xi32>
    %add3A_180 = arith.addi %mul3A_174, %broadcast_in_dim3A_179 : vector<16xi32>
    tpu.vector_store_idx %arg9[%add3A_180], %get3A_168 : memref<2784xf32, #tpu.memory_space<vmem>>[vector<16xi32>], vector<16xf32>,
    %broadcast_in_dim3A_181 = arith.constant 2 : i32
    %broadcast_in_dim3A_182 = vector.broadcast %broadcast_in_dim3A_181 : i32 to vector<16xi32>
    %add3A_183 = arith.addi %mul3A_174, %broadcast_in_dim3A_182 : vector<16xi32>
    tpu.vector_store_idx %arg9[%add3A_183], %get3A_168 : memref<2784xf32, #tpu.memory_space<vmem>>[vector<16xi32>], vector<16xf32>,
    %broadcast_in_dim3A_184 = arith.constant 3 : i32
    %broadcast_in_dim3A_185 = vector.broadcast %broadcast_in_dim3A_184 : i32 to vector<16xi32>
    %add3A_186 = arith.addi %mul3A_174, %broadcast_in_dim3A_185 : vector<16xi32>
    tpu.vector_store_idx %arg9[%add3A_186], %get3A_168 : memref<2784xf32, #tpu.memory_space<vmem>>[vector<16xi32>], vector<16xf32>,
    %broadcast_in_dim3A_187 = arith.constant 4 : i32
    %broadcast_in_dim3A_188 = vector.broadcast %broadcast_in_dim3A_187 : i32 to vector<16xi32>
    %add3A_189 = arith.addi %mul3A_174, %broadcast_in_dim3A_188 : vector<16xi32>
    tpu.vector_store_idx %arg9[%add3A_189], %get3A_168 : memref<2784xf32, #tpu.memory_space<vmem>>[vector<16xi32>], vector<16xf32>,
    %broadcast_in_dim3A_190 = arith.constant 5 : i32
    %broadcast_in_dim3A_191 = vector.broadcast %broadcast_in_dim3A_190 : i32 to vector<16xi32>
    %add3A_192 = arith.addi %mul3A_174, %broadcast_in_dim3A_191 : vector<16xi32>
    tpu.vector_store_idx %arg9[%add3A_192], %get3A_168 : memref<2784xf32, #tpu.memory_space<vmem>>[vector<16xi32>], vector<16xf32>,
    %broadcast_in_dim3A_193 = arith.constant 6 : i32
    %broadcast_in_dim3A_194 = vector.broadcast %broadcast_in_dim3A_193 : i32 to vector<16xi32>
    %add3A_195 = arith.addi %mul3A_174, %broadcast_in_dim3A_194 : vector<16xi32>
    tpu.vector_store_idx %arg9[%add3A_195], %get3A_168 : memref<2784xf32, #tpu.memory_space<vmem>>[vector<16xi32>], vector<16xf32>,
    %broadcast_in_dim3A_196 = arith.constant 7 : i32
    %broadcast_in_dim3A_197 = vector.broadcast %broadcast_in_dim3A_196 : i32 to vector<16xi32>
    %add3A_198 = arith.addi %mul3A_174, %broadcast_in_dim3A_197 : vector<16xi32>
    tpu.vector_store_idx %arg9[%add3A_198], %get3A_168 : memref<2784xf32, #tpu.memory_space<vmem>>[vector<16xi32>], vector<16xf32>,
    %broadcast_in_dim3A_199 = arith.constant 8 : i32
    %broadcast_in_dim3A_200 = vector.broadcast %broadcast_in_dim3A_199 : i32 to vector<16xi32>
    %add3A_201 = arith.addi %mul3A_174, %broadcast_in_dim3A_200 : vector<16xi32>
    tpu.vector_store_idx %arg9[%add3A_201], %get3A_168 : memref<2784xf32, #tpu.memory_space<vmem>>[vector<16xi32>], vector<16xf32>,
    %broadcast_in_dim3A_202 = arith.constant 9 : i32
    %broadcast_in_dim3A_203 = vector.broadcast %broadcast_in_dim3A_202 : i32 to vector<16xi32>
    %add3A_204 = arith.addi %mul3A_174, %broadcast_in_dim3A_203 : vector<16xi32>
    tpu.vector_store_idx %arg9[%add3A_204], %get3A_168 : memref<2784xf32, #tpu.memory_space<vmem>>[vector<16xi32>], vector<16xf32>,
    %broadcast_in_dim3A_205 = arith.constant 10 : i32
    %broadcast_in_dim3A_206 = vector.broadcast %broadcast_in_dim3A_205 : i32 to vector<16xi32>
    %add3A_207 = arith.addi %mul3A_174, %broadcast_in_dim3A_206 : vector<16xi32>
    tpu.vector_store_idx %arg9[%add3A_207], %get3A_168 : memref<2784xf32, #tpu.memory_space<vmem>>[vector<16xi32>], vector<16xf32>,
    %broadcast_in_dim3A_208 = arith.constant 11 : i32
    %broadcast_in_dim3A_209 = vector.broadcast %broadcast_in_dim3A_208 : i32 to vector<16xi32>
    %add3A_210 = arith.addi %mul3A_174, %broadcast_in_dim3A_209 : vector<16xi32>
    tpu.vector_store_idx %arg9[%add3A_210], %get3A_168 : memref<2784xf32, #tpu.memory_space<vmem>>[vector<16xi32>], vector<16xf32>,
    %broadcast_in_dim3A_211 = arith.constant 12 : i32
    %broadcast_in_dim3A_212 = vector.broadcast %broadcast_in_dim3A_211 : i32 to vector<16xi32>
    %add3A_213 = arith.addi %mul3A_174, %broadcast_in_dim3A_212 : vector<16xi32>
    tpu.vector_store_idx %arg9[%add3A_213], %get3A_168 : memref<2784xf32, #tpu.memory_space<vmem>>[vector<16xi32>], vector<16xf32>,
    %broadcast_in_dim3A_214 = arith.constant 13 : i32
    %broadcast_in_dim3A_215 = vector.broadcast %broadcast_in_dim3A_214 : i32 to vector<16xi32>
    %add3A_216 = arith.addi %mul3A_174, %broadcast_in_dim3A_215 : vector<16xi32>
    tpu.vector_store_idx %arg9[%add3A_216], %get3A_168 : memref<2784xf32, #tpu.memory_space<vmem>>[vector<16xi32>], vector<16xf32>,
    %broadcast_in_dim3A_217 = arith.constant 14 : i32
    %broadcast_in_dim3A_218 = vector.broadcast %broadcast_in_dim3A_217 : i32 to vector<16xi32>
    %add3A_219 = arith.addi %mul3A_174, %broadcast_in_dim3A_218 : vector<16xi32>
    tpu.vector_store_idx %arg9[%add3A_219], %get3A_168 : memref<2784xf32, #tpu.memory_space<vmem>>[vector<16xi32>], vector<16xf32>,
    %broadcast_in_dim3A_220 = arith.constant 15 : i32
    %broadcast_in_dim3A_221 = vector.broadcast %broadcast_in_dim3A_220 : i32 to vector<16xi32>
    %add3A_222 = arith.addi %mul3A_174, %broadcast_in_dim3A_221 : vector<16xi32>
    tpu.vector_store_idx %arg9[%add3A_222], %get3A_168 : memref<2784xf32, #tpu.memory_space<vmem>>[vector<16xi32>], vector<16xf32>,
    %get3A_223 = arith.constant 64 : index
    %get3A_224 = tpu.vector_load %arg8[%get3A_223] {strides = array<i32>} : memref<174xf32, #tpu.memory_space<vmem>>, vector<16xf32>,
    %broadcast_in_dim3A_225 = arith.constant 64 : i32
    %broadcast_in_dim3A_226 = vector.broadcast %broadcast_in_dim3A_225 : i32 to vector<16xi32>
    %add3A_227 = arith.addi %broadcast_in_dim3A_226, %iota3A : vector<16xi32>
    %broadcast_in_dim3A_228 = arith.constant 16 : i32
    %broadcast_in_dim3A_229 = vector.broadcast %broadcast_in_dim3A_228 : i32 to vector<16xi32>
    %mul3A_230 = arith.muli %add3A_227, %broadcast_in_dim3A_229 : vector<16xi32>
    %broadcast_in_dim3A_231 = arith.constant 0 : i32
    %broadcast_in_dim3A_232 = vector.broadcast %broadcast_in_dim3A_231 : i32 to vector<16xi32>
    %add3A_233 = arith.addi %mul3A_230, %broadcast_in_dim3A_232 : vector<16xi32>
    tpu.vector_store_idx %arg9[%add3A_233], %get3A_224 : memref<2784xf32, #tpu.memory_space<vmem>>[vector<16xi32>], vector<16xf32>,
    %broadcast_in_dim3A_234 = arith.constant 1 : i32
    %broadcast_in_dim3A_235 = vector.broadcast %broadcast_in_dim3A_234 : i32 to vector<16xi32>
    %add3A_236 = arith.addi %mul3A_230, %broadcast_in_dim3A_235 : vector<16xi32>
    tpu.vector_store_idx %arg9[%add3A_236], %get3A_224 : memref<2784xf32, #tpu.memory_space<vmem>>[vector<16xi32>], vector<16xf32>,
    %broadcast_in_dim3A_237 = arith.constant 2 : i32
    %broadcast_in_dim3A_238 = vector.broadcast %broadcast_in_dim3A_237 : i32 to vector<16xi32>
    %add3A_239 = arith.addi %mul3A_230, %broadcast_in_dim3A_238 : vector<16xi32>
    tpu.vector_store_idx %arg9[%add3A_239], %get3A_224 : memref<2784xf32, #tpu.memory_space<vmem>>[vector<16xi32>], vector<16xf32>,
    %broadcast_in_dim3A_240 = arith.constant 3 : i32
    %broadcast_in_dim3A_241 = vector.broadcast %broadcast_in_dim3A_240 : i32 to vector<16xi32>
    %add3A_242 = arith.addi %mul3A_230, %broadcast_in_dim3A_241 : vector<16xi32>
    tpu.vector_store_idx %arg9[%add3A_242], %get3A_224 : memref<2784xf32, #tpu.memory_space<vmem>>[vector<16xi32>], vector<16xf32>,
    %broadcast_in_dim3A_243 = arith.constant 4 : i32
    %broadcast_in_dim3A_244 = vector.broadcast %broadcast_in_dim3A_243 : i32 to vector<16xi32>
    %add3A_245 = arith.addi %mul3A_230, %broadcast_in_dim3A_244 : vector<16xi32>
    tpu.vector_store_idx %arg9[%add3A_245], %get3A_224 : memref<2784xf32, #tpu.memory_space<vmem>>[vector<16xi32>], vector<16xf32>,
    %broadcast_in_dim3A_246 = arith.constant 5 : i32
    %broadcast_in_dim3A_247 = vector.broadcast %broadcast_in_dim3A_246 : i32 to vector<16xi32>
    %add3A_248 = arith.addi %mul3A_230, %broadcast_in_dim3A_247 : vector<16xi32>
    tpu.vector_store_idx %arg9[%add3A_248], %get3A_224 : memref<2784xf32, #tpu.memory_space<vmem>>[vector<16xi32>], vector<16xf32>,
    %broadcast_in_dim3A_249 = arith.constant 6 : i32
    %broadcast_in_dim3A_250 = vector.broadcast %broadcast_in_dim3A_249 : i32 to vector<16xi32>
    %add3A_251 = arith.addi %mul3A_230, %broadcast_in_dim3A_250 : vector<16xi32>
    tpu.vector_store_idx %arg9[%add3A_251], %get3A_224 : memref<2784xf32, #tpu.memory_space<vmem>>[vector<16xi32>], vector<16xf32>,
    %broadcast_in_dim3A_252 = arith.constant 7 : i32
    %broadcast_in_dim3A_253 = vector.broadcast %broadcast_in_dim3A_252 : i32 to vector<16xi32>
    %add3A_254 = arith.addi %mul3A_230, %broadcast_in_dim3A_253 : vector<16xi32>
    tpu.vector_store_idx %arg9[%add3A_254], %get3A_224 : memref<2784xf32, #tpu.memory_space<vmem>>[vector<16xi32>], vector<16xf32>,
    %broadcast_in_dim3A_255 = arith.constant 8 : i32
    %broadcast_in_dim3A_256 = vector.broadcast %broadcast_in_dim3A_255 : i32 to vector<16xi32>
    %add3A_257 = arith.addi %mul3A_230, %broadcast_in_dim3A_256 : vector<16xi32>
    tpu.vector_store_idx %arg9[%add3A_257], %get3A_224 : memref<2784xf32, #tpu.memory_space<vmem>>[vector<16xi32>], vector<16xf32>,
    %broadcast_in_dim3A_258 = arith.constant 9 : i32
    %broadcast_in_dim3A_259 = vector.broadcast %broadcast_in_dim3A_258 : i32 to vector<16xi32>
    %add3A_260 = arith.addi %mul3A_230, %broadcast_in_dim3A_259 : vector<16xi32>
    tpu.vector_store_idx %arg9[%add3A_260], %get3A_224 : memref<2784xf32, #tpu.memory_space<vmem>>[vector<16xi32>], vector<16xf32>,
    %broadcast_in_dim3A_261 = arith.constant 10 : i32
    %broadcast_in_dim3A_262 = vector.broadcast %broadcast_in_dim3A_261 : i32 to vector<16xi32>
    %add3A_263 = arith.addi %mul3A_230, %broadcast_in_dim3A_262 : vector<16xi32>
    tpu.vector_store_idx %arg9[%add3A_263], %get3A_224 : memref<2784xf32, #tpu.memory_space<vmem>>[vector<16xi32>], vector<16xf32>,
    %broadcast_in_dim3A_264 = arith.constant 11 : i32
    %broadcast_in_dim3A_265 = vector.broadcast %broadcast_in_dim3A_264 : i32 to vector<16xi32>
    %add3A_266 = arith.addi %mul3A_230, %broadcast_in_dim3A_265 : vector<16xi32>
    tpu.vector_store_idx %arg9[%add3A_266], %get3A_224 : memref<2784xf32, #tpu.memory_space<vmem>>[vector<16xi32>], vector<16xf32>,
    %broadcast_in_dim3A_267 = arith.constant 12 : i32
    %broadcast_in_dim3A_268 = vector.broadcast %broadcast_in_dim3A_267 : i32 to vector<16xi32>
    %add3A_269 = arith.addi %mul3A_230, %broadcast_in_dim3A_268 : vector<16xi32>
    tpu.vector_store_idx %arg9[%add3A_269], %get3A_224 : memref<2784xf32, #tpu.memory_space<vmem>>[vector<16xi32>], vector<16xf32>,
    %broadcast_in_dim3A_270 = arith.constant 13 : i32
    %broadcast_in_dim3A_271 = vector.broadcast %broadcast_in_dim3A_270 : i32 to vector<16xi32>
    %add3A_272 = arith.addi %mul3A_230, %broadcast_in_dim3A_271 : vector<16xi32>
    tpu.vector_store_idx %arg9[%add3A_272], %get3A_224 : memref<2784xf32, #tpu.memory_space<vmem>>[vector<16xi32>], vector<16xf32>,
    %broadcast_in_dim3A_273 = arith.constant 14 : i32
    %broadcast_in_dim3A_274 = vector.broadcast %broadcast_in_dim3A_273 : i32 to vector<16xi32>
    %add3A_275 = arith.addi %mul3A_230, %broadcast_in_dim3A_274 : vector<16xi32>
    tpu.vector_store_idx %arg9[%add3A_275], %get3A_224 : memref<2784xf32, #tpu.memory_space<vmem>>[vector<16xi32>], vector<16xf32>,
    %broadcast_in_dim3A_276 = arith.constant 15 : i32
    %broadcast_in_dim3A_277 = vector.broadcast %broadcast_in_dim3A_276 : i32 to vector<16xi32>
    %add3A_278 = arith.addi %mul3A_230, %broadcast_in_dim3A_277 : vector<16xi32>
    tpu.vector_store_idx %arg9[%add3A_278], %get3A_224 : memref<2784xf32, #tpu.memory_space<vmem>>[vector<16xi32>], vector<16xf32>,
    %get3A_279 = arith.constant 80 : index
    %get3A_280 = tpu.vector_load %arg8[%get3A_279] {strides = array<i32>} : memref<174xf32, #tpu.memory_space<vmem>>, vector<16xf32>,
    %broadcast_in_dim3A_281 = arith.constant 80 : i32
    %broadcast_in_dim3A_282 = vector.broadcast %broadcast_in_dim3A_281 : i32 to vector<16xi32>
    %add3A_283 = arith.addi %broadcast_in_dim3A_282, %iota3A : vector<16xi32>
    %broadcast_in_dim3A_284 = arith.constant 16 : i32
    %broadcast_in_dim3A_285 = vector.broadcast %broadcast_in_dim3A_284 : i32 to vector<16xi32>
    %mul3A_286 = arith.muli %add3A_283, %broadcast_in_dim3A_285 : vector<16xi32>
    %broadcast_in_dim3A_287 = arith.constant 0 : i32
    %broadcast_in_dim3A_288 = vector.broadcast %broadcast_in_dim3A_287 : i32 to vector<16xi32>
    %add3A_289 = arith.addi %mul3A_286, %broadcast_in_dim3A_288 : vector<16xi32>
    tpu.vector_store_idx %arg9[%add3A_289], %get3A_280 : memref<2784xf32, #tpu.memory_space<vmem>>[vector<16xi32>], vector<16xf32>,
    %broadcast_in_dim3A_290 = arith.constant 1 : i32
    %broadcast_in_dim3A_291 = vector.broadcast %broadcast_in_dim3A_290 : i32 to vector<16xi32>
    %add3A_292 = arith.addi %mul3A_286, %broadcast_in_dim3A_291 : vector<16xi32>
    tpu.vector_store_idx %arg9[%add3A_292], %get3A_280 : memref<2784xf32, #tpu.memory_space<vmem>>[vector<16xi32>], vector<16xf32>,
    %broadcast_in_dim3A_293 = arith.constant 2 : i32
    %broadcast_in_dim3A_294 = vector.broadcast %broadcast_in_dim3A_293 : i32 to vector<16xi32>
    %add3A_295 = arith.addi %mul3A_286, %broadcast_in_dim3A_294 : vector<16xi32>
    tpu.vector_store_idx %arg9[%add3A_295], %get3A_280 : memref<2784xf32, #tpu.memory_space<vmem>>[vector<16xi32>], vector<16xf32>,
    %broadcast_in_dim3A_296 = arith.constant 3 : i32
    %broadcast_in_dim3A_297 = vector.broadcast %broadcast_in_dim3A_296 : i32 to vector<16xi32>
    %add3A_298 = arith.addi %mul3A_286, %broadcast_in_dim3A_297 : vector<16xi32>
    tpu.vector_store_idx %arg9[%add3A_298], %get3A_280 : memref<2784xf32, #tpu.memory_space<vmem>>[vector<16xi32>], vector<16xf32>,
    %broadcast_in_dim3A_299 = arith.constant 4 : i32
    %broadcast_in_dim3A_300 = vector.broadcast %broadcast_in_dim3A_299 : i32 to vector<16xi32>
    %add3A_301 = arith.addi %mul3A_286, %broadcast_in_dim3A_300 : vector<16xi32>
    tpu.vector_store_idx %arg9[%add3A_301], %get3A_280 : memref<2784xf32, #tpu.memory_space<vmem>>[vector<16xi32>], vector<16xf32>,
    %broadcast_in_dim3A_302 = arith.constant 5 : i32
    %broadcast_in_dim3A_303 = vector.broadcast %broadcast_in_dim3A_302 : i32 to vector<16xi32>
    %add3A_304 = arith.addi %mul3A_286, %broadcast_in_dim3A_303 : vector<16xi32>
    tpu.vector_store_idx %arg9[%add3A_304], %get3A_280 : memref<2784xf32, #tpu.memory_space<vmem>>[vector<16xi32>], vector<16xf32>,
    %broadcast_in_dim3A_305 = arith.constant 6 : i32
    %broadcast_in_dim3A_306 = vector.broadcast %broadcast_in_dim3A_305 : i32 to vector<16xi32>
    %add3A_307 = arith.addi %mul3A_286, %broadcast_in_dim3A_306 : vector<16xi32>
    tpu.vector_store_idx %arg9[%add3A_307], %get3A_280 : memref<2784xf32, #tpu.memory_space<vmem>>[vector<16xi32>], vector<16xf32>,
    %broadcast_in_dim3A_308 = arith.constant 7 : i32
    %broadcast_in_dim3A_309 = vector.broadcast %broadcast_in_dim3A_308 : i32 to vector<16xi32>
    %add3A_310 = arith.addi %mul3A_286, %broadcast_in_dim3A_309 : vector<16xi32>
    tpu.vector_store_idx %arg9[%add3A_310], %get3A_280 : memref<2784xf32, #tpu.memory_space<vmem>>[vector<16xi32>], vector<16xf32>,
    %broadcast_in_dim3A_311 = arith.constant 8 : i32
    %broadcast_in_dim3A_312 = vector.broadcast %broadcast_in_dim3A_311 : i32 to vector<16xi32>
    %add3A_313 = arith.addi %mul3A_286, %broadcast_in_dim3A_312 : vector<16xi32>
    tpu.vector_store_idx %arg9[%add3A_313], %get3A_280 : memref<2784xf32, #tpu.memory_space<vmem>>[vector<16xi32>], vector<16xf32>,
    %broadcast_in_dim3A_314 = arith.constant 9 : i32
    %broadcast_in_dim3A_315 = vector.broadcast %broadcast_in_dim3A_314 : i32 to vector<16xi32>
    %add3A_316 = arith.addi %mul3A_286, %broadcast_in_dim3A_315 : vector<16xi32>
    tpu.vector_store_idx %arg9[%add3A_316], %get3A_280 : memref<2784xf32, #tpu.memory_space<vmem>>[vector<16xi32>], vector<16xf32>,
    %broadcast_in_dim3A_317 = arith.constant 10 : i32
    %broadcast_in_dim3A_318 = vector.broadcast %broadcast_in_dim3A_317 : i32 to vector<16xi32>
    %add3A_319 = arith.addi %mul3A_286, %broadcast_in_dim3A_318 : vector<16xi32>
    tpu.vector_store_idx %arg9[%add3A_319], %get3A_280 : memref<2784xf32, #tpu.memory_space<vmem>>[vector<16xi32>], vector<16xf32>,
    %broadcast_in_dim3A_320 = arith.constant 11 : i32
    %broadcast_in_dim3A_321 = vector.broadcast %broadcast_in_dim3A_320 : i32 to vector<16xi32>
    %add3A_322 = arith.addi %mul3A_286, %broadcast_in_dim3A_321 : vector<16xi32>
    tpu.vector_store_idx %arg9[%add3A_322], %get3A_280 : memref<2784xf32, #tpu.memory_space<vmem>>[vector<16xi32>], vector<16xf32>,
    %broadcast_in_dim3A_323 = arith.constant 12 : i32
    %broadcast_in_dim3A_324 = vector.broadcast %broadcast_in_dim3A_323 : i32 to vector<16xi32>
    %add3A_325 = arith.addi %mul3A_286, %broadcast_in_dim3A_324 : vector<16xi32>
    tpu.vector_store_idx %arg9[%add3A_325], %get3A_280 : memref<2784xf32, #tpu.memory_space<vmem>>[vector<16xi32>], vector<16xf32>,
    %broadcast_in_dim3A_326 = arith.constant 13 : i32
    %broadcast_in_dim3A_327 = vector.broadcast %broadcast_in_dim3A_326 : i32 to vector<16xi32>
    %add3A_328 = arith.addi %mul3A_286, %broadcast_in_dim3A_327 : vector<16xi32>
    tpu.vector_store_idx %arg9[%add3A_328], %get3A_280 : memref<2784xf32, #tpu.memory_space<vmem>>[vector<16xi32>], vector<16xf32>,
    %broadcast_in_dim3A_329 = arith.constant 14 : i32
    %broadcast_in_dim3A_330 = vector.broadcast %broadcast_in_dim3A_329 : i32 to vector<16xi32>
    %add3A_331 = arith.addi %mul3A_286, %broadcast_in_dim3A_330 : vector<16xi32>
    tpu.vector_store_idx %arg9[%add3A_331], %get3A_280 : memref<2784xf32, #tpu.memory_space<vmem>>[vector<16xi32>], vector<16xf32>,
    %broadcast_in_dim3A_332 = arith.constant 15 : i32
    %broadcast_in_dim3A_333 = vector.broadcast %broadcast_in_dim3A_332 : i32 to vector<16xi32>
    %add3A_334 = arith.addi %mul3A_286, %broadcast_in_dim3A_333 : vector<16xi32>
    tpu.vector_store_idx %arg9[%add3A_334], %get3A_280 : memref<2784xf32, #tpu.memory_space<vmem>>[vector<16xi32>], vector<16xf32>,
    %get3A_335 = arith.constant 96 : index
    %get3A_336 = tpu.vector_load %arg8[%get3A_335] {strides = array<i32>} : memref<174xf32, #tpu.memory_space<vmem>>, vector<16xf32>,
    %broadcast_in_dim3A_337 = arith.constant 96 : i32
    %broadcast_in_dim3A_338 = vector.broadcast %broadcast_in_dim3A_337 : i32 to vector<16xi32>
    %add3A_339 = arith.addi %broadcast_in_dim3A_338, %iota3A : vector<16xi32>
    %broadcast_in_dim3A_340 = arith.constant 16 : i32
    %broadcast_in_dim3A_341 = vector.broadcast %broadcast_in_dim3A_340 : i32 to vector<16xi32>
    %mul3A_342 = arith.muli %add3A_339, %broadcast_in_dim3A_341 : vector<16xi32>
    %broadcast_in_dim3A_343 = arith.constant 0 : i32
    %broadcast_in_dim3A_344 = vector.broadcast %broadcast_in_dim3A_343 : i32 to vector<16xi32>
    %add3A_345 = arith.addi %mul3A_342, %broadcast_in_dim3A_344 : vector<16xi32>
    tpu.vector_store_idx %arg9[%add3A_345], %get3A_336 : memref<2784xf32, #tpu.memory_space<vmem>>[vector<16xi32>], vector<16xf32>,
    %broadcast_in_dim3A_346 = arith.constant 1 : i32
    %broadcast_in_dim3A_347 = vector.broadcast %broadcast_in_dim3A_346 : i32 to vector<16xi32>
    %add3A_348 = arith.addi %mul3A_342, %broadcast_in_dim3A_347 : vector<16xi32>
    tpu.vector_store_idx %arg9[%add3A_348], %get3A_336 : memref<2784xf32, #tpu.memory_space<vmem>>[vector<16xi32>], vector<16xf32>,
    %broadcast_in_dim3A_349 = arith.constant 2 : i32
    %broadcast_in_dim3A_350 = vector.broadcast %broadcast_in_dim3A_349 : i32 to vector<16xi32>
    %add3A_351 = arith.addi %mul3A_342, %broadcast_in_dim3A_350 : vector<16xi32>
    tpu.vector_store_idx %arg9[%add3A_351], %get3A_336 : memref<2784xf32, #tpu.memory_space<vmem>>[vector<16xi32>], vector<16xf32>,
    %broadcast_in_dim3A_352 = arith.constant 3 : i32
    %broadcast_in_dim3A_353 = vector.broadcast %broadcast_in_dim3A_352 : i32 to vector<16xi32>
    %add3A_354 = arith.addi %mul3A_342, %broadcast_in_dim3A_353 : vector<16xi32>
    tpu.vector_store_idx %arg9[%add3A_354], %get3A_336 : memref<2784xf32, #tpu.memory_space<vmem>>[vector<16xi32>], vector<16xf32>,
    %broadcast_in_dim3A_355 = arith.constant 4 : i32
    %broadcast_in_dim3A_356 = vector.broadcast %broadcast_in_dim3A_355 : i32 to vector<16xi32>
    %add3A_357 = arith.addi %mul3A_342, %broadcast_in_dim3A_356 : vector<16xi32>
    tpu.vector_store_idx %arg9[%add3A_357], %get3A_336 : memref<2784xf32, #tpu.memory_space<vmem>>[vector<16xi32>], vector<16xf32>,
    %broadcast_in_dim3A_358 = arith.constant 5 : i32
    %broadcast_in_dim3A_359 = vector.broadcast %broadcast_in_dim3A_358 : i32 to vector<16xi32>
    %add3A_360 = arith.addi %mul3A_342, %broadcast_in_dim3A_359 : vector<16xi32>
    tpu.vector_store_idx %arg9[%add3A_360], %get3A_336 : memref<2784xf32, #tpu.memory_space<vmem>>[vector<16xi32>], vector<16xf32>,
    %broadcast_in_dim3A_361 = arith.constant 6 : i32
    %broadcast_in_dim3A_362 = vector.broadcast %broadcast_in_dim3A_361 : i32 to vector<16xi32>
    %add3A_363 = arith.addi %mul3A_342, %broadcast_in_dim3A_362 : vector<16xi32>
    tpu.vector_store_idx %arg9[%add3A_363], %get3A_336 : memref<2784xf32, #tpu.memory_space<vmem>>[vector<16xi32>], vector<16xf32>,
    %broadcast_in_dim3A_364 = arith.constant 7 : i32
    %broadcast_in_dim3A_365 = vector.broadcast %broadcast_in_dim3A_364 : i32 to vector<16xi32>
    %add3A_366 = arith.addi %mul3A_342, %broadcast_in_dim3A_365 : vector<16xi32>
    tpu.vector_store_idx %arg9[%add3A_366], %get3A_336 : memref<2784xf32, #tpu.memory_space<vmem>>[vector<16xi32>], vector<16xf32>,
    %broadcast_in_dim3A_367 = arith.constant 8 : i32
    %broadcast_in_dim3A_368 = vector.broadcast %broadcast_in_dim3A_367 : i32 to vector<16xi32>
    %add3A_369 = arith.addi %mul3A_342, %broadcast_in_dim3A_368 : vector<16xi32>
    tpu.vector_store_idx %arg9[%add3A_369], %get3A_336 : memref<2784xf32, #tpu.memory_space<vmem>>[vector<16xi32>], vector<16xf32>,
    %broadcast_in_dim3A_370 = arith.constant 9 : i32
    %broadcast_in_dim3A_371 = vector.broadcast %broadcast_in_dim3A_370 : i32 to vector<16xi32>
    %add3A_372 = arith.addi %mul3A_342, %broadcast_in_dim3A_371 : vector<16xi32>
    tpu.vector_store_idx %arg9[%add3A_372], %get3A_336 : memref<2784xf32, #tpu.memory_space<vmem>>[vector<16xi32>], vector<16xf32>,
    %broadcast_in_dim3A_373 = arith.constant 10 : i32
    %broadcast_in_dim3A_374 = vector.broadcast %broadcast_in_dim3A_373 : i32 to vector<16xi32>
    %add3A_375 = arith.addi %mul3A_342, %broadcast_in_dim3A_374 : vector<16xi32>
    tpu.vector_store_idx %arg9[%add3A_375], %get3A_336 : memref<2784xf32, #tpu.memory_space<vmem>>[vector<16xi32>], vector<16xf32>,
    %broadcast_in_dim3A_376 = arith.constant 11 : i32
    %broadcast_in_dim3A_377 = vector.broadcast %broadcast_in_dim3A_376 : i32 to vector<16xi32>
    %add3A_378 = arith.addi %mul3A_342, %broadcast_in_dim3A_377 : vector<16xi32>
    tpu.vector_store_idx %arg9[%add3A_378], %get3A_336 : memref<2784xf32, #tpu.memory_space<vmem>>[vector<16xi32>], vector<16xf32>,
    %broadcast_in_dim3A_379 = arith.constant 12 : i32
    %broadcast_in_dim3A_380 = vector.broadcast %broadcast_in_dim3A_379 : i32 to vector<16xi32>
    %add3A_381 = arith.addi %mul3A_342, %broadcast_in_dim3A_380 : vector<16xi32>
    tpu.vector_store_idx %arg9[%add3A_381], %get3A_336 : memref<2784xf32, #tpu.memory_space<vmem>>[vector<16xi32>], vector<16xf32>,
    %broadcast_in_dim3A_382 = arith.constant 13 : i32
    %broadcast_in_dim3A_383 = vector.broadcast %broadcast_in_dim3A_382 : i32 to vector<16xi32>
    %add3A_384 = arith.addi %mul3A_342, %broadcast_in_dim3A_383 : vector<16xi32>
    tpu.vector_store_idx %arg9[%add3A_384], %get3A_336 : memref<2784xf32, #tpu.memory_space<vmem>>[vector<16xi32>], vector<16xf32>,
    %broadcast_in_dim3A_385 = arith.constant 14 : i32
    %broadcast_in_dim3A_386 = vector.broadcast %broadcast_in_dim3A_385 : i32 to vector<16xi32>
    %add3A_387 = arith.addi %mul3A_342, %broadcast_in_dim3A_386 : vector<16xi32>
    tpu.vector_store_idx %arg9[%add3A_387], %get3A_336 : memref<2784xf32, #tpu.memory_space<vmem>>[vector<16xi32>], vector<16xf32>,
    %broadcast_in_dim3A_388 = arith.constant 15 : i32
    %broadcast_in_dim3A_389 = vector.broadcast %broadcast_in_dim3A_388 : i32 to vector<16xi32>
    %add3A_390 = arith.addi %mul3A_342, %broadcast_in_dim3A_389 : vector<16xi32>
    tpu.vector_store_idx %arg9[%add3A_390], %get3A_336 : memref<2784xf32, #tpu.memory_space<vmem>>[vector<16xi32>], vector<16xf32>,
    %get3A_391 = arith.constant 112 : index
    %get3A_392 = tpu.vector_load %arg8[%get3A_391] {strides = array<i32>} : memref<174xf32, #tpu.memory_space<vmem>>, vector<16xf32>,
    %broadcast_in_dim3A_393 = arith.constant 112 : i32
    %broadcast_in_dim3A_394 = vector.broadcast %broadcast_in_dim3A_393 : i32 to vector<16xi32>
    %add3A_395 = arith.addi %broadcast_in_dim3A_394, %iota3A : vector<16xi32>
    %broadcast_in_dim3A_396 = arith.constant 16 : i32
    %broadcast_in_dim3A_397 = vector.broadcast %broadcast_in_dim3A_396 : i32 to vector<16xi32>
    %mul3A_398 = arith.muli %add3A_395, %broadcast_in_dim3A_397 : vector<16xi32>
    %broadcast_in_dim3A_399 = arith.constant 0 : i32
    %broadcast_in_dim3A_400 = vector.broadcast %broadcast_in_dim3A_399 : i32 to vector<16xi32>
    %add3A_401 = arith.addi %mul3A_398, %broadcast_in_dim3A_400 : vector<16xi32>
    tpu.vector_store_idx %arg9[%add3A_401], %get3A_392 : memref<2784xf32, #tpu.memory_space<vmem>>[vector<16xi32>], vector<16xf32>,
    %broadcast_in_dim3A_402 = arith.constant 1 : i32
    %broadcast_in_dim3A_403 = vector.broadcast %broadcast_in_dim3A_402 : i32 to vector<16xi32>
    %add3A_404 = arith.addi %mul3A_398, %broadcast_in_dim3A_403 : vector<16xi32>
    tpu.vector_store_idx %arg9[%add3A_404], %get3A_392 : memref<2784xf32, #tpu.memory_space<vmem>>[vector<16xi32>], vector<16xf32>,
    %broadcast_in_dim3A_405 = arith.constant 2 : i32
    %broadcast_in_dim3A_406 = vector.broadcast %broadcast_in_dim3A_405 : i32 to vector<16xi32>
    %add3A_407 = arith.addi %mul3A_398, %broadcast_in_dim3A_406 : vector<16xi32>
    tpu.vector_store_idx %arg9[%add3A_407], %get3A_392 : memref<2784xf32, #tpu.memory_space<vmem>>[vector<16xi32>], vector<16xf32>,
    %broadcast_in_dim3A_408 = arith.constant 3 : i32
    %broadcast_in_dim3A_409 = vector.broadcast %broadcast_in_dim3A_408 : i32 to vector<16xi32>
    %add3A_410 = arith.addi %mul3A_398, %broadcast_in_dim3A_409 : vector<16xi32>
    tpu.vector_store_idx %arg9[%add3A_410], %get3A_392 : memref<2784xf32, #tpu.memory_space<vmem>>[vector<16xi32>], vector<16xf32>,
    %broadcast_in_dim3A_411 = arith.constant 4 : i32
    %broadcast_in_dim3A_412 = vector.broadcast %broadcast_in_dim3A_411 : i32 to vector<16xi32>
    %add3A_413 = arith.addi %mul3A_398, %broadcast_in_dim3A_412 : vector<16xi32>
    tpu.vector_store_idx %arg9[%add3A_413], %get3A_392 : memref<2784xf32, #tpu.memory_space<vmem>>[vector<16xi32>], vector<16xf32>,
    %broadcast_in_dim3A_414 = arith.constant 5 : i32
    %broadcast_in_dim3A_415 = vector.broadcast %broadcast_in_dim3A_414 : i32 to vector<16xi32>
    %add3A_416 = arith.addi %mul3A_398, %broadcast_in_dim3A_415 : vector<16xi32>
    tpu.vector_store_idx %arg9[%add3A_416], %get3A_392 : memref<2784xf32, #tpu.memory_space<vmem>>[vector<16xi32>], vector<16xf32>,
    %broadcast_in_dim3A_417 = arith.constant 6 : i32
    %broadcast_in_dim3A_418 = vector.broadcast %broadcast_in_dim3A_417 : i32 to vector<16xi32>
    %add3A_419 = arith.addi %mul3A_398, %broadcast_in_dim3A_418 : vector<16xi32>
    tpu.vector_store_idx %arg9[%add3A_419], %get3A_392 : memref<2784xf32, #tpu.memory_space<vmem>>[vector<16xi32>], vector<16xf32>,
    %broadcast_in_dim3A_420 = arith.constant 7 : i32
    %broadcast_in_dim3A_421 = vector.broadcast %broadcast_in_dim3A_420 : i32 to vector<16xi32>
    %add3A_422 = arith.addi %mul3A_398, %broadcast_in_dim3A_421 : vector<16xi32>
    tpu.vector_store_idx %arg9[%add3A_422], %get3A_392 : memref<2784xf32, #tpu.memory_space<vmem>>[vector<16xi32>], vector<16xf32>,
    %broadcast_in_dim3A_423 = arith.constant 8 : i32
    %broadcast_in_dim3A_424 = vector.broadcast %broadcast_in_dim3A_423 : i32 to vector<16xi32>
    %add3A_425 = arith.addi %mul3A_398, %broadcast_in_dim3A_424 : vector<16xi32>
    tpu.vector_store_idx %arg9[%add3A_425], %get3A_392 : memref<2784xf32, #tpu.memory_space<vmem>>[vector<16xi32>], vector<16xf32>,
    %broadcast_in_dim3A_426 = arith.constant 9 : i32
    %broadcast_in_dim3A_427 = vector.broadcast %broadcast_in_dim3A_426 : i32 to vector<16xi32>
    %add3A_428 = arith.addi %mul3A_398, %broadcast_in_dim3A_427 : vector<16xi32>
    tpu.vector_store_idx %arg9[%add3A_428], %get3A_392 : memref<2784xf32, #tpu.memory_space<vmem>>[vector<16xi32>], vector<16xf32>,
    %broadcast_in_dim3A_429 = arith.constant 10 : i32
    %broadcast_in_dim3A_430 = vector.broadcast %broadcast_in_dim3A_429 : i32 to vector<16xi32>
    %add3A_431 = arith.addi %mul3A_398, %broadcast_in_dim3A_430 : vector<16xi32>
    tpu.vector_store_idx %arg9[%add3A_431], %get3A_392 : memref<2784xf32, #tpu.memory_space<vmem>>[vector<16xi32>], vector<16xf32>,
    %broadcast_in_dim3A_432 = arith.constant 11 : i32
    %broadcast_in_dim3A_433 = vector.broadcast %broadcast_in_dim3A_432 : i32 to vector<16xi32>
    %add3A_434 = arith.addi %mul3A_398, %broadcast_in_dim3A_433 : vector<16xi32>
    tpu.vector_store_idx %arg9[%add3A_434], %get3A_392 : memref<2784xf32, #tpu.memory_space<vmem>>[vector<16xi32>], vector<16xf32>,
    %broadcast_in_dim3A_435 = arith.constant 12 : i32
    %broadcast_in_dim3A_436 = vector.broadcast %broadcast_in_dim3A_435 : i32 to vector<16xi32>
    %add3A_437 = arith.addi %mul3A_398, %broadcast_in_dim3A_436 : vector<16xi32>
    tpu.vector_store_idx %arg9[%add3A_437], %get3A_392 : memref<2784xf32, #tpu.memory_space<vmem>>[vector<16xi32>], vector<16xf32>,
    %broadcast_in_dim3A_438 = arith.constant 13 : i32
    %broadcast_in_dim3A_439 = vector.broadcast %broadcast_in_dim3A_438 : i32 to vector<16xi32>
    %add3A_440 = arith.addi %mul3A_398, %broadcast_in_dim3A_439 : vector<16xi32>
    tpu.vector_store_idx %arg9[%add3A_440], %get3A_392 : memref<2784xf32, #tpu.memory_space<vmem>>[vector<16xi32>], vector<16xf32>,
    %broadcast_in_dim3A_441 = arith.constant 14 : i32
    %broadcast_in_dim3A_442 = vector.broadcast %broadcast_in_dim3A_441 : i32 to vector<16xi32>
    %add3A_443 = arith.addi %mul3A_398, %broadcast_in_dim3A_442 : vector<16xi32>
    tpu.vector_store_idx %arg9[%add3A_443], %get3A_392 : memref<2784xf32, #tpu.memory_space<vmem>>[vector<16xi32>], vector<16xf32>,
    %broadcast_in_dim3A_444 = arith.constant 15 : i32
    %broadcast_in_dim3A_445 = vector.broadcast %broadcast_in_dim3A_444 : i32 to vector<16xi32>
    %add3A_446 = arith.addi %mul3A_398, %broadcast_in_dim3A_445 : vector<16xi32>
    tpu.vector_store_idx %arg9[%add3A_446], %get3A_392 : memref<2784xf32, #tpu.memory_space<vmem>>[vector<16xi32>], vector<16xf32>,
    %get3A_447 = arith.constant 128 : index
    %get3A_448 = tpu.vector_load %arg8[%get3A_447] {strides = array<i32>} : memref<174xf32, #tpu.memory_space<vmem>>, vector<16xf32>,
    %broadcast_in_dim3A_449 = arith.constant 128 : i32
    %broadcast_in_dim3A_450 = vector.broadcast %broadcast_in_dim3A_449 : i32 to vector<16xi32>
    %add3A_451 = arith.addi %broadcast_in_dim3A_450, %iota3A : vector<16xi32>
    %broadcast_in_dim3A_452 = arith.constant 16 : i32
    %broadcast_in_dim3A_453 = vector.broadcast %broadcast_in_dim3A_452 : i32 to vector<16xi32>
    %mul3A_454 = arith.muli %add3A_451, %broadcast_in_dim3A_453 : vector<16xi32>
    %broadcast_in_dim3A_455 = arith.constant 0 : i32
    %broadcast_in_dim3A_456 = vector.broadcast %broadcast_in_dim3A_455 : i32 to vector<16xi32>
    %add3A_457 = arith.addi %mul3A_454, %broadcast_in_dim3A_456 : vector<16xi32>
    tpu.vector_store_idx %arg9[%add3A_457], %get3A_448 : memref<2784xf32, #tpu.memory_space<vmem>>[vector<16xi32>], vector<16xf32>,
    %broadcast_in_dim3A_458 = arith.constant 1 : i32
    %broadcast_in_dim3A_459 = vector.broadcast %broadcast_in_dim3A_458 : i32 to vector<16xi32>
    %add3A_460 = arith.addi %mul3A_454, %broadcast_in_dim3A_459 : vector<16xi32>
    tpu.vector_store_idx %arg9[%add3A_460], %get3A_448 : memref<2784xf32, #tpu.memory_space<vmem>>[vector<16xi32>], vector<16xf32>,
    %broadcast_in_dim3A_461 = arith.constant 2 : i32
    %broadcast_in_dim3A_462 = vector.broadcast %broadcast_in_dim3A_461 : i32 to vector<16xi32>
    %add3A_463 = arith.addi %mul3A_454, %broadcast_in_dim3A_462 : vector<16xi32>
    tpu.vector_store_idx %arg9[%add3A_463], %get3A_448 : memref<2784xf32, #tpu.memory_space<vmem>>[vector<16xi32>], vector<16xf32>,
    %broadcast_in_dim3A_464 = arith.constant 3 : i32
    %broadcast_in_dim3A_465 = vector.broadcast %broadcast_in_dim3A_464 : i32 to vector<16xi32>
    %add3A_466 = arith.addi %mul3A_454, %broadcast_in_dim3A_465 : vector<16xi32>
    tpu.vector_store_idx %arg9[%add3A_466], %get3A_448 : memref<2784xf32, #tpu.memory_space<vmem>>[vector<16xi32>], vector<16xf32>,
    %broadcast_in_dim3A_467 = arith.constant 4 : i32
    %broadcast_in_dim3A_468 = vector.broadcast %broadcast_in_dim3A_467 : i32 to vector<16xi32>
    %add3A_469 = arith.addi %mul3A_454, %broadcast_in_dim3A_468 : vector<16xi32>
    tpu.vector_store_idx %arg9[%add3A_469], %get3A_448 : memref<2784xf32, #tpu.memory_space<vmem>>[vector<16xi32>], vector<16xf32>,
    %broadcast_in_dim3A_470 = arith.constant 5 : i32
    %broadcast_in_dim3A_471 = vector.broadcast %broadcast_in_dim3A_470 : i32 to vector<16xi32>
    %add3A_472 = arith.addi %mul3A_454, %broadcast_in_dim3A_471 : vector<16xi32>
    tpu.vector_store_idx %arg9[%add3A_472], %get3A_448 : memref<2784xf32, #tpu.memory_space<vmem>>[vector<16xi32>], vector<16xf32>,
    %broadcast_in_dim3A_473 = arith.constant 6 : i32
    %broadcast_in_dim3A_474 = vector.broadcast %broadcast_in_dim3A_473 : i32 to vector<16xi32>
    %add3A_475 = arith.addi %mul3A_454, %broadcast_in_dim3A_474 : vector<16xi32>
    tpu.vector_store_idx %arg9[%add3A_475], %get3A_448 : memref<2784xf32, #tpu.memory_space<vmem>>[vector<16xi32>], vector<16xf32>,
    %broadcast_in_dim3A_476 = arith.constant 7 : i32
    %broadcast_in_dim3A_477 = vector.broadcast %broadcast_in_dim3A_476 : i32 to vector<16xi32>
    %add3A_478 = arith.addi %mul3A_454, %broadcast_in_dim3A_477 : vector<16xi32>
    tpu.vector_store_idx %arg9[%add3A_478], %get3A_448 : memref<2784xf32, #tpu.memory_space<vmem>>[vector<16xi32>], vector<16xf32>,
    %broadcast_in_dim3A_479 = arith.constant 8 : i32
    %broadcast_in_dim3A_480 = vector.broadcast %broadcast_in_dim3A_479 : i32 to vector<16xi32>
    %add3A_481 = arith.addi %mul3A_454, %broadcast_in_dim3A_480 : vector<16xi32>
    tpu.vector_store_idx %arg9[%add3A_481], %get3A_448 : memref<2784xf32, #tpu.memory_space<vmem>>[vector<16xi32>], vector<16xf32>,
    %broadcast_in_dim3A_482 = arith.constant 9 : i32
    %broadcast_in_dim3A_483 = vector.broadcast %broadcast_in_dim3A_482 : i32 to vector<16xi32>
    %add3A_484 = arith.addi %mul3A_454, %broadcast_in_dim3A_483 : vector<16xi32>
    tpu.vector_store_idx %arg9[%add3A_484], %get3A_448 : memref<2784xf32, #tpu.memory_space<vmem>>[vector<16xi32>], vector<16xf32>,
    %broadcast_in_dim3A_485 = arith.constant 10 : i32
    %broadcast_in_dim3A_486 = vector.broadcast %broadcast_in_dim3A_485 : i32 to vector<16xi32>
    %add3A_487 = arith.addi %mul3A_454, %broadcast_in_dim3A_486 : vector<16xi32>
    tpu.vector_store_idx %arg9[%add3A_487], %get3A_448 : memref<2784xf32, #tpu.memory_space<vmem>>[vector<16xi32>], vector<16xf32>,
    %broadcast_in_dim3A_488 = arith.constant 11 : i32
    %broadcast_in_dim3A_489 = vector.broadcast %broadcast_in_dim3A_488 : i32 to vector<16xi32>
    %add3A_490 = arith.addi %mul3A_454, %broadcast_in_dim3A_489 : vector<16xi32>
    tpu.vector_store_idx %arg9[%add3A_490], %get3A_448 : memref<2784xf32, #tpu.memory_space<vmem>>[vector<16xi32>], vector<16xf32>,
    %broadcast_in_dim3A_491 = arith.constant 12 : i32
    %broadcast_in_dim3A_492 = vector.broadcast %broadcast_in_dim3A_491 : i32 to vector<16xi32>
    %add3A_493 = arith.addi %mul3A_454, %broadcast_in_dim3A_492 : vector<16xi32>
    tpu.vector_store_idx %arg9[%add3A_493], %get3A_448 : memref<2784xf32, #tpu.memory_space<vmem>>[vector<16xi32>], vector<16xf32>,
    %broadcast_in_dim3A_494 = arith.constant 13 : i32
    %broadcast_in_dim3A_495 = vector.broadcast %broadcast_in_dim3A_494 : i32 to vector<16xi32>
    %add3A_496 = arith.addi %mul3A_454, %broadcast_in_dim3A_495 : vector<16xi32>
    tpu.vector_store_idx %arg9[%add3A_496], %get3A_448 : memref<2784xf32, #tpu.memory_space<vmem>>[vector<16xi32>], vector<16xf32>,
    %broadcast_in_dim3A_497 = arith.constant 14 : i32
    %broadcast_in_dim3A_498 = vector.broadcast %broadcast_in_dim3A_497 : i32 to vector<16xi32>
    %add3A_499 = arith.addi %mul3A_454, %broadcast_in_dim3A_498 : vector<16xi32>
    tpu.vector_store_idx %arg9[%add3A_499], %get3A_448 : memref<2784xf32, #tpu.memory_space<vmem>>[vector<16xi32>], vector<16xf32>,
    %broadcast_in_dim3A_500 = arith.constant 15 : i32
    %broadcast_in_dim3A_501 = vector.broadcast %broadcast_in_dim3A_500 : i32 to vector<16xi32>
    %add3A_502 = arith.addi %mul3A_454, %broadcast_in_dim3A_501 : vector<16xi32>
    tpu.vector_store_idx %arg9[%add3A_502], %get3A_448 : memref<2784xf32, #tpu.memory_space<vmem>>[vector<16xi32>], vector<16xf32>,
    %get3A_503 = arith.constant 144 : index
    %get3A_504 = tpu.vector_load %arg8[%get3A_503] {strides = array<i32>} : memref<174xf32, #tpu.memory_space<vmem>>, vector<16xf32>,
    %broadcast_in_dim3A_505 = arith.constant 144 : i32
    %broadcast_in_dim3A_506 = vector.broadcast %broadcast_in_dim3A_505 : i32 to vector<16xi32>
    %add3A_507 = arith.addi %broadcast_in_dim3A_506, %iota3A : vector<16xi32>
    %broadcast_in_dim3A_508 = arith.constant 16 : i32
    %broadcast_in_dim3A_509 = vector.broadcast %broadcast_in_dim3A_508 : i32 to vector<16xi32>
    %mul3A_510 = arith.muli %add3A_507, %broadcast_in_dim3A_509 : vector<16xi32>
    %broadcast_in_dim3A_511 = arith.constant 0 : i32
    %broadcast_in_dim3A_512 = vector.broadcast %broadcast_in_dim3A_511 : i32 to vector<16xi32>
    %add3A_513 = arith.addi %mul3A_510, %broadcast_in_dim3A_512 : vector<16xi32>
    tpu.vector_store_idx %arg9[%add3A_513], %get3A_504 : memref<2784xf32, #tpu.memory_space<vmem>>[vector<16xi32>], vector<16xf32>,
    %broadcast_in_dim3A_514 = arith.constant 1 : i32
    %broadcast_in_dim3A_515 = vector.broadcast %broadcast_in_dim3A_514 : i32 to vector<16xi32>
    %add3A_516 = arith.addi %mul3A_510, %broadcast_in_dim3A_515 : vector<16xi32>
    tpu.vector_store_idx %arg9[%add3A_516], %get3A_504 : memref<2784xf32, #tpu.memory_space<vmem>>[vector<16xi32>], vector<16xf32>,
    %broadcast_in_dim3A_517 = arith.constant 2 : i32
    %broadcast_in_dim3A_518 = vector.broadcast %broadcast_in_dim3A_517 : i32 to vector<16xi32>
    %add3A_519 = arith.addi %mul3A_510, %broadcast_in_dim3A_518 : vector<16xi32>
    tpu.vector_store_idx %arg9[%add3A_519], %get3A_504 : memref<2784xf32, #tpu.memory_space<vmem>>[vector<16xi32>], vector<16xf32>,
    %broadcast_in_dim3A_520 = arith.constant 3 : i32
    %broadcast_in_dim3A_521 = vector.broadcast %broadcast_in_dim3A_520 : i32 to vector<16xi32>
    %add3A_522 = arith.addi %mul3A_510, %broadcast_in_dim3A_521 : vector<16xi32>
    tpu.vector_store_idx %arg9[%add3A_522], %get3A_504 : memref<2784xf32, #tpu.memory_space<vmem>>[vector<16xi32>], vector<16xf32>,
    %broadcast_in_dim3A_523 = arith.constant 4 : i32
    %broadcast_in_dim3A_524 = vector.broadcast %broadcast_in_dim3A_523 : i32 to vector<16xi32>
    %add3A_525 = arith.addi %mul3A_510, %broadcast_in_dim3A_524 : vector<16xi32>
    tpu.vector_store_idx %arg9[%add3A_525], %get3A_504 : memref<2784xf32, #tpu.memory_space<vmem>>[vector<16xi32>], vector<16xf32>,
    %broadcast_in_dim3A_526 = arith.constant 5 : i32
    %broadcast_in_dim3A_527 = vector.broadcast %broadcast_in_dim3A_526 : i32 to vector<16xi32>
    %add3A_528 = arith.addi %mul3A_510, %broadcast_in_dim3A_527 : vector<16xi32>
    tpu.vector_store_idx %arg9[%add3A_528], %get3A_504 : memref<2784xf32, #tpu.memory_space<vmem>>[vector<16xi32>], vector<16xf32>,
    %broadcast_in_dim3A_529 = arith.constant 6 : i32
    %broadcast_in_dim3A_530 = vector.broadcast %broadcast_in_dim3A_529 : i32 to vector<16xi32>
    %add3A_531 = arith.addi %mul3A_510, %broadcast_in_dim3A_530 : vector<16xi32>
    tpu.vector_store_idx %arg9[%add3A_531], %get3A_504 : memref<2784xf32, #tpu.memory_space<vmem>>[vector<16xi32>], vector<16xf32>,
    %broadcast_in_dim3A_532 = arith.constant 7 : i32
    %broadcast_in_dim3A_533 = vector.broadcast %broadcast_in_dim3A_532 : i32 to vector<16xi32>
    %add3A_534 = arith.addi %mul3A_510, %broadcast_in_dim3A_533 : vector<16xi32>
    tpu.vector_store_idx %arg9[%add3A_534], %get3A_504 : memref<2784xf32, #tpu.memory_space<vmem>>[vector<16xi32>], vector<16xf32>,
    %broadcast_in_dim3A_535 = arith.constant 8 : i32
    %broadcast_in_dim3A_536 = vector.broadcast %broadcast_in_dim3A_535 : i32 to vector<16xi32>
    %add3A_537 = arith.addi %mul3A_510, %broadcast_in_dim3A_536 : vector<16xi32>
    tpu.vector_store_idx %arg9[%add3A_537], %get3A_504 : memref<2784xf32, #tpu.memory_space<vmem>>[vector<16xi32>], vector<16xf32>,
    %broadcast_in_dim3A_538 = arith.constant 9 : i32
    %broadcast_in_dim3A_539 = vector.broadcast %broadcast_in_dim3A_538 : i32 to vector<16xi32>
    %add3A_540 = arith.addi %mul3A_510, %broadcast_in_dim3A_539 : vector<16xi32>
    tpu.vector_store_idx %arg9[%add3A_540], %get3A_504 : memref<2784xf32, #tpu.memory_space<vmem>>[vector<16xi32>], vector<16xf32>,
    %broadcast_in_dim3A_541 = arith.constant 10 : i32
    %broadcast_in_dim3A_542 = vector.broadcast %broadcast_in_dim3A_541 : i32 to vector<16xi32>
    %add3A_543 = arith.addi %mul3A_510, %broadcast_in_dim3A_542 : vector<16xi32>
    tpu.vector_store_idx %arg9[%add3A_543], %get3A_504 : memref<2784xf32, #tpu.memory_space<vmem>>[vector<16xi32>], vector<16xf32>,
    %broadcast_in_dim3A_544 = arith.constant 11 : i32
    %broadcast_in_dim3A_545 = vector.broadcast %broadcast_in_dim3A_544 : i32 to vector<16xi32>
    %add3A_546 = arith.addi %mul3A_510, %broadcast_in_dim3A_545 : vector<16xi32>
    tpu.vector_store_idx %arg9[%add3A_546], %get3A_504 : memref<2784xf32, #tpu.memory_space<vmem>>[vector<16xi32>], vector<16xf32>,
    %broadcast_in_dim3A_547 = arith.constant 12 : i32
    %broadcast_in_dim3A_548 = vector.broadcast %broadcast_in_dim3A_547 : i32 to vector<16xi32>
    %add3A_549 = arith.addi %mul3A_510, %broadcast_in_dim3A_548 : vector<16xi32>
    tpu.vector_store_idx %arg9[%add3A_549], %get3A_504 : memref<2784xf32, #tpu.memory_space<vmem>>[vector<16xi32>], vector<16xf32>,
    %broadcast_in_dim3A_550 = arith.constant 13 : i32
    %broadcast_in_dim3A_551 = vector.broadcast %broadcast_in_dim3A_550 : i32 to vector<16xi32>
    %add3A_552 = arith.addi %mul3A_510, %broadcast_in_dim3A_551 : vector<16xi32>
    tpu.vector_store_idx %arg9[%add3A_552], %get3A_504 : memref<2784xf32, #tpu.memory_space<vmem>>[vector<16xi32>], vector<16xf32>,
    %broadcast_in_dim3A_553 = arith.constant 14 : i32
    %broadcast_in_dim3A_554 = vector.broadcast %broadcast_in_dim3A_553 : i32 to vector<16xi32>
    %add3A_555 = arith.addi %mul3A_510, %broadcast_in_dim3A_554 : vector<16xi32>
    tpu.vector_store_idx %arg9[%add3A_555], %get3A_504 : memref<2784xf32, #tpu.memory_space<vmem>>[vector<16xi32>], vector<16xf32>,
    %broadcast_in_dim3A_556 = arith.constant 15 : i32
    %broadcast_in_dim3A_557 = vector.broadcast %broadcast_in_dim3A_556 : i32 to vector<16xi32>
    %add3A_558 = arith.addi %mul3A_510, %broadcast_in_dim3A_557 : vector<16xi32>
    tpu.vector_store_idx %arg9[%add3A_558], %get3A_504 : memref<2784xf32, #tpu.memory_space<vmem>>[vector<16xi32>], vector<16xf32>,
    %get3A_559 = arith.constant 158 : index
    %get3A_560 = tpu.vector_load %arg8[%get3A_559] {strides = array<i32>} : memref<174xf32, #tpu.memory_space<vmem>>, vector<16xf32>,
    %broadcast_in_dim3A_561 = arith.constant 158 : i32
    %broadcast_in_dim3A_562 = vector.broadcast %broadcast_in_dim3A_561 : i32 to vector<16xi32>
    %add3A_563 = arith.addi %broadcast_in_dim3A_562, %iota3A : vector<16xi32>
    %broadcast_in_dim3A_564 = arith.constant 16 : i32
    %broadcast_in_dim3A_565 = vector.broadcast %broadcast_in_dim3A_564 : i32 to vector<16xi32>
    %mul3A_566 = arith.muli %add3A_563, %broadcast_in_dim3A_565 : vector<16xi32>
    %broadcast_in_dim3A_567 = arith.constant 0 : i32
    %broadcast_in_dim3A_568 = vector.broadcast %broadcast_in_dim3A_567 : i32 to vector<16xi32>
    %add3A_569 = arith.addi %mul3A_566, %broadcast_in_dim3A_568 : vector<16xi32>
    tpu.vector_store_idx %arg9[%add3A_569], %get3A_560 : memref<2784xf32, #tpu.memory_space<vmem>>[vector<16xi32>], vector<16xf32>,
    %broadcast_in_dim3A_570 = arith.constant 1 : i32
    %broadcast_in_dim3A_571 = vector.broadcast %broadcast_in_dim3A_570 : i32 to vector<16xi32>
    %add3A_572 = arith.addi %mul3A_566, %broadcast_in_dim3A_571 : vector<16xi32>
    tpu.vector_store_idx %arg9[%add3A_572], %get3A_560 : memref<2784xf32, #tpu.memory_space<vmem>>[vector<16xi32>], vector<16xf32>,
    %broadcast_in_dim3A_573 = arith.constant 2 : i32
    %broadcast_in_dim3A_574 = vector.broadcast %broadcast_in_dim3A_573 : i32 to vector<16xi32>
    %add3A_575 = arith.addi %mul3A_566, %broadcast_in_dim3A_574 : vector<16xi32>
    tpu.vector_store_idx %arg9[%add3A_575], %get3A_560 : memref<2784xf32, #tpu.memory_space<vmem>>[vector<16xi32>], vector<16xf32>,
    %broadcast_in_dim3A_576 = arith.constant 3 : i32
    %broadcast_in_dim3A_577 = vector.broadcast %broadcast_in_dim3A_576 : i32 to vector<16xi32>
    %add3A_578 = arith.addi %mul3A_566, %broadcast_in_dim3A_577 : vector<16xi32>
    tpu.vector_store_idx %arg9[%add3A_578], %get3A_560 : memref<2784xf32, #tpu.memory_space<vmem>>[vector<16xi32>], vector<16xf32>,
    %broadcast_in_dim3A_579 = arith.constant 4 : i32
    %broadcast_in_dim3A_580 = vector.broadcast %broadcast_in_dim3A_579 : i32 to vector<16xi32>
    %add3A_581 = arith.addi %mul3A_566, %broadcast_in_dim3A_580 : vector<16xi32>
    tpu.vector_store_idx %arg9[%add3A_581], %get3A_560 : memref<2784xf32, #tpu.memory_space<vmem>>[vector<16xi32>], vector<16xf32>,
    %broadcast_in_dim3A_582 = arith.constant 5 : i32
    %broadcast_in_dim3A_583 = vector.broadcast %broadcast_in_dim3A_582 : i32 to vector<16xi32>
    %add3A_584 = arith.addi %mul3A_566, %broadcast_in_dim3A_583 : vector<16xi32>
    tpu.vector_store_idx %arg9[%add3A_584], %get3A_560 : memref<2784xf32, #tpu.memory_space<vmem>>[vector<16xi32>], vector<16xf32>,
    %broadcast_in_dim3A_585 = arith.constant 6 : i32
    %broadcast_in_dim3A_586 = vector.broadcast %broadcast_in_dim3A_585 : i32 to vector<16xi32>
    %add3A_587 = arith.addi %mul3A_566, %broadcast_in_dim3A_586 : vector<16xi32>
    tpu.vector_store_idx %arg9[%add3A_587], %get3A_560 : memref<2784xf32, #tpu.memory_space<vmem>>[vector<16xi32>], vector<16xf32>,
    %broadcast_in_dim3A_588 = arith.constant 7 : i32
    %broadcast_in_dim3A_589 = vector.broadcast %broadcast_in_dim3A_588 : i32 to vector<16xi32>
    %add3A_590 = arith.addi %mul3A_566, %broadcast_in_dim3A_589 : vector<16xi32>
    tpu.vector_store_idx %arg9[%add3A_590], %get3A_560 : memref<2784xf32, #tpu.memory_space<vmem>>[vector<16xi32>], vector<16xf32>,
    %broadcast_in_dim3A_591 = arith.constant 8 : i32
    %broadcast_in_dim3A_592 = vector.broadcast %broadcast_in_dim3A_591 : i32 to vector<16xi32>
    %add3A_593 = arith.addi %mul3A_566, %broadcast_in_dim3A_592 : vector<16xi32>
    tpu.vector_store_idx %arg9[%add3A_593], %get3A_560 : memref<2784xf32, #tpu.memory_space<vmem>>[vector<16xi32>], vector<16xf32>,
    %broadcast_in_dim3A_594 = arith.constant 9 : i32
    %broadcast_in_dim3A_595 = vector.broadcast %broadcast_in_dim3A_594 : i32 to vector<16xi32>
    %add3A_596 = arith.addi %mul3A_566, %broadcast_in_dim3A_595 : vector<16xi32>
    tpu.vector_store_idx %arg9[%add3A_596], %get3A_560 : memref<2784xf32, #tpu.memory_space<vmem>>[vector<16xi32>], vector<16xf32>,
    %broadcast_in_dim3A_597 = arith.constant 10 : i32
    %broadcast_in_dim3A_598 = vector.broadcast %broadcast_in_dim3A_597 : i32 to vector<16xi32>
    %add3A_599 = arith.addi %mul3A_566, %broadcast_in_dim3A_598 : vector<16xi32>
    tpu.vector_store_idx %arg9[%add3A_599], %get3A_560 : memref<2784xf32, #tpu.memory_space<vmem>>[vector<16xi32>], vector<16xf32>,
    %broadcast_in_dim3A_600 = arith.constant 11 : i32
    %broadcast_in_dim3A_601 = vector.broadcast %broadcast_in_dim3A_600 : i32 to vector<16xi32>
    %add3A_602 = arith.addi %mul3A_566, %broadcast_in_dim3A_601 : vector<16xi32>
    tpu.vector_store_idx %arg9[%add3A_602], %get3A_560 : memref<2784xf32, #tpu.memory_space<vmem>>[vector<16xi32>], vector<16xf32>,
    %broadcast_in_dim3A_603 = arith.constant 12 : i32
    %broadcast_in_dim3A_604 = vector.broadcast %broadcast_in_dim3A_603 : i32 to vector<16xi32>
    %add3A_605 = arith.addi %mul3A_566, %broadcast_in_dim3A_604 : vector<16xi32>
    tpu.vector_store_idx %arg9[%add3A_605], %get3A_560 : memref<2784xf32, #tpu.memory_space<vmem>>[vector<16xi32>], vector<16xf32>,
    %broadcast_in_dim3A_606 = arith.constant 13 : i32
    %broadcast_in_dim3A_607 = vector.broadcast %broadcast_in_dim3A_606 : i32 to vector<16xi32>
    %add3A_608 = arith.addi %mul3A_566, %broadcast_in_dim3A_607 : vector<16xi32>
    tpu.vector_store_idx %arg9[%add3A_608], %get3A_560 : memref<2784xf32, #tpu.memory_space<vmem>>[vector<16xi32>], vector<16xf32>,
    %broadcast_in_dim3A_609 = arith.constant 14 : i32
    %broadcast_in_dim3A_610 = vector.broadcast %broadcast_in_dim3A_609 : i32 to vector<16xi32>
    %add3A_611 = arith.addi %mul3A_566, %broadcast_in_dim3A_610 : vector<16xi32>
    tpu.vector_store_idx %arg9[%add3A_611], %get3A_560 : memref<2784xf32, #tpu.memory_space<vmem>>[vector<16xi32>], vector<16xf32>,
    %broadcast_in_dim3A_612 = arith.constant 15 : i32
    %broadcast_in_dim3A_613 = vector.broadcast %broadcast_in_dim3A_612 : i32 to vector<16xi32>
    %add3A_614 = arith.addi %mul3A_566, %broadcast_in_dim3A_613 : vector<16xi32>
    tpu.vector_store_idx %arg9[%add3A_614], %get3A_560 : memref<2784xf32, #tpu.memory_space<vmem>>[vector<16xi32>], vector<16xf32>,
    %broadcast_in_dim3A_615 = arith.constant 16 : i32
    %broadcast_in_dim3A_616 = vector.broadcast %broadcast_in_dim3A_615 : i32 to vector<16xi32>
    %add3A_617 = arith.addi %iota3A, %broadcast_in_dim3A_616 : vector<16xi32>
    %broadcast_in_dim3A_618 = arith.constant 32 : i32
    %broadcast_in_dim3A_619 = vector.broadcast %broadcast_in_dim3A_618 : i32 to vector<16xi32>
    %broadcast_in_dim3A_620 = arith.constant -4.000000e+00 : f32
    %broadcast_in_dim3A_621 = vector.broadcast %broadcast_in_dim3A_620 : f32 to vector<16xf32>
    %broadcast_in_dim3A_622 = arith.constant 4.000000e+00 : f32
    %broadcast_in_dim3A_623 = vector.broadcast %broadcast_in_dim3A_622 : f32 to vector<16xf32>
    %mul3A_624 = arith.constant 16000 : i32
    %mul3A_625 = arith.muli %add3A, %mul3A_624 : i32
    %dma_start3A = arith.constant 0 : i32
    %dma_start3A_626 = arith.constant 0 : i32
    %dma_start3A_627 = arith.constant 0 : i32
    %dma_start3A_628 = tpu.memref_slice %arg6[%dma_start3A, %dma_start3A_627] : memref<2x16000xi32, #tpu.memory_space<vmem>> -> memref<1x16000xi32, #tpu.memory_space<vmem>>
    %dma_start3A_629 = tpu.memref_squeeze %dma_start3A_628 : memref<1x16000xi32, #tpu.memory_space<vmem>> -> memref<16000xi32, #tpu.memory_space<vmem>>
    %dma_start3A_630 = tpu.memref_slice %arg3[%mul3A_625] : memref<2000000xi32, #tpu.memory_space<hbm>> -> memref<16000xi32, #tpu.memory_space<hbm>>
    %dma_start3A_631 = tpu.memref_slice %arg10[%dma_start3A_626] : memref<2x!tpu.dma_semaphore, #tpu.memory_space<semaphore_mem>> -> memref<1x!tpu.dma_semaphore, #tpu.memory_space<semaphore_mem>>
    %dma_start3A_632 = tpu.memref_squeeze %dma_start3A_631 : memref<1x!tpu.dma_semaphore, #tpu.memory_space<semaphore_mem>> -> memref<!tpu.dma_semaphore, #tpu.memory_space<semaphore_mem>>
    %dma_start3A_633 = arith.constant 0 : i32
    %dma_start3A_634 = tpu.memref_slice %arg6[%dma_start3A, %dma_start3A_633] : memref<2x16000xi32, #tpu.memory_space<vmem>> -> memref<1x16000xi32, #tpu.memory_space<vmem>>
    %dma_start3A_635 = tpu.memref_squeeze %dma_start3A_634 : memref<1x16000xi32, #tpu.memory_space<vmem>> -> memref<16000xi32, #tpu.memory_space<vmem>>
    %dma_start3A_636 = tpu.memref_slice %arg3[%mul3A_625] : memref<2000000xi32, #tpu.memory_space<hbm>> -> memref<16000xi32, #tpu.memory_space<hbm>>
    tpu.enqueue_dma source(%dma_start3A_636 : memref<16000xi32, #tpu.memory_space<hbm>>) target(%dma_start3A_635 : memref<16000xi32, #tpu.memory_space<vmem>>) target_semaphore(%dma_start3A_632 : memref<!tpu.dma_semaphore, #tpu.memory_space<semaphore_mem>>)
    %mul3A_637 = arith.constant 125 : i32
    %mul3A_638 = arith.muli %add3A, %mul3A_637 : i32
    %dma_start3A_639 = arith.constant 0 : i32
    %dma_start3A_640 = arith.constant 0 : i32
    %dma_start3A_641 = arith.constant 0 : i32
    %dma_start3A_642 = arith.constant 0 : i32
    %dma_start3A_643 = arith.constant 0 : i32
    %dma_start3A_644 = tpu.memref_slice %arg7[%dma_start3A_639, %dma_start3A_641, %dma_start3A_642, %dma_start3A_643] : memref<2x125x2x128xf32, #tpu.memory_space<vmem>> -> memref<1x125x2x128xf32, #tpu.memory_space<vmem>>
    %dma_start3A_645 = tpu.memref_squeeze %dma_start3A_644 : memref<1x125x2x128xf32, #tpu.memory_space<vmem>> -> memref<125x2x128xf32, #tpu.memory_space<vmem>>
    %dma_start3A_646 = arith.constant 0 : i32
    %dma_start3A_647 = arith.constant 0 : i32
    %dma_start3A_648 = tpu.memref_slice %arg2[%mul3A_638, %dma_start3A_646, %dma_start3A_647] : memref<15625x2x128xf32, #tpu.memory_space<hbm>> -> memref<125x2x128xf32, #tpu.memory_space<hbm>>
    %dma_start3A_649 = tpu.memref_slice %arg10[%dma_start3A_640] : memref<2x!tpu.dma_semaphore, #tpu.memory_space<semaphore_mem>> -> memref<1x!tpu.dma_semaphore, #tpu.memory_space<semaphore_mem>>
    %dma_start3A_650 = tpu.memref_squeeze %dma_start3A_649 : memref<1x!tpu.dma_semaphore, #tpu.memory_space<semaphore_mem>> -> memref<!tpu.dma_semaphore, #tpu.memory_space<semaphore_mem>>
    %dma_start3A_651 = arith.constant 0 : i32
    %dma_start3A_652 = arith.constant 0 : i32
    %dma_start3A_653 = arith.constant 0 : i32
    %dma_start3A_654 = tpu.memref_slice %arg7[%dma_start3A_639, %dma_start3A_651, %dma_start3A_652, %dma_start3A_653] : memref<2x125x2x128xf32, #tpu.memory_space<vmem>> -> memref<1x125x2x128xf32, #tpu.memory_space<vmem>>
    %dma_start3A_655 = tpu.memref_squeeze %dma_start3A_654 : memref<1x125x2x128xf32, #tpu.memory_space<vmem>> -> memref<125x2x128xf32, #tpu.memory_space<vmem>>
    %dma_start3A_656 = arith.constant 0 : i32
    %dma_start3A_657 = arith.constant 0 : i32
    %dma_start3A_658 = tpu.memref_slice %arg2[%mul3A_638, %dma_start3A_656, %dma_start3A_657] : memref<15625x2x128xf32, #tpu.memory_space<hbm>> -> memref<125x2x128xf32, #tpu.memory_space<hbm>>
    tpu.enqueue_dma source(%dma_start3A_658 : memref<125x2x128xf32, #tpu.memory_space<hbm>>) target(%dma_start3A_655 : memref<125x2x128xf32, #tpu.memory_space<vmem>>) target_semaphore(%dma_start3A_650 : memref<!tpu.dma_semaphore, #tpu.memory_space<semaphore_mem>>)
    %scan3A = arith.constant 0 : i32
    %scan3A_659 = arith.constant 0 : i32
    %scan3A_660 = arith.constant 4 : i32
    %scan3A_661 = arith.addi %scan3A_659, %scan3A_660 : i32
    %scan3A_662 = arith.constant 1 : i32
    scf.for %scan3A_674 = %scan3A_659 to %scan3A_661 step %scan3A_662  : i32 {
      %mul3A_675 = arith.constant 32 : i32
      %mul3A_676 = arith.muli %mul3A_675, %scan3A_674 : i32
      %add3A_677 = arith.addi %add3A, %mul3A_676 : i32
      %rem3A_678 = arith.constant 2 : i32
      %rem3A_679 = arith.remsi %scan3A_674, %rem3A_678 : i32
      %lt3A = arith.constant 125 : i32
      %lt3A_680 = arith.cmpi slt, %add3A_677, %lt3A : i32
      %convert_element_type3A_681 = arith.extui %lt3A_680 : i1 to i32
      %cond3A_682 = arith.constant 0 : i32
      %cond3A_683 = arith.cmpi ne, %convert_element_type3A_681, %cond3A_682 : i32
      scf.if %cond3A_683 {
        %mul3A_684 = arith.constant 16000 : i32
        %mul3A_685 = arith.muli %add3A_677, %mul3A_684 : i32
        %dma_wait3A = arith.constant 0 : i32
        %dma_wait3A_686 = tpu.memref_slice %arg6[%rem3A_679, %dma_wait3A] : memref<2x16000xi32, #tpu.memory_space<vmem>> -> memref<1x16000xi32, #tpu.memory_space<vmem>>
        %dma_wait3A_687 = tpu.memref_squeeze %dma_wait3A_686 : memref<1x16000xi32, #tpu.memory_space<vmem>> -> memref<16000xi32, #tpu.memory_space<vmem>>
        %dma_wait3A_688 = tpu.memref_slice %arg3[%mul3A_685] : memref<2000000xi32, #tpu.memory_space<hbm>> -> memref<16000xi32, #tpu.memory_space<hbm>>
        %dma_wait3A_689 = tpu.memref_slice %arg10[%rem3A_679] : memref<2x!tpu.dma_semaphore, #tpu.memory_space<semaphore_mem>> -> memref<1x!tpu.dma_semaphore, #tpu.memory_space<semaphore_mem>>
        %dma_wait3A_690 = tpu.memref_squeeze %dma_wait3A_689 : memref<1x!tpu.dma_semaphore, #tpu.memory_space<semaphore_mem>> -> memref<!tpu.dma_semaphore, #tpu.memory_space<semaphore_mem>>
        %dma_wait3A_691 = arith.constant 0 : i32
        %dma_wait3A_692 = tpu.memref_slice %arg6[%rem3A_679, %dma_wait3A_691] : memref<2x16000xi32, #tpu.memory_space<vmem>> -> memref<1x16000xi32, #tpu.memory_space<vmem>>
        %dma_wait3A_693 = tpu.memref_squeeze %dma_wait3A_692 : memref<1x16000xi32, #tpu.memory_space<vmem>> -> memref<16000xi32, #tpu.memory_space<vmem>>
        %dma_wait3A_694 = tpu.memref_slice %arg3[%mul3A_685] : memref<2000000xi32, #tpu.memory_space<hbm>> -> memref<16000xi32, #tpu.memory_space<hbm>>
        tpu.wait_dma2 semaphore(%dma_wait3A_690 : memref<!tpu.dma_semaphore, #tpu.memory_space<semaphore_mem>>) src(%dma_wait3A_694 : memref<16000xi32, #tpu.memory_space<hbm>>) dst(%dma_wait3A_693 : memref<16000xi32, #tpu.memory_space<vmem>>)
        %mul3A_695 = arith.constant 125 : i32
        %mul3A_696 = arith.muli %add3A_677, %mul3A_695 : i32
        %dma_wait3A_697 = arith.constant 0 : i32
        %dma_wait3A_698 = arith.constant 0 : i32
        %dma_wait3A_699 = arith.constant 0 : i32
        %dma_wait3A_700 = tpu.memref_slice %arg7[%rem3A_679, %dma_wait3A_697, %dma_wait3A_698, %dma_wait3A_699] : memref<2x125x2x128xf32, #tpu.memory_space<vmem>> -> memref<1x125x2x128xf32, #tpu.memory_space<vmem>>
        %dma_wait3A_701 = tpu.memref_squeeze %dma_wait3A_700 : memref<1x125x2x128xf32, #tpu.memory_space<vmem>> -> memref<125x2x128xf32, #tpu.memory_space<vmem>>
        %dma_wait3A_702 = arith.constant 0 : i32
        %dma_wait3A_703 = arith.constant 0 : i32
        %dma_wait3A_704 = tpu.memref_slice %arg2[%mul3A_696, %dma_wait3A_702, %dma_wait3A_703] : memref<15625x2x128xf32, #tpu.memory_space<hbm>> -> memref<125x2x128xf32, #tpu.memory_space<hbm>>
        %dma_wait3A_705 = tpu.memref_slice %arg10[%rem3A_679] : memref<2x!tpu.dma_semaphore, #tpu.memory_space<semaphore_mem>> -> memref<1x!tpu.dma_semaphore, #tpu.memory_space<semaphore_mem>>
        %dma_wait3A_706 = tpu.memref_squeeze %dma_wait3A_705 : memref<1x!tpu.dma_semaphore, #tpu.memory_space<semaphore_mem>> -> memref<!tpu.dma_semaphore, #tpu.memory_space<semaphore_mem>>
        %dma_wait3A_707 = arith.constant 0 : i32
        %dma_wait3A_708 = arith.constant 0 : i32
        %dma_wait3A_709 = arith.constant 0 : i32
        %dma_wait3A_710 = tpu.memref_slice %arg7[%rem3A_679, %dma_wait3A_707, %dma_wait3A_708, %dma_wait3A_709] : memref<2x125x2x128xf32, #tpu.memory_space<vmem>> -> memref<1x125x2x128xf32, #tpu.memory_space<vmem>>
        %dma_wait3A_711 = tpu.memref_squeeze %dma_wait3A_710 : memref<1x125x2x128xf32, #tpu.memory_space<vmem>> -> memref<125x2x128xf32, #tpu.memory_space<vmem>>
        %dma_wait3A_712 = arith.constant 0 : i32
        %dma_wait3A_713 = arith.constant 0 : i32
        %dma_wait3A_714 = tpu.memref_slice %arg2[%mul3A_696, %dma_wait3A_712, %dma_wait3A_713] : memref<15625x2x128xf32, #tpu.memory_space<hbm>> -> memref<125x2x128xf32, #tpu.memory_space<hbm>>
        tpu.wait_dma2 semaphore(%dma_wait3A_706 : memref<!tpu.dma_semaphore, #tpu.memory_space<semaphore_mem>>) src(%dma_wait3A_714 : memref<125x2x128xf32, #tpu.memory_space<hbm>>) dst(%dma_wait3A_711 : memref<125x2x128xf32, #tpu.memory_space<vmem>>)
        %sub3A_715 = arith.constant 32 : i32
        %sub3A_716 = arith.subi %add3A_677, %sub3A_715 : i32
        %ge3A = arith.constant 0 : i32
        %ge3A_717 = arith.cmpi sge, %sub3A_716, %ge3A : i32
        %convert_element_type3A_718 = arith.extui %ge3A_717 : i1 to i32
        %cond3A_719 = arith.constant 0 : i32
        %cond3A_720 = arith.cmpi ne, %convert_element_type3A_718, %cond3A_719 : i32
        scf.if %cond3A_720 {
          %sub3A_750 = arith.constant 1 : i32
          %sub3A_751 = arith.subi %sub3A_750, %rem3A_679 : i32
          %mul3A_752 = arith.constant 125 : i32
          %mul3A_753 = arith.muli %sub3A_716, %mul3A_752 : i32
          %dma_wait3A_754 = arith.constant 0 : i32
          %dma_wait3A_755 = arith.constant 0 : i32
          %dma_wait3A_756 = arith.constant 0 : i32
          %dma_wait3A_757 = tpu.memref_slice %arg7[%sub3A_751, %dma_wait3A_754, %dma_wait3A_755, %dma_wait3A_756] : memref<2x125x2x128xf32, #tpu.memory_space<vmem>> -> memref<1x125x2x128xf32, #tpu.memory_space<vmem>>
          %dma_wait3A_758 = tpu.memref_squeeze %dma_wait3A_757 : memref<1x125x2x128xf32, #tpu.memory_space<vmem>> -> memref<125x2x128xf32, #tpu.memory_space<vmem>>
          %dma_wait3A_759 = arith.constant 0 : i32
          %dma_wait3A_760 = arith.constant 0 : i32
          %dma_wait3A_761 = tpu.memref_slice %arg5[%mul3A_753, %dma_wait3A_759, %dma_wait3A_760] : memref<15625x2x128xf32, #tpu.memory_space<hbm>> -> memref<125x2x128xf32, #tpu.memory_space<hbm>>
          %dma_wait3A_762 = tpu.memref_slice %arg11[%sub3A_751] : memref<2x!tpu.dma_semaphore, #tpu.memory_space<semaphore_mem>> -> memref<1x!tpu.dma_semaphore, #tpu.memory_space<semaphore_mem>>
          %dma_wait3A_763 = tpu.memref_squeeze %dma_wait3A_762 : memref<1x!tpu.dma_semaphore, #tpu.memory_space<semaphore_mem>> -> memref<!tpu.dma_semaphore, #tpu.memory_space<semaphore_mem>>
          %dma_wait3A_764 = arith.constant 0 : i32
          %dma_wait3A_765 = arith.constant 0 : i32
          %dma_wait3A_766 = tpu.memref_slice %arg5[%mul3A_753, %dma_wait3A_764, %dma_wait3A_765] : memref<15625x2x128xf32, #tpu.memory_space<hbm>> -> memref<125x2x128xf32, #tpu.memory_space<hbm>>
          %dma_wait3A_767 = arith.constant 0 : i32
          %dma_wait3A_768 = arith.constant 0 : i32
          %dma_wait3A_769 = arith.constant 0 : i32
          %dma_wait3A_770 = tpu.memref_slice %arg7[%sub3A_751, %dma_wait3A_767, %dma_wait3A_768, %dma_wait3A_769] : memref<2x125x2x128xf32, #tpu.memory_space<vmem>> -> memref<1x125x2x128xf32, #tpu.memory_space<vmem>>
          %dma_wait3A_771 = tpu.memref_squeeze %dma_wait3A_770 : memref<1x125x2x128xf32, #tpu.memory_space<vmem>> -> memref<125x2x128xf32, #tpu.memory_space<vmem>>
          tpu.wait_dma2 semaphore(%dma_wait3A_763 : memref<!tpu.dma_semaphore, #tpu.memory_space<semaphore_mem>>) src(%dma_wait3A_771 : memref<125x2x128xf32, #tpu.memory_space<vmem>>) dst(%dma_wait3A_766 : memref<125x2x128xf32, #tpu.memory_space<hbm>>)
        } else {
        }
        %add3A_721 = arith.constant 32 : i32
        %add3A_722 = arith.addi %add3A_677, %add3A_721 : i32
        %lt3A_723 = arith.constant 125 : i32
        %lt3A_724 = arith.cmpi slt, %add3A_722, %lt3A_723 : i32
        %convert_element_type3A_725 = arith.extui %lt3A_724 : i1 to i32
        %cond3A_726 = arith.constant 0 : i32
        %cond3A_727 = arith.cmpi ne, %convert_element_type3A_725, %cond3A_726 : i32
        scf.if %cond3A_727 {
          %sub3A_750 = arith.constant 1 : i32
          %sub3A_751 = arith.subi %sub3A_750, %rem3A_679 : i32
          %mul3A_752 = arith.constant 16000 : i32
          %mul3A_753 = arith.muli %add3A_722, %mul3A_752 : i32
          %dma_start3A_754 = arith.constant 0 : i32
          %dma_start3A_755 = tpu.memref_slice %arg6[%sub3A_751, %dma_start3A_754] : memref<2x16000xi32, #tpu.memory_space<vmem>> -> memref<1x16000xi32, #tpu.memory_space<vmem>>
          %dma_start3A_756 = tpu.memref_squeeze %dma_start3A_755 : memref<1x16000xi32, #tpu.memory_space<vmem>> -> memref<16000xi32, #tpu.memory_space<vmem>>
          %dma_start3A_757 = tpu.memref_slice %arg3[%mul3A_753] : memref<2000000xi32, #tpu.memory_space<hbm>> -> memref<16000xi32, #tpu.memory_space<hbm>>
          %dma_start3A_758 = tpu.memref_slice %arg10[%sub3A_751] : memref<2x!tpu.dma_semaphore, #tpu.memory_space<semaphore_mem>> -> memref<1x!tpu.dma_semaphore, #tpu.memory_space<semaphore_mem>>
          %dma_start3A_759 = tpu.memref_squeeze %dma_start3A_758 : memref<1x!tpu.dma_semaphore, #tpu.memory_space<semaphore_mem>> -> memref<!tpu.dma_semaphore, #tpu.memory_space<semaphore_mem>>
          %dma_start3A_760 = arith.constant 0 : i32
          %dma_start3A_761 = tpu.memref_slice %arg6[%sub3A_751, %dma_start3A_760] : memref<2x16000xi32, #tpu.memory_space<vmem>> -> memref<1x16000xi32, #tpu.memory_space<vmem>>
          %dma_start3A_762 = tpu.memref_squeeze %dma_start3A_761 : memref<1x16000xi32, #tpu.memory_space<vmem>> -> memref<16000xi32, #tpu.memory_space<vmem>>
          %dma_start3A_763 = tpu.memref_slice %arg3[%mul3A_753] : memref<2000000xi32, #tpu.memory_space<hbm>> -> memref<16000xi32, #tpu.memory_space<hbm>>
          tpu.enqueue_dma source(%dma_start3A_763 : memref<16000xi32, #tpu.memory_space<hbm>>) target(%dma_start3A_762 : memref<16000xi32, #tpu.memory_space<vmem>>) target_semaphore(%dma_start3A_759 : memref<!tpu.dma_semaphore, #tpu.memory_space<semaphore_mem>>)
          %mul3A_764 = arith.constant 125 : i32
          %mul3A_765 = arith.muli %add3A_722, %mul3A_764 : i32
          %dma_start3A_766 = arith.constant 0 : i32
          %dma_start3A_767 = arith.constant 0 : i32
          %dma_start3A_768 = arith.constant 0 : i32
          %dma_start3A_769 = tpu.memref_slice %arg7[%sub3A_751, %dma_start3A_766, %dma_start3A_767, %dma_start3A_768] : memref<2x125x2x128xf32, #tpu.memory_space<vmem>> -> memref<1x125x2x128xf32, #tpu.memory_space<vmem>>
          %dma_start3A_770 = tpu.memref_squeeze %dma_start3A_769 : memref<1x125x2x128xf32, #tpu.memory_space<vmem>> -> memref<125x2x128xf32, #tpu.memory_space<vmem>>
          %dma_start3A_771 = arith.constant 0 : i32
          %dma_start3A_772 = arith.constant 0 : i32
          %dma_start3A_773 = tpu.memref_slice %arg2[%mul3A_765, %dma_start3A_771, %dma_start3A_772] : memref<15625x2x128xf32, #tpu.memory_space<hbm>> -> memref<125x2x128xf32, #tpu.memory_space<hbm>>
          %dma_start3A_774 = tpu.memref_slice %arg10[%sub3A_751] : memref<2x!tpu.dma_semaphore, #tpu.memory_space<semaphore_mem>> -> memref<1x!tpu.dma_semaphore, #tpu.memory_space<semaphore_mem>>
          %dma_start3A_775 = tpu.memref_squeeze %dma_start3A_774 : memref<1x!tpu.dma_semaphore, #tpu.memory_space<semaphore_mem>> -> memref<!tpu.dma_semaphore, #tpu.memory_space<semaphore_mem>>
          %dma_start3A_776 = arith.constant 0 : i32
          %dma_start3A_777 = arith.constant 0 : i32
          %dma_start3A_778 = arith.constant 0 : i32
          %dma_start3A_779 = tpu.memref_slice %arg7[%sub3A_751, %dma_start3A_776, %dma_start3A_777, %dma_start3A_778] : memref<2x125x2x128xf32, #tpu.memory_space<vmem>> -> memref<1x125x2x128xf32, #tpu.memory_space<vmem>>
          %dma_start3A_780 = tpu.memref_squeeze %dma_start3A_779 : memref<1x125x2x128xf32, #tpu.memory_space<vmem>> -> memref<125x2x128xf32, #tpu.memory_space<vmem>>
          %dma_start3A_781 = arith.constant 0 : i32
          %dma_start3A_782 = arith.constant 0 : i32
          %dma_start3A_783 = tpu.memref_slice %arg2[%mul3A_765, %dma_start3A_781, %dma_start3A_782] : memref<15625x2x128xf32, #tpu.memory_space<hbm>> -> memref<125x2x128xf32, #tpu.memory_space<hbm>>
          tpu.enqueue_dma source(%dma_start3A_783 : memref<125x2x128xf32, #tpu.memory_space<hbm>>) target(%dma_start3A_780 : memref<125x2x128xf32, #tpu.memory_space<vmem>>) target_semaphore(%dma_start3A_775 : memref<!tpu.dma_semaphore, #tpu.memory_space<semaphore_mem>>)
        } else {
        }
        %parallel_loop3A = arith.constant 0 : i32
        %parallel_loop3A_728 = arith.constant 125 : i32
        %parallel_loop3A_729 = arith.constant 1 : i32
        scf.for %parallel_loop3A_750 = %parallel_loop3A to %parallel_loop3A_728 step %parallel_loop3A_729  : i32 {
          %parallel_loop3A_751 = arith.constant 128 : i32
          %parallel_loop3A_752 = arith.muli %parallel_loop3A_750, %parallel_loop3A_751 : i32
          %parallel_loop3A_753 = arith.constant 0 : i32
          %parallel_loop3A_754 = arith.addi %parallel_loop3A_752, %parallel_loop3A_753 : i32
          %parallel_loop3A_755 = arith.index_cast %rem3A_679 : i32 to index
          %parallel_loop3A_756 = arith.index_cast %parallel_loop3A_754 : i32 to index
          %parallel_loop3A_757 = tpu.vector_load %arg6[%parallel_loop3A_755, %parallel_loop3A_756] {strides = array<i32>} : memref<2x16000xi32, #tpu.memory_space<vmem>>, vector<16xi32>,
          %parallel_loop3A_758 = arith.muli %parallel_loop3A_757, %broadcast_in_dim3A_619 : vector<16xi32>
          %parallel_loop3A_759 = arith.addi %parallel_loop3A_758, %iota3A : vector<16xi32>
          %parallel_loop3A_760 = tpu.vector_load_idx %arg9[%parallel_loop3A_759] : memref<2784xf32, #tpu.memory_space<vmem>>[vector<16xi32>], vector<16xf32>,
          %parallel_loop3A_761 = arith.addi %parallel_loop3A_758, %add3A_617 : vector<16xi32>
          %parallel_loop3A_762 = tpu.vector_load_idx %arg9[%parallel_loop3A_761] : memref<2784xf32, #tpu.memory_space<vmem>>[vector<16xi32>], vector<16xf32>,
          %parallel_loop3A_763 = arith.constant 0 : i32
          %parallel_loop3A_764 = arith.index_cast %rem3A_679 : i32 to index
          %parallel_loop3A_765 = arith.index_cast %parallel_loop3A_750 : i32 to index
          %parallel_loop3A_766 = arith.index_cast %parallel_loop3A_763 : i32 to index
          %parallel_loop3A_767 = arith.constant 0 : index
          %parallel_loop3A_768 = tpu.vector_load %arg7[%parallel_loop3A_764, %parallel_loop3A_765, %parallel_loop3A_766, %parallel_loop3A_767] {strides = array<i32>} : memref<2x125x2x128xf32, #tpu.memory_space<vmem>>, vector<16xf32>,
          %parallel_loop3A_769 = arith.constant 1 : i32
          %parallel_loop3A_770 = arith.index_cast %rem3A_679 : i32 to index
          %parallel_loop3A_771 = arith.index_cast %parallel_loop3A_750 : i32 to index
          %parallel_loop3A_772 = arith.index_cast %parallel_loop3A_769 : i32 to index
          %parallel_loop3A_773 = arith.constant 0 : index
          %parallel_loop3A_774 = tpu.vector_load %arg7[%parallel_loop3A_770, %parallel_loop3A_771, %parallel_loop3A_772, %parallel_loop3A_773] {strides = array<i32>} : memref<2x125x2x128xf32, #tpu.memory_space<vmem>>, vector<16xf32>,
          %parallel_loop3A_775 = arith.minimumf %parallel_loop3A_768, %broadcast_in_dim3A_623 : vector<16xf32>
          %parallel_loop3A_776 = arith.maximumf %parallel_loop3A_775, %broadcast_in_dim3A_621 : vector<16xf32>
          %parallel_loop3A_777 = math.exp %parallel_loop3A_776 : vector<16xf32>
          %parallel_loop3A_778 = arith.minimumf %parallel_loop3A_774, %broadcast_in_dim3A_623 : vector<16xf32>
          %parallel_loop3A_779 = arith.maximumf %parallel_loop3A_778, %broadcast_in_dim3A_621 : vector<16xf32>
          %parallel_loop3A_780 = math.exp %parallel_loop3A_779 : vector<16xf32>
          %parallel_loop3A_781 = arith.mulf %parallel_loop3A_760, %parallel_loop3A_777 : vector<16xf32>
          %parallel_loop3A_782 = arith.constant 0 : i32
          %parallel_loop3A_783 = arith.index_cast %rem3A_679 : i32 to index
          %parallel_loop3A_784 = arith.index_cast %parallel_loop3A_750 : i32 to index
          %parallel_loop3A_785 = arith.index_cast %parallel_loop3A_782 : i32 to index
          %parallel_loop3A_786 = arith.constant 0 : index
          %parallel_loop3A_787 = tpu.vector_load %arg7[%parallel_loop3A_783, %parallel_loop3A_784, %parallel_loop3A_785, %parallel_loop3A_786] {strides = array<i32>} : memref<2x125x2x128xf32, #tpu.memory_space<vmem>>, vector<16xf32>,
          tpu.vector_store %arg7[%parallel_loop3A_783, %parallel_loop3A_784, %parallel_loop3A_785, %parallel_loop3A_786], %parallel_loop3A_781 {strides = array<i32>} : memref<2x125x2x128xf32, #tpu.memory_space<vmem>>, vector<16xf32>,
          %parallel_loop3A_788 = arith.mulf %parallel_loop3A_762, %parallel_loop3A_780 : vector<16xf32>
          %parallel_loop3A_789 = arith.constant 1 : i32
          %parallel_loop3A_790 = arith.index_cast %rem3A_679 : i32 to index
          %parallel_loop3A_791 = arith.index_cast %parallel_loop3A_750 : i32 to index
          %parallel_loop3A_792 = arith.index_cast %parallel_loop3A_789 : i32 to index
          %parallel_loop3A_793 = arith.constant 0 : index
          %parallel_loop3A_794 = tpu.vector_load %arg7[%parallel_loop3A_790, %parallel_loop3A_791, %parallel_loop3A_792, %parallel_loop3A_793] {strides = array<i32>} : memref<2x125x2x128xf32, #tpu.memory_space<vmem>>, vector<16xf32>,
          tpu.vector_store %arg7[%parallel_loop3A_790, %parallel_loop3A_791, %parallel_loop3A_792, %parallel_loop3A_793], %parallel_loop3A_788 {strides = array<i32>} : memref<2x125x2x128xf32, #tpu.memory_space<vmem>>, vector<16xf32>,
          %parallel_loop3A_795 = arith.constant 16 : i32
          %parallel_loop3A_796 = arith.addi %parallel_loop3A_752, %parallel_loop3A_795 : i32
          %parallel_loop3A_797 = arith.index_cast %rem3A_679 : i32 to index
          %parallel_loop3A_798 = arith.index_cast %parallel_loop3A_796 : i32 to index
          %parallel_loop3A_799 = tpu.vector_load %arg6[%parallel_loop3A_797, %parallel_loop3A_798] {strides = array<i32>} : memref<2x16000xi32, #tpu.memory_space<vmem>>, vector<16xi32>,
          %parallel_loop3A_800 = arith.muli %parallel_loop3A_799, %broadcast_in_dim3A_619 : vector<16xi32>
          %parallel_loop3A_801 = arith.addi %parallel_loop3A_800, %iota3A : vector<16xi32>
          %parallel_loop3A_802 = tpu.vector_load_idx %arg9[%parallel_loop3A_801] : memref<2784xf32, #tpu.memory_space<vmem>>[vector<16xi32>], vector<16xf32>,
          %parallel_loop3A_803 = arith.addi %parallel_loop3A_800, %add3A_617 : vector<16xi32>
          %parallel_loop3A_804 = tpu.vector_load_idx %arg9[%parallel_loop3A_803] : memref<2784xf32, #tpu.memory_space<vmem>>[vector<16xi32>], vector<16xf32>,
          %parallel_loop3A_805 = arith.constant 0 : i32
          %parallel_loop3A_806 = arith.index_cast %rem3A_679 : i32 to index
          %parallel_loop3A_807 = arith.index_cast %parallel_loop3A_750 : i32 to index
          %parallel_loop3A_808 = arith.index_cast %parallel_loop3A_805 : i32 to index
          %parallel_loop3A_809 = arith.constant 16 : index
          %parallel_loop3A_810 = tpu.vector_load %arg7[%parallel_loop3A_806, %parallel_loop3A_807, %parallel_loop3A_808, %parallel_loop3A_809] {strides = array<i32>} : memref<2x125x2x128xf32, #tpu.memory_space<vmem>>, vector<16xf32>,
          %parallel_loop3A_811 = arith.constant 1 : i32
          %parallel_loop3A_812 = arith.index_cast %rem3A_679 : i32 to index
          %parallel_loop3A_813 = arith.index_cast %parallel_loop3A_750 : i32 to index
          %parallel_loop3A_814 = arith.index_cast %parallel_loop3A_811 : i32 to index
          %parallel_loop3A_815 = arith.constant 16 : index
          %parallel_loop3A_816 = tpu.vector_load %arg7[%parallel_loop3A_812, %parallel_loop3A_813, %parallel_loop3A_814, %parallel_loop3A_815] {strides = array<i32>} : memref<2x125x2x128xf32, #tpu.memory_space<vmem>>, vector<16xf32>,
          %parallel_loop3A_817 = arith.minimumf %parallel_loop3A_810, %broadcast_in_dim3A_623 : vector<16xf32>
          %parallel_loop3A_818 = arith.maximumf %parallel_loop3A_817, %broadcast_in_dim3A_621 : vector<16xf32>
          %parallel_loop3A_819 = math.exp %parallel_loop3A_818 : vector<16xf32>
          %parallel_loop3A_820 = arith.minimumf %parallel_loop3A_816, %broadcast_in_dim3A_623 : vector<16xf32>
          %parallel_loop3A_821 = arith.maximumf %parallel_loop3A_820, %broadcast_in_dim3A_621 : vector<16xf32>
          %parallel_loop3A_822 = math.exp %parallel_loop3A_821 : vector<16xf32>
          %parallel_loop3A_823 = arith.mulf %parallel_loop3A_802, %parallel_loop3A_819 : vector<16xf32>
          %parallel_loop3A_824 = arith.constant 0 : i32
          %parallel_loop3A_825 = arith.index_cast %rem3A_679 : i32 to index
          %parallel_loop3A_826 = arith.index_cast %parallel_loop3A_750 : i32 to index
          %parallel_loop3A_827 = arith.index_cast %parallel_loop3A_824 : i32 to index
          %parallel_loop3A_828 = arith.constant 16 : index
          %parallel_loop3A_829 = tpu.vector_load %arg7[%parallel_loop3A_825, %parallel_loop3A_826, %parallel_loop3A_827, %parallel_loop3A_828] {strides = array<i32>} : memref<2x125x2x128xf32, #tpu.memory_space<vmem>>, vector<16xf32>,
          tpu.vector_store %arg7[%parallel_loop3A_825, %parallel_loop3A_826, %parallel_loop3A_827, %parallel_loop3A_828], %parallel_loop3A_823 {strides = array<i32>} : memref<2x125x2x128xf32, #tpu.memory_space<vmem>>, vector<16xf32>,
          %parallel_loop3A_830 = arith.mulf %parallel_loop3A_804, %parallel_loop3A_822 : vector<16xf32>
          %parallel_loop3A_831 = arith.constant 1 : i32
          %parallel_loop3A_832 = arith.index_cast %rem3A_679 : i32 to index
          %parallel_loop3A_833 = arith.index_cast %parallel_loop3A_750 : i32 to index
          %parallel_loop3A_834 = arith.index_cast %parallel_loop3A_831 : i32 to index
          %parallel_loop3A_835 = arith.constant 16 : index
          %parallel_loop3A_836 = tpu.vector_load %arg7[%parallel_loop3A_832, %parallel_loop3A_833, %parallel_loop3A_834, %parallel_loop3A_835] {strides = array<i32>} : memref<2x125x2x128xf32, #tpu.memory_space<vmem>>, vector<16xf32>,
          tpu.vector_store %arg7[%parallel_loop3A_832, %parallel_loop3A_833, %parallel_loop3A_834, %parallel_loop3A_835], %parallel_loop3A_830 {strides = array<i32>} : memref<2x125x2x128xf32, #tpu.memory_space<vmem>>, vector<16xf32>,
          %parallel_loop3A_837 = arith.constant 32 : i32
          %parallel_loop3A_838 = arith.addi %parallel_loop3A_752, %parallel_loop3A_837 : i32
          %parallel_loop3A_839 = arith.index_cast %rem3A_679 : i32 to index
          %parallel_loop3A_840 = arith.index_cast %parallel_loop3A_838 : i32 to index
          %parallel_loop3A_841 = tpu.vector_load %arg6[%parallel_loop3A_839, %parallel_loop3A_840] {strides = array<i32>} : memref<2x16000xi32, #tpu.memory_space<vmem>>, vector<16xi32>,
          %parallel_loop3A_842 = arith.muli %parallel_loop3A_841, %broadcast_in_dim3A_619 : vector<16xi32>
          %parallel_loop3A_843 = arith.addi %parallel_loop3A_842, %iota3A : vector<16xi32>
          %parallel_loop3A_844 = tpu.vector_load_idx %arg9[%parallel_loop3A_843] : memref<2784xf32, #tpu.memory_space<vmem>>[vector<16xi32>], vector<16xf32>,
          %parallel_loop3A_845 = arith.addi %parallel_loop3A_842, %add3A_617 : vector<16xi32>
          %parallel_loop3A_846 = tpu.vector_load_idx %arg9[%parallel_loop3A_845] : memref<2784xf32, #tpu.memory_space<vmem>>[vector<16xi32>], vector<16xf32>,
          %parallel_loop3A_847 = arith.constant 0 : i32
          %parallel_loop3A_848 = arith.index_cast %rem3A_679 : i32 to index
          %parallel_loop3A_849 = arith.index_cast %parallel_loop3A_750 : i32 to index
          %parallel_loop3A_850 = arith.index_cast %parallel_loop3A_847 : i32 to index
          %parallel_loop3A_851 = arith.constant 32 : index
          %parallel_loop3A_852 = tpu.vector_load %arg7[%parallel_loop3A_848, %parallel_loop3A_849, %parallel_loop3A_850, %parallel_loop3A_851] {strides = array<i32>} : memref<2x125x2x128xf32, #tpu.memory_space<vmem>>, vector<16xf32>,
          %parallel_loop3A_853 = arith.constant 1 : i32
          %parallel_loop3A_854 = arith.index_cast %rem3A_679 : i32 to index
          %parallel_loop3A_855 = arith.index_cast %parallel_loop3A_750 : i32 to index
          %parallel_loop3A_856 = arith.index_cast %parallel_loop3A_853 : i32 to index
          %parallel_loop3A_857 = arith.constant 32 : index
          %parallel_loop3A_858 = tpu.vector_load %arg7[%parallel_loop3A_854, %parallel_loop3A_855, %parallel_loop3A_856, %parallel_loop3A_857] {strides = array<i32>} : memref<2x125x2x128xf32, #tpu.memory_space<vmem>>, vector<16xf32>,
          %parallel_loop3A_859 = arith.minimumf %parallel_loop3A_852, %broadcast_in_dim3A_623 : vector<16xf32>
          %parallel_loop3A_860 = arith.maximumf %parallel_loop3A_859, %broadcast_in_dim3A_621 : vector<16xf32>
          %parallel_loop3A_861 = math.exp %parallel_loop3A_860 : vector<16xf32>
          %parallel_loop3A_862 = arith.minimumf %parallel_loop3A_858, %broadcast_in_dim3A_623 : vector<16xf32>
          %parallel_loop3A_863 = arith.maximumf %parallel_loop3A_862, %broadcast_in_dim3A_621 : vector<16xf32>
          %parallel_loop3A_864 = math.exp %parallel_loop3A_863 : vector<16xf32>
          %parallel_loop3A_865 = arith.mulf %parallel_loop3A_844, %parallel_loop3A_861 : vector<16xf32>
          %parallel_loop3A_866 = arith.constant 0 : i32
          %parallel_loop3A_867 = arith.index_cast %rem3A_679 : i32 to index
          %parallel_loop3A_868 = arith.index_cast %parallel_loop3A_750 : i32 to index
          %parallel_loop3A_869 = arith.index_cast %parallel_loop3A_866 : i32 to index
          %parallel_loop3A_870 = arith.constant 32 : index
          %parallel_loop3A_871 = tpu.vector_load %arg7[%parallel_loop3A_867, %parallel_loop3A_868, %parallel_loop3A_869, %parallel_loop3A_870] {strides = array<i32>} : memref<2x125x2x128xf32, #tpu.memory_space<vmem>>, vector<16xf32>,
          tpu.vector_store %arg7[%parallel_loop3A_867, %parallel_loop3A_868, %parallel_loop3A_869, %parallel_loop3A_870], %parallel_loop3A_865 {strides = array<i32>} : memref<2x125x2x128xf32, #tpu.memory_space<vmem>>, vector<16xf32>,
          %parallel_loop3A_872 = arith.mulf %parallel_loop3A_846, %parallel_loop3A_864 : vector<16xf32>
          %parallel_loop3A_873 = arith.constant 1 : i32
          %parallel_loop3A_874 = arith.index_cast %rem3A_679 : i32 to index
          %parallel_loop3A_875 = arith.index_cast %parallel_loop3A_750 : i32 to index
          %parallel_loop3A_876 = arith.index_cast %parallel_loop3A_873 : i32 to index
          %parallel_loop3A_877 = arith.constant 32 : index
          %parallel_loop3A_878 = tpu.vector_load %arg7[%parallel_loop3A_874, %parallel_loop3A_875, %parallel_loop3A_876, %parallel_loop3A_877] {strides = array<i32>} : memref<2x125x2x128xf32, #tpu.memory_space<vmem>>, vector<16xf32>,
          tpu.vector_store %arg7[%parallel_loop3A_874, %parallel_loop3A_875, %parallel_loop3A_876, %parallel_loop3A_877], %parallel_loop3A_872 {strides = array<i32>} : memref<2x125x2x128xf32, #tpu.memory_space<vmem>>, vector<16xf32>,
          %parallel_loop3A_879 = arith.constant 48 : i32
          %parallel_loop3A_880 = arith.addi %parallel_loop3A_752, %parallel_loop3A_879 : i32
          %parallel_loop3A_881 = arith.index_cast %rem3A_679 : i32 to index
          %parallel_loop3A_882 = arith.index_cast %parallel_loop3A_880 : i32 to index
          %parallel_loop3A_883 = tpu.vector_load %arg6[%parallel_loop3A_881, %parallel_loop3A_882] {strides = array<i32>} : memref<2x16000xi32, #tpu.memory_space<vmem>>, vector<16xi32>,
          %parallel_loop3A_884 = arith.muli %parallel_loop3A_883, %broadcast_in_dim3A_619 : vector<16xi32>
          %parallel_loop3A_885 = arith.addi %parallel_loop3A_884, %iota3A : vector<16xi32>
          %parallel_loop3A_886 = tpu.vector_load_idx %arg9[%parallel_loop3A_885] : memref<2784xf32, #tpu.memory_space<vmem>>[vector<16xi32>], vector<16xf32>,
          %parallel_loop3A_887 = arith.addi %parallel_loop3A_884, %add3A_617 : vector<16xi32>
          %parallel_loop3A_888 = tpu.vector_load_idx %arg9[%parallel_loop3A_887] : memref<2784xf32, #tpu.memory_space<vmem>>[vector<16xi32>], vector<16xf32>,
          %parallel_loop3A_889 = arith.constant 0 : i32
          %parallel_loop3A_890 = arith.index_cast %rem3A_679 : i32 to index
          %parallel_loop3A_891 = arith.index_cast %parallel_loop3A_750 : i32 to index
          %parallel_loop3A_892 = arith.index_cast %parallel_loop3A_889 : i32 to index
          %parallel_loop3A_893 = arith.constant 48 : index
          %parallel_loop3A_894 = tpu.vector_load %arg7[%parallel_loop3A_890, %parallel_loop3A_891, %parallel_loop3A_892, %parallel_loop3A_893] {strides = array<i32>} : memref<2x125x2x128xf32, #tpu.memory_space<vmem>>, vector<16xf32>,
          %parallel_loop3A_895 = arith.constant 1 : i32
          %parallel_loop3A_896 = arith.index_cast %rem3A_679 : i32 to index
          %parallel_loop3A_897 = arith.index_cast %parallel_loop3A_750 : i32 to index
          %parallel_loop3A_898 = arith.index_cast %parallel_loop3A_895 : i32 to index
          %parallel_loop3A_899 = arith.constant 48 : index
          %parallel_loop3A_900 = tpu.vector_load %arg7[%parallel_loop3A_896, %parallel_loop3A_897, %parallel_loop3A_898, %parallel_loop3A_899] {strides = array<i32>} : memref<2x125x2x128xf32, #tpu.memory_space<vmem>>, vector<16xf32>,
          %parallel_loop3A_901 = arith.minimumf %parallel_loop3A_894, %broadcast_in_dim3A_623 : vector<16xf32>
          %parallel_loop3A_902 = arith.maximumf %parallel_loop3A_901, %broadcast_in_dim3A_621 : vector<16xf32>
          %parallel_loop3A_903 = math.exp %parallel_loop3A_902 : vector<16xf32>
          %parallel_loop3A_904 = arith.minimumf %parallel_loop3A_900, %broadcast_in_dim3A_623 : vector<16xf32>
          %parallel_loop3A_905 = arith.maximumf %parallel_loop3A_904, %broadcast_in_dim3A_621 : vector<16xf32>
          %parallel_loop3A_906 = math.exp %parallel_loop3A_905 : vector<16xf32>
          %parallel_loop3A_907 = arith.mulf %parallel_loop3A_886, %parallel_loop3A_903 : vector<16xf32>
          %parallel_loop3A_908 = arith.constant 0 : i32
          %parallel_loop3A_909 = arith.index_cast %rem3A_679 : i32 to index
          %parallel_loop3A_910 = arith.index_cast %parallel_loop3A_750 : i32 to index
          %parallel_loop3A_911 = arith.index_cast %parallel_loop3A_908 : i32 to index
          %parallel_loop3A_912 = arith.constant 48 : index
          %parallel_loop3A_913 = tpu.vector_load %arg7[%parallel_loop3A_909, %parallel_loop3A_910, %parallel_loop3A_911, %parallel_loop3A_912] {strides = array<i32>} : memref<2x125x2x128xf32, #tpu.memory_space<vmem>>, vector<16xf32>,
          tpu.vector_store %arg7[%parallel_loop3A_909, %parallel_loop3A_910, %parallel_loop3A_911, %parallel_loop3A_912], %parallel_loop3A_907 {strides = array<i32>} : memref<2x125x2x128xf32, #tpu.memory_space<vmem>>, vector<16xf32>,
          %parallel_loop3A_914 = arith.mulf %parallel_loop3A_888, %parallel_loop3A_906 : vector<16xf32>
          %parallel_loop3A_915 = arith.constant 1 : i32
          %parallel_loop3A_916 = arith.index_cast %rem3A_679 : i32 to index
          %parallel_loop3A_917 = arith.index_cast %parallel_loop3A_750 : i32 to index
          %parallel_loop3A_918 = arith.index_cast %parallel_loop3A_915 : i32 to index
          %parallel_loop3A_919 = arith.constant 48 : index
          %parallel_loop3A_920 = tpu.vector_load %arg7[%parallel_loop3A_916, %parallel_loop3A_917, %parallel_loop3A_918, %parallel_loop3A_919] {strides = array<i32>} : memref<2x125x2x128xf32, #tpu.memory_space<vmem>>, vector<16xf32>,
          tpu.vector_store %arg7[%parallel_loop3A_916, %parallel_loop3A_917, %parallel_loop3A_918, %parallel_loop3A_919], %parallel_loop3A_914 {strides = array<i32>} : memref<2x125x2x128xf32, #tpu.memory_space<vmem>>, vector<16xf32>,
          %parallel_loop3A_921 = arith.constant 64 : i32
          %parallel_loop3A_922 = arith.addi %parallel_loop3A_752, %parallel_loop3A_921 : i32
          %parallel_loop3A_923 = arith.index_cast %rem3A_679 : i32 to index
          %parallel_loop3A_924 = arith.index_cast %parallel_loop3A_922 : i32 to index
          %parallel_loop3A_925 = tpu.vector_load %arg6[%parallel_loop3A_923, %parallel_loop3A_924] {strides = array<i32>} : memref<2x16000xi32, #tpu.memory_space<vmem>>, vector<16xi32>,
          %parallel_loop3A_926 = arith.muli %parallel_loop3A_925, %broadcast_in_dim3A_619 : vector<16xi32>
          %parallel_loop3A_927 = arith.addi %parallel_loop3A_926, %iota3A : vector<16xi32>
          %parallel_loop3A_928 = tpu.vector_load_idx %arg9[%parallel_loop3A_927] : memref<2784xf32, #tpu.memory_space<vmem>>[vector<16xi32>], vector<16xf32>,
          %parallel_loop3A_929 = arith.addi %parallel_loop3A_926, %add3A_617 : vector<16xi32>
          %parallel_loop3A_930 = tpu.vector_load_idx %arg9[%parallel_loop3A_929] : memref<2784xf32, #tpu.memory_space<vmem>>[vector<16xi32>], vector<16xf32>,
          %parallel_loop3A_931 = arith.constant 0 : i32
          %parallel_loop3A_932 = arith.index_cast %rem3A_679 : i32 to index
          %parallel_loop3A_933 = arith.index_cast %parallel_loop3A_750 : i32 to index
          %parallel_loop3A_934 = arith.index_cast %parallel_loop3A_931 : i32 to index
          %parallel_loop3A_935 = arith.constant 64 : index
          %parallel_loop3A_936 = tpu.vector_load %arg7[%parallel_loop3A_932, %parallel_loop3A_933, %parallel_loop3A_934, %parallel_loop3A_935] {strides = array<i32>} : memref<2x125x2x128xf32, #tpu.memory_space<vmem>>, vector<16xf32>,
          %parallel_loop3A_937 = arith.constant 1 : i32
          %parallel_loop3A_938 = arith.index_cast %rem3A_679 : i32 to index
          %parallel_loop3A_939 = arith.index_cast %parallel_loop3A_750 : i32 to index
          %parallel_loop3A_940 = arith.index_cast %parallel_loop3A_937 : i32 to index
          %parallel_loop3A_941 = arith.constant 64 : index
          %parallel_loop3A_942 = tpu.vector_load %arg7[%parallel_loop3A_938, %parallel_loop3A_939, %parallel_loop3A_940, %parallel_loop3A_941] {strides = array<i32>} : memref<2x125x2x128xf32, #tpu.memory_space<vmem>>, vector<16xf32>,
          %parallel_loop3A_943 = arith.minimumf %parallel_loop3A_936, %broadcast_in_dim3A_623 : vector<16xf32>
          %parallel_loop3A_944 = arith.maximumf %parallel_loop3A_943, %broadcast_in_dim3A_621 : vector<16xf32>
          %parallel_loop3A_945 = math.exp %parallel_loop3A_944 : vector<16xf32>
          %parallel_loop3A_946 = arith.minimumf %parallel_loop3A_942, %broadcast_in_dim3A_623 : vector<16xf32>
          %parallel_loop3A_947 = arith.maximumf %parallel_loop3A_946, %broadcast_in_dim3A_621 : vector<16xf32>
          %parallel_loop3A_948 = math.exp %parallel_loop3A_947 : vector<16xf32>
          %parallel_loop3A_949 = arith.mulf %parallel_loop3A_928, %parallel_loop3A_945 : vector<16xf32>
          %parallel_loop3A_950 = arith.constant 0 : i32
          %parallel_loop3A_951 = arith.index_cast %rem3A_679 : i32 to index
          %parallel_loop3A_952 = arith.index_cast %parallel_loop3A_750 : i32 to index
          %parallel_loop3A_953 = arith.index_cast %parallel_loop3A_950 : i32 to index
          %parallel_loop3A_954 = arith.constant 64 : index
          %parallel_loop3A_955 = tpu.vector_load %arg7[%parallel_loop3A_951, %parallel_loop3A_952, %parallel_loop3A_953, %parallel_loop3A_954] {strides = array<i32>} : memref<2x125x2x128xf32, #tpu.memory_space<vmem>>, vector<16xf32>,
          tpu.vector_store %arg7[%parallel_loop3A_951, %parallel_loop3A_952, %parallel_loop3A_953, %parallel_loop3A_954], %parallel_loop3A_949 {strides = array<i32>} : memref<2x125x2x128xf32, #tpu.memory_space<vmem>>, vector<16xf32>,
          %parallel_loop3A_956 = arith.mulf %parallel_loop3A_930, %parallel_loop3A_948 : vector<16xf32>
          %parallel_loop3A_957 = arith.constant 1 : i32
          %parallel_loop3A_958 = arith.index_cast %rem3A_679 : i32 to index
          %parallel_loop3A_959 = arith.index_cast %parallel_loop3A_750 : i32 to index
          %parallel_loop3A_960 = arith.index_cast %parallel_loop3A_957 : i32 to index
          %parallel_loop3A_961 = arith.constant 64 : index
          %parallel_loop3A_962 = tpu.vector_load %arg7[%parallel_loop3A_958, %parallel_loop3A_959, %parallel_loop3A_960, %parallel_loop3A_961] {strides = array<i32>} : memref<2x125x2x128xf32, #tpu.memory_space<vmem>>, vector<16xf32>,
          tpu.vector_store %arg7[%parallel_loop3A_958, %parallel_loop3A_959, %parallel_loop3A_960, %parallel_loop3A_961], %parallel_loop3A_956 {strides = array<i32>} : memref<2x125x2x128xf32, #tpu.memory_space<vmem>>, vector<16xf32>,
          %parallel_loop3A_963 = arith.constant 80 : i32
          %parallel_loop3A_964 = arith.addi %parallel_loop3A_752, %parallel_loop3A_963 : i32
          %parallel_loop3A_965 = arith.index_cast %rem3A_679 : i32 to index
          %parallel_loop3A_966 = arith.index_cast %parallel_loop3A_964 : i32 to index
          %parallel_loop3A_967 = tpu.vector_load %arg6[%parallel_loop3A_965, %parallel_loop3A_966] {strides = array<i32>} : memref<2x16000xi32, #tpu.memory_space<vmem>>, vector<16xi32>,
          %parallel_loop3A_968 = arith.muli %parallel_loop3A_967, %broadcast_in_dim3A_619 : vector<16xi32>
          %parallel_loop3A_969 = arith.addi %parallel_loop3A_968, %iota3A : vector<16xi32>
          %parallel_loop3A_970 = tpu.vector_load_idx %arg9[%parallel_loop3A_969] : memref<2784xf32, #tpu.memory_space<vmem>>[vector<16xi32>], vector<16xf32>,
          %parallel_loop3A_971 = arith.addi %parallel_loop3A_968, %add3A_617 : vector<16xi32>
          %parallel_loop3A_972 = tpu.vector_load_idx %arg9[%parallel_loop3A_971] : memref<2784xf32, #tpu.memory_space<vmem>>[vector<16xi32>], vector<16xf32>,
          %parallel_loop3A_973 = arith.constant 0 : i32
          %parallel_loop3A_974 = arith.index_cast %rem3A_679 : i32 to index
          %parallel_loop3A_975 = arith.index_cast %parallel_loop3A_750 : i32 to index
          %parallel_loop3A_976 = arith.index_cast %parallel_loop3A_973 : i32 to index
          %parallel_loop3A_977 = arith.constant 80 : index
          %parallel_loop3A_978 = tpu.vector_load %arg7[%parallel_loop3A_974, %parallel_loop3A_975, %parallel_loop3A_976, %parallel_loop3A_977] {strides = array<i32>} : memref<2x125x2x128xf32, #tpu.memory_space<vmem>>, vector<16xf32>,
          %parallel_loop3A_979 = arith.constant 1 : i32
          %parallel_loop3A_980 = arith.index_cast %rem3A_679 : i32 to index
          %parallel_loop3A_981 = arith.index_cast %parallel_loop3A_750 : i32 to index
          %parallel_loop3A_982 = arith.index_cast %parallel_loop3A_979 : i32 to index
          %parallel_loop3A_983 = arith.constant 80 : index
          %parallel_loop3A_984 = tpu.vector_load %arg7[%parallel_loop3A_980, %parallel_loop3A_981, %parallel_loop3A_982, %parallel_loop3A_983] {strides = array<i32>} : memref<2x125x2x128xf32, #tpu.memory_space<vmem>>, vector<16xf32>,
          %parallel_loop3A_985 = arith.minimumf %parallel_loop3A_978, %broadcast_in_dim3A_623 : vector<16xf32>
          %parallel_loop3A_986 = arith.maximumf %parallel_loop3A_985, %broadcast_in_dim3A_621 : vector<16xf32>
          %parallel_loop3A_987 = math.exp %parallel_loop3A_986 : vector<16xf32>
          %parallel_loop3A_988 = arith.minimumf %parallel_loop3A_984, %broadcast_in_dim3A_623 : vector<16xf32>
          %parallel_loop3A_989 = arith.maximumf %parallel_loop3A_988, %broadcast_in_dim3A_621 : vector<16xf32>
          %parallel_loop3A_990 = math.exp %parallel_loop3A_989 : vector<16xf32>
          %parallel_loop3A_991 = arith.mulf %parallel_loop3A_970, %parallel_loop3A_987 : vector<16xf32>
          %parallel_loop3A_992 = arith.constant 0 : i32
          %parallel_loop3A_993 = arith.index_cast %rem3A_679 : i32 to index
          %parallel_loop3A_994 = arith.index_cast %parallel_loop3A_750 : i32 to index
          %parallel_loop3A_995 = arith.index_cast %parallel_loop3A_992 : i32 to index
          %parallel_loop3A_996 = arith.constant 80 : index
          %parallel_loop3A_997 = tpu.vector_load %arg7[%parallel_loop3A_993, %parallel_loop3A_994, %parallel_loop3A_995, %parallel_loop3A_996] {strides = array<i32>} : memref<2x125x2x128xf32, #tpu.memory_space<vmem>>, vector<16xf32>,
          tpu.vector_store %arg7[%parallel_loop3A_993, %parallel_loop3A_994, %parallel_loop3A_995, %parallel_loop3A_996], %parallel_loop3A_991 {strides = array<i32>} : memref<2x125x2x128xf32, #tpu.memory_space<vmem>>, vector<16xf32>,
          %parallel_loop3A_998 = arith.mulf %parallel_loop3A_972, %parallel_loop3A_990 : vector<16xf32>
          %parallel_loop3A_999 = arith.constant 1 : i32
          %parallel_loop3A_1000 = arith.index_cast %rem3A_679 : i32 to index
          %parallel_loop3A_1001 = arith.index_cast %parallel_loop3A_750 : i32 to index
          %parallel_loop3A_1002 = arith.index_cast %parallel_loop3A_999 : i32 to index
          %parallel_loop3A_1003 = arith.constant 80 : index
          %parallel_loop3A_1004 = tpu.vector_load %arg7[%parallel_loop3A_1000, %parallel_loop3A_1001, %parallel_loop3A_1002, %parallel_loop3A_1003] {strides = array<i32>} : memref<2x125x2x128xf32, #tpu.memory_space<vmem>>, vector<16xf32>,
          tpu.vector_store %arg7[%parallel_loop3A_1000, %parallel_loop3A_1001, %parallel_loop3A_1002, %parallel_loop3A_1003], %parallel_loop3A_998 {strides = array<i32>} : memref<2x125x2x128xf32, #tpu.memory_space<vmem>>, vector<16xf32>,
          %parallel_loop3A_1005 = arith.constant 96 : i32
          %parallel_loop3A_1006 = arith.addi %parallel_loop3A_752, %parallel_loop3A_1005 : i32
          %parallel_loop3A_1007 = arith.index_cast %rem3A_679 : i32 to index
          %parallel_loop3A_1008 = arith.index_cast %parallel_loop3A_1006 : i32 to index
          %parallel_loop3A_1009 = tpu.vector_load %arg6[%parallel_loop3A_1007, %parallel_loop3A_1008] {strides = array<i32>} : memref<2x16000xi32, #tpu.memory_space<vmem>>, vector<16xi32>,
          %parallel_loop3A_1010 = arith.muli %parallel_loop3A_1009, %broadcast_in_dim3A_619 : vector<16xi32>
          %parallel_loop3A_1011 = arith.addi %parallel_loop3A_1010, %iota3A : vector<16xi32>
          %parallel_loop3A_1012 = tpu.vector_load_idx %arg9[%parallel_loop3A_1011] : memref<2784xf32, #tpu.memory_space<vmem>>[vector<16xi32>], vector<16xf32>,
          %parallel_loop3A_1013 = arith.addi %parallel_loop3A_1010, %add3A_617 : vector<16xi32>
          %parallel_loop3A_1014 = tpu.vector_load_idx %arg9[%parallel_loop3A_1013] : memref<2784xf32, #tpu.memory_space<vmem>>[vector<16xi32>], vector<16xf32>,
          %parallel_loop3A_1015 = arith.constant 0 : i32
          %parallel_loop3A_1016 = arith.index_cast %rem3A_679 : i32 to index
          %parallel_loop3A_1017 = arith.index_cast %parallel_loop3A_750 : i32 to index
          %parallel_loop3A_1018 = arith.index_cast %parallel_loop3A_1015 : i32 to index
          %parallel_loop3A_1019 = arith.constant 96 : index
          %parallel_loop3A_1020 = tpu.vector_load %arg7[%parallel_loop3A_1016, %parallel_loop3A_1017, %parallel_loop3A_1018, %parallel_loop3A_1019] {strides = array<i32>} : memref<2x125x2x128xf32, #tpu.memory_space<vmem>>, vector<16xf32>,
          %parallel_loop3A_1021 = arith.constant 1 : i32
          %parallel_loop3A_1022 = arith.index_cast %rem3A_679 : i32 to index
          %parallel_loop3A_1023 = arith.index_cast %parallel_loop3A_750 : i32 to index
          %parallel_loop3A_1024 = arith.index_cast %parallel_loop3A_1021 : i32 to index
          %parallel_loop3A_1025 = arith.constant 96 : index
          %parallel_loop3A_1026 = tpu.vector_load %arg7[%parallel_loop3A_1022, %parallel_loop3A_1023, %parallel_loop3A_1024, %parallel_loop3A_1025] {strides = array<i32>} : memref<2x125x2x128xf32, #tpu.memory_space<vmem>>, vector<16xf32>,
          %parallel_loop3A_1027 = arith.minimumf %parallel_loop3A_1020, %broadcast_in_dim3A_623 : vector<16xf32>
          %parallel_loop3A_1028 = arith.maximumf %parallel_loop3A_1027, %broadcast_in_dim3A_621 : vector<16xf32>
          %parallel_loop3A_1029 = math.exp %parallel_loop3A_1028 : vector<16xf32>
          %parallel_loop3A_1030 = arith.minimumf %parallel_loop3A_1026, %broadcast_in_dim3A_623 : vector<16xf32>
          %parallel_loop3A_1031 = arith.maximumf %parallel_loop3A_1030, %broadcast_in_dim3A_621 : vector<16xf32>
          %parallel_loop3A_1032 = math.exp %parallel_loop3A_1031 : vector<16xf32>
          %parallel_loop3A_1033 = arith.mulf %parallel_loop3A_1012, %parallel_loop3A_1029 : vector<16xf32>
          %parallel_loop3A_1034 = arith.constant 0 : i32
          %parallel_loop3A_1035 = arith.index_cast %rem3A_679 : i32 to index
          %parallel_loop3A_1036 = arith.index_cast %parallel_loop3A_750 : i32 to index
          %parallel_loop3A_1037 = arith.index_cast %parallel_loop3A_1034 : i32 to index
          %parallel_loop3A_1038 = arith.constant 96 : index
          %parallel_loop3A_1039 = tpu.vector_load %arg7[%parallel_loop3A_1035, %parallel_loop3A_1036, %parallel_loop3A_1037, %parallel_loop3A_1038] {strides = array<i32>} : memref<2x125x2x128xf32, #tpu.memory_space<vmem>>, vector<16xf32>,
          tpu.vector_store %arg7[%parallel_loop3A_1035, %parallel_loop3A_1036, %parallel_loop3A_1037, %parallel_loop3A_1038], %parallel_loop3A_1033 {strides = array<i32>} : memref<2x125x2x128xf32, #tpu.memory_space<vmem>>, vector<16xf32>,
          %parallel_loop3A_1040 = arith.mulf %parallel_loop3A_1014, %parallel_loop3A_1032 : vector<16xf32>
          %parallel_loop3A_1041 = arith.constant 1 : i32
          %parallel_loop3A_1042 = arith.index_cast %rem3A_679 : i32 to index
          %parallel_loop3A_1043 = arith.index_cast %parallel_loop3A_750 : i32 to index
          %parallel_loop3A_1044 = arith.index_cast %parallel_loop3A_1041 : i32 to index
          %parallel_loop3A_1045 = arith.constant 96 : index
          %parallel_loop3A_1046 = tpu.vector_load %arg7[%parallel_loop3A_1042, %parallel_loop3A_1043, %parallel_loop3A_1044, %parallel_loop3A_1045] {strides = array<i32>} : memref<2x125x2x128xf32, #tpu.memory_space<vmem>>, vector<16xf32>,
          tpu.vector_store %arg7[%parallel_loop3A_1042, %parallel_loop3A_1043, %parallel_loop3A_1044, %parallel_loop3A_1045], %parallel_loop3A_1040 {strides = array<i32>} : memref<2x125x2x128xf32, #tpu.memory_space<vmem>>, vector<16xf32>,
          %parallel_loop3A_1047 = arith.constant 112 : i32
          %parallel_loop3A_1048 = arith.addi %parallel_loop3A_752, %parallel_loop3A_1047 : i32
          %parallel_loop3A_1049 = arith.index_cast %rem3A_679 : i32 to index
          %parallel_loop3A_1050 = arith.index_cast %parallel_loop3A_1048 : i32 to index
          %parallel_loop3A_1051 = tpu.vector_load %arg6[%parallel_loop3A_1049, %parallel_loop3A_1050] {strides = array<i32>} : memref<2x16000xi32, #tpu.memory_space<vmem>>, vector<16xi32>,
          %parallel_loop3A_1052 = arith.muli %parallel_loop3A_1051, %broadcast_in_dim3A_619 : vector<16xi32>
          %parallel_loop3A_1053 = arith.addi %parallel_loop3A_1052, %iota3A : vector<16xi32>
          %parallel_loop3A_1054 = tpu.vector_load_idx %arg9[%parallel_loop3A_1053] : memref<2784xf32, #tpu.memory_space<vmem>>[vector<16xi32>], vector<16xf32>,
          %parallel_loop3A_1055 = arith.addi %parallel_loop3A_1052, %add3A_617 : vector<16xi32>
          %parallel_loop3A_1056 = tpu.vector_load_idx %arg9[%parallel_loop3A_1055] : memref<2784xf32, #tpu.memory_space<vmem>>[vector<16xi32>], vector<16xf32>,
          %parallel_loop3A_1057 = arith.constant 0 : i32
          %parallel_loop3A_1058 = arith.index_cast %rem3A_679 : i32 to index
          %parallel_loop3A_1059 = arith.index_cast %parallel_loop3A_750 : i32 to index
          %parallel_loop3A_1060 = arith.index_cast %parallel_loop3A_1057 : i32 to index
          %parallel_loop3A_1061 = arith.constant 112 : index
          %parallel_loop3A_1062 = tpu.vector_load %arg7[%parallel_loop3A_1058, %parallel_loop3A_1059, %parallel_loop3A_1060, %parallel_loop3A_1061] {strides = array<i32>} : memref<2x125x2x128xf32, #tpu.memory_space<vmem>>, vector<16xf32>,
          %parallel_loop3A_1063 = arith.constant 1 : i32
          %parallel_loop3A_1064 = arith.index_cast %rem3A_679 : i32 to index
          %parallel_loop3A_1065 = arith.index_cast %parallel_loop3A_750 : i32 to index
          %parallel_loop3A_1066 = arith.index_cast %parallel_loop3A_1063 : i32 to index
          %parallel_loop3A_1067 = arith.constant 112 : index
          %parallel_loop3A_1068 = tpu.vector_load %arg7[%parallel_loop3A_1064, %parallel_loop3A_1065, %parallel_loop3A_1066, %parallel_loop3A_1067] {strides = array<i32>} : memref<2x125x2x128xf32, #tpu.memory_space<vmem>>, vector<16xf32>,
          %parallel_loop3A_1069 = arith.minimumf %parallel_loop3A_1062, %broadcast_in_dim3A_623 : vector<16xf32>
          %parallel_loop3A_1070 = arith.maximumf %parallel_loop3A_1069, %broadcast_in_dim3A_621 : vector<16xf32>
          %parallel_loop3A_1071 = math.exp %parallel_loop3A_1070 : vector<16xf32>
          %parallel_loop3A_1072 = arith.minimumf %parallel_loop3A_1068, %broadcast_in_dim3A_623 : vector<16xf32>
          %parallel_loop3A_1073 = arith.maximumf %parallel_loop3A_1072, %broadcast_in_dim3A_621 : vector<16xf32>
          %parallel_loop3A_1074 = math.exp %parallel_loop3A_1073 : vector<16xf32>
          %parallel_loop3A_1075 = arith.mulf %parallel_loop3A_1054, %parallel_loop3A_1071 : vector<16xf32>
          %parallel_loop3A_1076 = arith.constant 0 : i32
          %parallel_loop3A_1077 = arith.index_cast %rem3A_679 : i32 to index
          %parallel_loop3A_1078 = arith.index_cast %parallel_loop3A_750 : i32 to index
          %parallel_loop3A_1079 = arith.index_cast %parallel_loop3A_1076 : i32 to index
          %parallel_loop3A_1080 = arith.constant 112 : index
          %parallel_loop3A_1081 = tpu.vector_load %arg7[%parallel_loop3A_1077, %parallel_loop3A_1078, %parallel_loop3A_1079, %parallel_loop3A_1080] {strides = array<i32>} : memref<2x125x2x128xf32, #tpu.memory_space<vmem>>, vector<16xf32>,
          tpu.vector_store %arg7[%parallel_loop3A_1077, %parallel_loop3A_1078, %parallel_loop3A_1079, %parallel_loop3A_1080], %parallel_loop3A_1075 {strides = array<i32>} : memref<2x125x2x128xf32, #tpu.memory_space<vmem>>, vector<16xf32>,
          %parallel_loop3A_1082 = arith.mulf %parallel_loop3A_1056, %parallel_loop3A_1074 : vector<16xf32>
          %parallel_loop3A_1083 = arith.constant 1 : i32
          %parallel_loop3A_1084 = arith.index_cast %rem3A_679 : i32 to index
          %parallel_loop3A_1085 = arith.index_cast %parallel_loop3A_750 : i32 to index
          %parallel_loop3A_1086 = arith.index_cast %parallel_loop3A_1083 : i32 to index
          %parallel_loop3A_1087 = arith.constant 112 : index
          %parallel_loop3A_1088 = tpu.vector_load %arg7[%parallel_loop3A_1084, %parallel_loop3A_1085, %parallel_loop3A_1086, %parallel_loop3A_1087] {strides = array<i32>} : memref<2x125x2x128xf32, #tpu.memory_space<vmem>>, vector<16xf32>,
          tpu.vector_store %arg7[%parallel_loop3A_1084, %parallel_loop3A_1085, %parallel_loop3A_1086, %parallel_loop3A_1087], %parallel_loop3A_1082 {strides = array<i32>} : memref<2x125x2x128xf32, #tpu.memory_space<vmem>>, vector<16xf32>,
        } {sc.loop_unroll_factor = 1 : i64, sc.parallel_access}
        %mul3A_730 = arith.constant 125 : i32
        %mul3A_731 = arith.muli %add3A_677, %mul3A_730 : i32
        %dma_start3A_732 = arith.constant 0 : i32
        %dma_start3A_733 = arith.constant 0 : i32
        %dma_start3A_734 = arith.constant 0 : i32
        %dma_start3A_735 = tpu.memref_slice %arg7[%rem3A_679, %dma_start3A_732, %dma_start3A_733, %dma_start3A_734] : memref<2x125x2x128xf32, #tpu.memory_space<vmem>> -> memref<1x125x2x128xf32, #tpu.memory_space<vmem>>
        %dma_start3A_736 = tpu.memref_squeeze %dma_start3A_735 : memref<1x125x2x128xf32, #tpu.memory_space<vmem>> -> memref<125x2x128xf32, #tpu.memory_space<vmem>>
        %dma_start3A_737 = arith.constant 0 : i32
        %dma_start3A_738 = arith.constant 0 : i32
        %dma_start3A_739 = tpu.memref_slice %arg5[%mul3A_731, %dma_start3A_737, %dma_start3A_738] : memref<15625x2x128xf32, #tpu.memory_space<hbm>> -> memref<125x2x128xf32, #tpu.memory_space<hbm>>
        %dma_start3A_740 = tpu.memref_slice %arg11[%rem3A_679] : memref<2x!tpu.dma_semaphore, #tpu.memory_space<semaphore_mem>> -> memref<1x!tpu.dma_semaphore, #tpu.memory_space<semaphore_mem>>
        %dma_start3A_741 = tpu.memref_squeeze %dma_start3A_740 : memref<1x!tpu.dma_semaphore, #tpu.memory_space<semaphore_mem>> -> memref<!tpu.dma_semaphore, #tpu.memory_space<semaphore_mem>>
        %dma_start3A_742 = arith.constant 0 : i32
        %dma_start3A_743 = arith.constant 0 : i32
        %dma_start3A_744 = tpu.memref_slice %arg5[%mul3A_731, %dma_start3A_742, %dma_start3A_743] : memref<15625x2x128xf32, #tpu.memory_space<hbm>> -> memref<125x2x128xf32, #tpu.memory_space<hbm>>
        %dma_start3A_745 = arith.constant 0 : i32
        %dma_start3A_746 = arith.constant 0 : i32
        %dma_start3A_747 = arith.constant 0 : i32
        %dma_start3A_748 = tpu.memref_slice %arg7[%rem3A_679, %dma_start3A_745, %dma_start3A_746, %dma_start3A_747] : memref<2x125x2x128xf32, #tpu.memory_space<vmem>> -> memref<1x125x2x128xf32, #tpu.memory_space<vmem>>
        %dma_start3A_749 = tpu.memref_squeeze %dma_start3A_748 : memref<1x125x2x128xf32, #tpu.memory_space<vmem>> -> memref<125x2x128xf32, #tpu.memory_space<vmem>>
        tpu.enqueue_dma source(%dma_start3A_749 : memref<125x2x128xf32, #tpu.memory_space<vmem>>) target(%dma_start3A_744 : memref<125x2x128xf32, #tpu.memory_space<hbm>>) target_semaphore(%dma_start3A_741 : memref<!tpu.dma_semaphore, #tpu.memory_space<semaphore_mem>>)
      } else {
      }
    }
    %scan3A_663 = arith.constant 4 : i32
    %sub3A = arith.constant 124 : i32
    %sub3A_664 = arith.subi %sub3A, %add3A : i32
    %div3A = arith.constant 32 : i32
    %div3A_665 = arith.divsi %sub3A_664, %div3A : i32
    %rem3A = arith.constant 2 : i32
    %rem3A_666 = arith.remsi %div3A_665, %rem3A : i32
    %eq3A = arith.constant 0 : i32
    %eq3A_667 = arith.cmpi eq, %rem3A_666, %eq3A : i32
    %convert_element_type3A = arith.extui %eq3A_667 : i1 to i32
    %cond3A = arith.constant 0 : i32
    %cond3A_668 = arith.cmpi ne, %convert_element_type3A, %cond3A : i32
    scf.if %cond3A_668 {
      %mul3A_674 = arith.constant 125 : i32
      %mul3A_675 = arith.muli %add3A, %mul3A_674 : i32
      %dma_wait3A = arith.constant 0 : i32
      %dma_wait3A_676 = arith.constant 0 : i32
      %dma_wait3A_677 = arith.constant 0 : i32
      %dma_wait3A_678 = arith.constant 0 : i32
      %dma_wait3A_679 = arith.constant 0 : i32
      %dma_wait3A_680 = tpu.memref_slice %arg7[%dma_wait3A, %dma_wait3A_677, %dma_wait3A_678, %dma_wait3A_679] : memref<2x125x2x128xf32, #tpu.memory_space<vmem>> -> memref<1x125x2x128xf32, #tpu.memory_space<vmem>>
      %dma_wait3A_681 = tpu.memref_squeeze %dma_wait3A_680 : memref<1x125x2x128xf32, #tpu.memory_space<vmem>> -> memref<125x2x128xf32, #tpu.memory_space<vmem>>
      %dma_wait3A_682 = arith.constant 0 : i32
      %dma_wait3A_683 = arith.constant 0 : i32
      %dma_wait3A_684 = tpu.memref_slice %arg5[%mul3A_675, %dma_wait3A_682, %dma_wait3A_683] : memref<15625x2x128xf32, #tpu.memory_space<hbm>> -> memref<125x2x128xf32, #tpu.memory_space<hbm>>
      %dma_wait3A_685 = tpu.memref_slice %arg11[%dma_wait3A_676] : memref<2x!tpu.dma_semaphore, #tpu.memory_space<semaphore_mem>> -> memref<1x!tpu.dma_semaphore, #tpu.memory_space<semaphore_mem>>
      %dma_wait3A_686 = tpu.memref_squeeze %dma_wait3A_685 : memref<1x!tpu.dma_semaphore, #tpu.memory_space<semaphore_mem>> -> memref<!tpu.dma_semaphore, #tpu.memory_space<semaphore_mem>>
      %dma_wait3A_687 = arith.constant 0 : i32
      %dma_wait3A_688 = arith.constant 0 : i32
      %dma_wait3A_689 = tpu.memref_slice %arg5[%mul3A_675, %dma_wait3A_687, %dma_wait3A_688] : memref<15625x2x128xf32, #tpu.memory_space<hbm>> -> memref<125x2x128xf32, #tpu.memory_space<hbm>>
      %dma_wait3A_690 = arith.constant 0 : i32
      %dma_wait3A_691 = arith.constant 0 : i32
      %dma_wait3A_692 = arith.constant 0 : i32
      %dma_wait3A_693 = tpu.memref_slice %arg7[%dma_wait3A, %dma_wait3A_690, %dma_wait3A_691, %dma_wait3A_692] : memref<2x125x2x128xf32, #tpu.memory_space<vmem>> -> memref<1x125x2x128xf32, #tpu.memory_space<vmem>>
      %dma_wait3A_694 = tpu.memref_squeeze %dma_wait3A_693 : memref<1x125x2x128xf32, #tpu.memory_space<vmem>> -> memref<125x2x128xf32, #tpu.memory_space<vmem>>
      tpu.wait_dma2 semaphore(%dma_wait3A_686 : memref<!tpu.dma_semaphore, #tpu.memory_space<semaphore_mem>>) src(%dma_wait3A_694 : memref<125x2x128xf32, #tpu.memory_space<vmem>>) dst(%dma_wait3A_689 : memref<125x2x128xf32, #tpu.memory_space<hbm>>)
    } else {
    }
    %eq3A_669 = arith.constant 1 : i32
    %eq3A_670 = arith.cmpi eq, %rem3A_666, %eq3A_669 : i32
    %convert_element_type3A_671 = arith.extui %eq3A_670 : i1 to i32
    %cond3A_672 = arith.constant 0 : i32
    %cond3A_673 = arith.cmpi ne, %convert_element_type3A_671, %cond3A_672 : i32
    scf.if %cond3A_673 {
      %mul3A_674 = arith.constant 125 : i32
      %mul3A_675 = arith.muli %add3A, %mul3A_674 : i32
      %dma_wait3A = arith.constant 1 : i32
      %dma_wait3A_676 = arith.constant 1 : i32
      %dma_wait3A_677 = arith.constant 0 : i32
      %dma_wait3A_678 = arith.constant 0 : i32
      %dma_wait3A_679 = arith.constant 0 : i32
      %dma_wait3A_680 = tpu.memref_slice %arg7[%dma_wait3A, %dma_wait3A_677, %dma_wait3A_678, %dma_wait3A_679] : memref<2x125x2x128xf32, #tpu.memory_space<vmem>> -> memref<1x125x2x128xf32, #tpu.memory_space<vmem>>
      %dma_wait3A_681 = tpu.memref_squeeze %dma_wait3A_680 : memref<1x125x2x128xf32, #tpu.memory_space<vmem>> -> memref<125x2x128xf32, #tpu.memory_space<vmem>>
      %dma_wait3A_682 = arith.constant 0 : i32
      %dma_wait3A_683 = arith.constant 0 : i32
      %dma_wait3A_684 = tpu.memref_slice %arg5[%mul3A_675, %dma_wait3A_682, %dma_wait3A_683] : memref<15625x2x128xf32, #tpu.memory_space<hbm>> -> memref<125x2x128xf32, #tpu.memory_space<hbm>>
      %dma_wait3A_685 = tpu.memref_slice %arg11[%dma_wait3A_676] : memref<2x!tpu.dma_semaphore, #tpu.memory_space<semaphore_mem>> -> memref<1x!tpu.dma_semaphore, #tpu.memory_space<semaphore_mem>>
      %dma_wait3A_686 = tpu.memref_squeeze %dma_wait3A_685 : memref<1x!tpu.dma_semaphore, #tpu.memory_space<semaphore_mem>> -> memref<!tpu.dma_semaphore, #tpu.memory_space<semaphore_mem>>
      %dma_wait3A_687 = arith.constant 0 : i32
      %dma_wait3A_688 = arith.constant 0 : i32
      %dma_wait3A_689 = tpu.memref_slice %arg5[%mul3A_675, %dma_wait3A_687, %dma_wait3A_688] : memref<15625x2x128xf32, #tpu.memory_space<hbm>> -> memref<125x2x128xf32, #tpu.memory_space<hbm>>
      %dma_wait3A_690 = arith.constant 0 : i32
      %dma_wait3A_691 = arith.constant 0 : i32
      %dma_wait3A_692 = arith.constant 0 : i32
      %dma_wait3A_693 = tpu.memref_slice %arg7[%dma_wait3A, %dma_wait3A_690, %dma_wait3A_691, %dma_wait3A_692] : memref<2x125x2x128xf32, #tpu.memory_space<vmem>> -> memref<1x125x2x128xf32, #tpu.memory_space<vmem>>
      %dma_wait3A_694 = tpu.memref_squeeze %dma_wait3A_693 : memref<1x125x2x128xf32, #tpu.memory_space<vmem>> -> memref<125x2x128xf32, #tpu.memory_space<vmem>>
      tpu.wait_dma2 semaphore(%dma_wait3A_686 : memref<!tpu.dma_semaphore, #tpu.memory_space<semaphore_mem>>) src(%dma_wait3A_694 : memref<125x2x128xf32, #tpu.memory_space<vmem>>) dst(%dma_wait3A_689 : memref<125x2x128xf32, #tpu.memory_space<hbm>>)
    } else {
    }
    return
  }
}

</mosaic_0001>

<sc_bundles>
// kernel: kernel.3.cloned.1.call-start
scs
__scs_entry_jumppad:
0x0: {  	(pc) =	sbr.rel $0x88, $3  }
0x1: {  	(tag) =	ssettag $0x0;
	lr =	simm.s32 $0x1  }
0x2: {  	[smem:$0x3F9E] =	sst lr;
	_ =	strace $0xD0000000  }
0x3: {  	_ = 	snop  }
0x4: {  	_ = 	snop  }
0x5: {  	_ = 	snop  }
0x6: {  	_ = 	snop  }
0x7: {  	_ = 	snop  }
__scs_overlays_trampoline_lowered:
0x8: {  	[smem:$0x3FAD] =	sst s0  }
0x9: {  	[smem:$0x3FAE] =	sst s1  }
0xa: {  	[smem:$0x3FAF] =	sst s2  }
0xb: {  	[smem:$0x3FB0] =	sst s3  }
0xc: {  	[smem:$0x3FB1] =	sst s4  }
0xd: {  	[smem:$0x3FB2] =	sst s5  }
0xe: {  	[smem:$0x3FB3] =	sst s6  }
0xf: {  	[smem:$0x3FB4] =	sst s7  }
0x10: {  	[smem:$0x3FB5] =	sst s8  }
0x11: {  	[smem:$0x3FB6] =	sst s9;
	s0 =	simm.s32 @!p0 $0x0  }
0x12: {  	s1 =	sld [smem:$0x3F9C];
	s0 =	simm.s32 @p0 $0x1  }
0x13: {  	[smem:$0x3FB7] =	sst s0;
	s0 =	simm.s32 @!p1 $0x0  }
0x14: {  	s2 =	sld [smem:$0x3F9B];
	s0 =	simm.s32 @p1 $0x1  }
0x15: {  	[smem:$0x3FB8] =	sst s0;
	s0 =	simm.s32 @!p2 $0x0  }
0x16: {  	s3 =	sld [smem:$0x3FDB];
	s0 =	simm.s32 @p2 $0x1  }
0x17: {  	s4 =	simm.s32 $0x1BF5;
	[smem:$0x3FBA] =	sst s0  }
0x18: {  	s0 =	sld [smem:$0x3F9D];
	_ =	swait.ge [sflag:s4], $0x0  }
0x19: {  	s7 =	sld [smem:$0x3F9E]  }
0x1a: {  	s8 =	sadd.s32 $0xFFFFE003, lr  }
0x1b: {  	s9 =	sadd.s32 $0xFFFFFEF7, lr;
	s5 =	simm.s32 $0xFFFFFFFF;
	p2 =	slt.u32 s8, $0xFFFFF086  }
0x1c: {  	p1 =	slt.u32 s9, $0xF7A;
	s5 =	simm.s32 @!p2 $0x0  }
0x1d: {  	s5 =	simm.s32 @p1 $0x1;
	p0 =	seq.s32 s7, s2  }
0x1e: {  	s7 =	smul.u32 @!p0 $0xF7A, s2;
	p2 =	seq.s32 @!p0 s5, $0x0  }
0x1f: {  	s9 =	smul.u32 $0xF7A, s1;
	s8 =	simm.s32 @!p0 $0x1BF5;
	p2 =	por !p2, p0  }
0x20: {  	[sflag:s8] =	ssyncset.s32 @!p0 $0xFFFFF086;
	s6 =	sadd.s32 @!p0 s3, s7;
	s7 =	simm.s32 @!p0 $0x108  }
0x21: {  	s3 =	sadd.s32 s3, s9;
	s6 =	sadd.s32 @!p0 $0x88, s6;
	s7 =	simm.s32 @p2 $0x1082  }
0x22: {  	[simem:s7], [sflag:s8] =	dma.local @!p0 [hbm:s6], $0xF7A  }
0x23: {  	s9 =	sor.u32 $0xD0000000, s2;
	s6 =	simm.s32 $0x108;
	_ =	swait.ge @!p0 [sflag:s8], $0x0  }
0x24: {  	s3 =	sadd.s32 $0x88, s3;
	s6 =	simm.s32 @!p1 $0x1082;
	[sflag:s4] =	ssyncset.s32 $0xFFFFF086  }
0x25: {  	[simem:s6], [sflag:s4] =	dma.local [hbm:s3], $0xF7A  }
0x26: {  	[smem:$0x3F9E] =	sst s1;
	(tag) =	ssettag s2;
	_ =	strace s9  }
0x27: {  	s1 =	sld [smem:$0x3FAE]  }
0x28: {  	s2 =	sld [smem:$0x3FAF]  }
0x29: {  	s4 =	sld [smem:$0x3FB1]  }
0x2a: {  	p0 =	seq.s32 s5, $0x0;
	s5 =	sld [smem:$0x3FB2]  }
0x2b: {  	s6 =	sld [smem:$0x3FB3]  }
0x2c: {  	s7 =	sld [smem:$0x3FB4]  }
0x2d: {  	s3 =	simm.s32 $0x108;
	s8 =	sld [smem:$0x3FB5]  }
0x2e: {  	s3 =	simm.s32 @!p0 $0x1082;
	s9 =	sld [smem:$0x3FB6]  }
0x2f: {  	lr =	sadd.s32 s0, s3;
	s0 =	sld [smem:$0x3FAD]  }
0x30: {  	s3 =	sld [smem:$0x3FB0]  }
0x31: {  	[smem:$0x3FB9] =	sst s10  }
0x32: {  	s10 =	sld [smem:$0x3FB7];
	_ =	sdelay $0x3  }
0x33: {  	p0 =	seq.s32 s10, $0x1;
	s10 =	sld [smem:$0x3FB9];
	_ =	sdelay $0x3  }
0x34: {  	[smem:$0x3FB9] =	sst s10  }
0x35: {  	s10 =	sld [smem:$0x3FB8];
	_ =	sdelay $0x3  }
0x36: {  	p1 =	seq.s32 s10, $0x1;
	s10 =	sld [smem:$0x3FB9];
	_ =	sdelay $0x3  }
0x37: {  	[smem:$0x3FB9] =	sst s10  }
0x38: {  	s10 =	sld [smem:$0x3FBA]  }
0x39: {  	_ = 	snop;
	(pc) =	sbr.ind lr, $3  }
0x3a: {  	_ = 	snop  }
0x3b: {  	_ = 	snop  }
0x3c: {  	p2 =	seq.s32 s10, $0x1;
	s10 =	sld [smem:$0x3FB9]  }
0x3d: {  	_ =	shalt  }
0x3e: {  	_ =	shalt  }
0x3f: {  	_ =	shalt  }
0x40: {  	_ =	shalt  }
0x41: {  	_ =	shalt  }
0x42: {  	_ =	shalt  }
0x43: {  	_ =	shalt  }
0x44: {  	_ =	shalt  }
0x45: {  	_ =	shalt  }
0x46: {  	_ =	shalt  }
0x47: {  	_ =	shalt  }
0x48: {  	_ =	shalt  }
0x49: {  	_ =	shalt  }
0x4a: {  	_ =	shalt  }
0x4b: {  	_ =	shalt  }
0x4c: {  	_ =	shalt  }
0x4d: {  	_ =	shalt  }
0x4e: {  	_ =	shalt  }
0x4f: {  	_ =	shalt  }
0x50: {  	_ =	shalt  }
0x51: {  	_ =	shalt  }
0x52: {  	_ =	shalt  }
0x53: {  	_ =	shalt  }
0x54: {  	_ =	shalt  }
0x55: {  	_ =	shalt  }
0x56: {  	_ =	shalt  }
0x57: {  	_ =	shalt  }
0x58: {  	_ =	shalt  }
0x59: {  	_ =	shalt  }
0x5a: {  	_ =	shalt  }
0x5b: {  	_ =	shalt  }
0x5c: {  	_ =	shalt  }
0x5d: {  	_ =	shalt  }
0x5e: {  	_ =	shalt  }
0x5f: {  	_ =	shalt  }
0x60: {  	_ =	shalt  }
0x61: {  	_ =	shalt  }
0x62: {  	_ =	shalt  }
0x63: {  	_ =	shalt  }
0x64: {  	_ =	shalt  }
0x65: {  	_ =	shalt  }
0x66: {  	_ =	shalt  }
0x67: {  	_ =	shalt  }
0x68: {  	_ =	shalt  }
0x69: {  	_ =	shalt  }
0x6a: {  	_ =	shalt  }
0x6b: {  	_ =	shalt  }
0x6c: {  	_ =	shalt  }
0x6d: {  	_ =	shalt  }
0x6e: {  	_ =	shalt  }
0x6f: {  	_ =	shalt  }
0x70: {  	_ =	shalt  }
0x71: {  	_ =	shalt  }
0x72: {  	_ =	shalt  }
0x73: {  	_ =	shalt  }
0x74: {  	_ =	shalt  }
0x75: {  	_ =	shalt  }
0x76: {  	_ =	shalt  }
0x77: {  	_ =	shalt  }
0x78: {  	_ =	shalt  }
0x79: {  	_ =	shalt  }
0x7a: {  	_ =	shalt  }
0x7b: {  	_ =	shalt  }
0x7c: {  	_ =	shalt  }
0x7d: {  	_ =	shalt  }
0x7e: {  	_ =	shalt  }
0x7f: {  	_ =	shalt  }
0x80: {  	_ =	shalt  }
0x81: {  	_ =	shalt  }
0x82: {  	_ =	shalt  }
0x83: {  	_ =	shalt  }
0x84: {  	_ =	shalt  }
0x85: {  	_ =	shalt  }
0x86: {  	_ =	shalt  }
0x87: {  	_ =	shalt  }
.Lfunc_end0:
.L_simem_size_0:
called_computation_lowered:
.L_overlay_start_0:
0x88: {  	s2 =	sld [smem:$0x3FD9]  }
0x89: {  	s3 =	sld [smem:$0x3FFE];
	_ =	sdelay $0x1  }
0x8a: {  	s1 =	srdreg.scid  }
0x8b: {  	s0 =	sand.u32 $0x1, s1  }
0x8c: {  	s17 =	sshll.u32 s0, $0xA;
	s2 =	sadd.s32 s3, s2  }
0x8d: {  	s2 =	sadd.s32 s2, s17  }
0x8e: {  	[smem:$0x3FC5] =	sst s2  }
0x8f: {  	_ = 	snop  }
0x90: {  	s2 =	sld [smem:$0x3FC9]  }
0x91: {  	s18 =	sld [smem:$0x3FC8]  }
0x92: {  	s4 =	sld [smem:$0x3FD0];
	(tm) =	ssettm $0x1  }
0x93: {  	s5 =	sld [smem:$0x3FFB];
	_ =	sdelay $0x3  }
0x94: {  	_ =	strace s5  }
0x95: {  	s5 =	sld [smem:$0x3FFC];
	_ =	sdelay $0x3  }
0x96: {  	_ =	strace s5  }
0x97: {  	s5 =	sld [smem:$0x3FFD];
	_ =	sdelay $0x3  }
0x98: {  	_ =	strace s5  }
0x99: {  	_ =	strace $0x8FFFFFFF  }
0x9a: {  	s19 =	sld [smem:$0x3FDB];
	_ =	sdelay $0x1  }
0x9b: {  	s6 =	simm.s32 $_scs_section_size  }
0x9c: {  	s7 =	simm.s32 $_size__tile_overlayer_lowered;
	s8 =	simm.s32 $_tile_overlayer_lowered  }
0x9d: {  	s22 =	simm.s32 $0x1BFF;
	s21 =	sshll.u32 s8, $0x1;
	s5 =	sadd.s32 s6, s19  }
0x9e: {  	s9 =	simm.s32 $0x0;
	s20 =	sshll.u32 s7, $0x1;
	s7 =	sadd.s32 s21, s5  }
0x9f: {  	[timem:s9], [sflag:s22] =	dma.local [hbm:s7], s20  }
0xa0: {  	_ =	swait.ge [sflag:s22], s20  }
0xa1: {  	s6 =	ssub.s32 $0x0, s20;
	[sflag:s22] =	ssyncset.done $0x0  }
0xa2: {  	[sflag:s22] =	ssyncadd.s32 s6;
	_ =	sdelay $0x1  }
0xa3: {  	s23 =	simm.s32 $0x1B8B  }
0xa4: {  	_ =	swait.ge [sflag:s23], $0x1  }
0xa5: {  	[sflag:s23] =	ssyncset.done $0x0  }
0xa6: {  	s25 =	simm.s32 $0x1B8E;
	s24 =	sld [smem:$0x3FFE];
	[sflag:s23] =	ssyncadd.s32 $0xFFFFFFFF  }
0xa7: {  	s26 =	simm.s32 $execute0_lowered;
	[smem:$0x3FD2] =	sst s25  }
0xa8: {  	s7 =	sshll.u32 s26, $0x1;
	_ =	strace $0x80000046;
	[dreg:$0x1] =	wrdreg $0xFFFFFFFF  }
0xa9: {  	s28 =	simm.s32 $_size_execute0_lowered;
	s5 =	sadd.s32 s5, s7;
	[dreg:$0x0] =	wrdreg $0x0  }
0xaa: {  	s7 =	sshll.u32 s28, $0x1;
	[dreg:$0x2] =	wrdreg s5  }
0xab: {  	[dreg:$0x3] =	wrdreg s7  }
0xac: {  	[dreg:$0x4] =	wrdreg $0xC0  }
0xad: {  	_ =	task [dreg:s9], $0x5FFFF  }
0xae: {  	[dreg:$0x1] =	wrdreg $0xFFFFFFFF  }
0xaf: {  	[dreg:$0x0] =	wrdreg $0x60  }
0xb0: {  	[dreg:$0x2] =	wrdreg s2  }
0xb1: {  	[dreg:$0x3] =	wrdreg s18  }
0xb2: {  	[dreg:$0x4] =	wrdreg s24  }
0xb3: {  	[dreg:$0x5] =	wrdreg s4  }
0xb4: {  	[dreg:$0x6] =	wrdreg $0x9  }
0xb5: {  	_ =	task.clear_ibuf [dreg:s9], $0x7FFFF;
	_ =	strace $0x90000046  }
0xb6: {  	s29 =	simm.s32 $0x9;
	_ =	strace $0x80000048  }
0xb7: {  	_ =	swait.ge [sflag:s29], $0x1  }
0xb8: {  	[sflag:s29] =	ssyncadd.s32 $0xFFFFFFFF  }
0xb9: {  	_ =	strace $0x90000048  }
0xba: {  	_ =	sfence  }
0xbb: {  	s30 =	sld [smem:$0x0];
	_ =	sdelay $0x2  }
0xbc: {  	s31 =	sshll.u32 s1, $0xD;
	s1 =	sshrl.u32 s1, $0x2  }
0xbd: {  	s3 =	sand.u32 $0x4000, s31;
	s1 =	sadd.s32 s1, s30  }
0xbe: {  	s0 =	sor.u32 s3, s0;
	s1 =	sshll.u32 s1, $0x11  }
0xbf: {  	s0 =	sor.u32 s1, s0  }
0xc0: {  	s0 =	sadd.s32 $0x8F2B, s0  }
0xc1: {  	[sflag:s0] =	ssyncadd.remote.s32 $0x1  }
0xc2: {  	_ =	sfence.sel $0xFFFF  }
0xc3: {  	[dreg:$0x0] =	wrdreg $0xFFFFFFFF;
	(pc) =	sbr.abs _section_cstart, $3  }
0xc4: {  	[dreg:$0x1] =	wrdreg $0xFFFFFFFF  }
0xc5: {  	_ =	task.clear_ibuf [dreg:s9], $0x2FFFF;
	_ =	strace $0x9FFFFFFF  }
0xc6: {  	(tm) =	ssettm $0x7FFFFFFF  }
0xc7: {  	_ =	shalt  }
tec
execute0_lowered:
.L_overlay_start_1:
0x0: {  	(tag) =	ssettag $0x1  }
0x1: {  	v0 =	vlaneseq.u32  }
0x2: {  	v1 =	vmul.u32 $0x10, v0;
	_ =	sdelay $0x1  }
0x3: {  	v2 =	vor.u32 $0x1, v1  }
0x4: {  	[tilespmem:$0x1FE60] =	vst v2;
	v2 =	vor.u32 $0x2, v1  }
0x5: {  	[tilespmem:$0x1FE70] =	vst v2;
	v2 =	vor.u32 $0x3, v1  }
0x6: {  	[tilespmem:$0x1FE80] =	vst v2;
	v2 =	vor.u32 $0x4, v1  }
0x7: {  	[tilespmem:$0x1FE90] =	vst v2;
	v2 =	vor.u32 $0x5, v1  }
0x8: {  	[tilespmem:$0x1FEA0] =	vst v2;
	v2 =	vor.u32 $0x6, v1  }
0x9: {  	[tilespmem:$0x1FEB0] =	vst v2;
	v2 =	vor.u32 $0x7, v1  }
0xa: {  	[tilespmem:$0x1FEC0] =	vst v2;
	v2 =	vor.u32 $0x8, v1  }
0xb: {  	[tilespmem:$0x1FED0] =	vst v2;
	v2 =	vor.u32 $0x9, v1  }
0xc: {  	[tilespmem:$0x1FEE0] =	vst v2;
	v2 =	vor.u32 $0xA, v1  }
0xd: {  	v28 =	vor.u32 $0x10B, v1;
	[tilespmem:$0x1FEF0] =	vst v2;
	v2 =	vor.u32 $0xB, v1  }
0xe: {  	v29 =	vor.u32 $0x10C, v1;
	v30 =	vor.u32 $0x10D, v1;
	[tilespmem:$0x1FF00] =	vst v2;
	v2 =	vor.u32 $0xC, v1  }
0xf: {  	v31 =	vor.u32 $0x10E, v1;
	v32 =	vor.u32 $0x10F, v1;
	[tilespmem:$0x1FF10] =	vst v2;
	v2 =	vor.u32 $0xD, v1  }
0x10: {  	v33 =	vor.u32 $0x200, v1;
	v34 =	vor.u32 $0x201, v1;
	[tilespmem:$0x1FF20] =	vst v2;
	v2 =	vor.u32 $0xE, v1  }
0x11: {  	s0 =	rddreg [dreg:$0x0];
	v35 =	vor.u32 $0x202, v1;
	v36 =	vor.u32 $0x203, v1;
	[tilespmem:$0x1FF30] =	vst v2;
	v2 =	vor.u32 $0xF, v1  }
0x12: {  	s1 =	rddreg [dreg:$0x1];
	v37 =	vor.u32 $0x204, v1;
	v38 =	vor.u32 $0x205, v1;
	[tilespmem:$0x1FF40] =	vst v2;
	v2 =	vor.u32 $0x100, v1  }
0x13: {  	s7 =	rddreg [dreg:$0x2];
	v39 =	vor.u32 $0x206, v1;
	v40 =	vor.u32 $0x207, v1;
	[tilespmem:$0x1FF50] =	vst v2;
	v2 =	vor.u32 $0x101, v1  }
0x14: {  	s3 =	rddreg [dreg:$0x3];
	v41 =	vor.u32 $0x208, v1;
	v42 =	vor.u32 $0x209, v1;
	[tilespmem:$0x1FF60] =	vst v2;
	v2 =	vor.u32 $0x102, v1  }
0x15: {  	s2 =	rddreg [dreg:$0x4];
	v43 =	vor.u32 $0x20A, v1;
	v44 =	vor.u32 $0x20B, v1;
	[tilespmem:$0x1FF70] =	vst v2;
	v2 =	vor.u32 $0x103, v1  }
0x16: {  	s6 =	srdreg.scid;
	s4 =	stileid.u32;
	s5 =	simm.s32 $0x0;
	v45 =	vor.u32 $0x20C, v1;
	v46 =	vor.u32 $0x20D, v1;
	[tilespmem:$0x1FF80] =	vst v2;
	v2 =	vor.u32 $0x104, v1  }
0x17: {  	s12 =	simm.s32 $0x1;
	s6 =	sand.u32 $0x1, s6;
	s8 =	sshll.u32 s4, $0x1;
	v47 =	vor.u32 $0x20E, v1;
	v48 =	vor.u32 $0x20F, v1;
	[tilespmem:$0x1FF90] =	vst v2;
	v2 =	vor.u32 $0x105, v1  }
0x18: {  	s14 =	simm.s32 $0x17800;
	s9 =	ssub.s32 $0x2, s6;
	s6 =	sor.u32 s6, s8;
	v49 =	vor.u32 $0x300, v1;
	v50 =	vor.u32 $0x301, v1;
	[tilespmem:$0x1FFA0] =	vst v2;
	v2 =	vor.u32 $0x106, v1  }
0x19: {  	s13 =	simm.s32 $0x5;
	s15 =	simm.s32 $0x7D00;
	s10 =	smul.u32 $0x7D0, s6;
	v51 =	vor.u32 $0x302, v1;
	v52 =	vor.u32 $0x303, v1;
	[tilespmem:$0x1FFB0] =	vst v2;
	v2 =	vor.u32 $0x107, v1  }
.Ltmp0:
0x1a: {  	s16 =	simm.s32 $0x0;
	[smem:$0x7FF] =	sst s5;
	v53 =	vor.u32 $0x304, v1;
	v54 =	vor.u32 $0x305, v1;
	[tilespmem:$0x1FFC0] =	vst v2;
	v2 =	vor.u32 $0x108, v1;
	(pc) =	sbr.rel .LBB2_1-.Ltmp0, $4  }
0x1b: {  	s30 =	sshrl.u32 s9, $0x1;
	s31 =	smul.u32 $0xFA0, s6;
	p0 =	slt.u32 s6, $0x1D;
	v55 =	vor.u32 $0x306, v1;
	v56 =	vor.u32 $0x307, v1;
	[tilespmem:$0x1FFD0] =	vst v2;
	v2 =	vor.u32 $0x109, v1  }
0x1c: {  	s7 =	sadd.s32 $0x400, s7;
	v57 =	vor.u32 $0x308, v1;
	v58 =	vor.u32 $0x309, v1;
	s11 =	ssub.s32 s9, s30;
	s12 =	simm.s32 @!p0 $0x0;
	[tilespmem:$0x1FFE0] =	vst v2;
	v2 =	vor.u32 $0x10A, v1  }
0x1d: {  	v59 =	vor.u32 $0x30A, v1;
	v60 =	vor.u32 $0x30B, v1;
	v61 =	vor.u32 $0x30C, v1;
	s8 =	sadd.s32 s1, s10;
	s9 =	sadd.s32 s0, s31;
	s10 =	smax.u32 s11, $0x1;
	[tilespmem:$0x1FFF0] =	vst v2  }
0x1e: {  	v62 =	vor.u32 $0x30D, v1;
	v63 =	vor.u32 $0x30E, v1;
	s11 =	sadd.s32 $0x3, s12;
	s12 =	simm.s32 $0x17700;
	v2 =	vor.u32 $0x30F, v1;
	_ =	strace $0x80000047  }
.LBB2_13:
0x1f: {  	s16 =	sadd.s32 $0x1, s16  }
0x20: {  	p0 =	sne.s32 s16, s10  }
.Ltmp1:
0x21: {  	_ = 	snop;
	(pc) =	sbr.rel @!p0 .LBB2_14-.Ltmp1, $4  }
0x22: {  	_ = 	snop  }
0x23: {  	_ =	swait.ge [sflag:s11], $0x7D00  }
0x24: {  	[sflag:s11] =	ssyncset.done $0x0  }
0x25: {  	[sflag:s11] =	ssyncadd.s32 $0xFFFF8300  }
.LBB2_1:
0x26: {  	[tilespmem:s12], [sflag:$0x5] =	stream.linear.gather [hbm4b:s7+s5], $0x100, $0x38;
	[tilespmem:$0x18300] =	vst v63  }
0x27: {  	_ =	swait.ge [sflag:s13], $0x100  }
0x28: {  	v4 =	vld [tilespmem:$0x1FE60]  }
0x29: {  	[sflag:s13] =	ssyncset.done $0x0;
	v18 =	vld [tilespmem:$0x1FE70]  }
0x2a: {  	v19 =	vld [tilespmem:$0x1FE80];
	[sflag:s13] =	ssyncadd.s32 $0xFFFFFF00  }
0x2b: {  	v3 =	vld [tilespmem:$0x17700]  }
0x2c: {  	v20 =	vld [tilespmem:$0x1FE90]  }
0x2d: {  	v21 =	vld [tilespmem:$0x1FEA0]  }
0x2e: {  	v22 =	vld [tilespmem:$0x1FEB0]  }
0x2f: {  	v23 =	vld [tilespmem:$0x1FEC0]  }
0x30: {  	v24 =	vld [tilespmem:$0x1FED0];
	[tilespmem:v1+s14+$0x0] =	vst.idx.msk $0xffff, v3  }
0x31: {  	v25 =	vld [tilespmem:$0x1FEE0];
	[tilespmem:v4+s14+$0x0] =	vst.idx.msk $0xffff, v3  }
0x32: {  	v26 =	vld [tilespmem:$0x1FEF0];
	[tilespmem:v18+s14+$0x0] =	vst.idx.msk $0xffff, v3  }
0x33: {  	v8 =	vld [tilespmem:$0x1FF00];
	[tilespmem:v19+s14+$0x0] =	vst.idx.msk $0xffff, v3  }
0x34: {  	v9 =	vld [tilespmem:$0x1FF10];
	[tilespmem:v20+s14+$0x0] =	vst.idx.msk $0xffff, v3  }
0x35: {  	v10 =	vld [tilespmem:$0x1FF20];
	[tilespmem:v21+s14+$0x0] =	vst.idx.msk $0xffff, v3  }
0x36: {  	v11 =	vld [tilespmem:$0x1FF30];
	[tilespmem:v22+s14+$0x0] =	vst.idx.msk $0xffff, v3  }
0x37: {  	v12 =	vld [tilespmem:$0x1FF40];
	[tilespmem:v23+s14+$0x0] =	vst.idx.msk $0xffff, v3  }
0x38: {  	[tilespmem:v24+s14+$0x0] =	vst.idx.msk $0xffff, v3  }
0x39: {  	[tilespmem:v25+s14+$0x0] =	vst.idx.msk $0xffff, v3  }
0x3a: {  	[tilespmem:v26+s14+$0x0] =	vst.idx.msk $0xffff, v3  }
0x3b: {  	[tilespmem:v8+s14+$0x0] =	vst.idx.msk $0xffff, v3  }
0x3c: {  	v13 =	vld [tilespmem:$0x1FF50];
	[tilespmem:v9+s14+$0x0] =	vst.idx.msk $0xffff, v3  }
0x3d: {  	v14 =	vld [tilespmem:$0x1FF60];
	[tilespmem:v10+s14+$0x0] =	vst.idx.msk $0xffff, v3  }
0x3e: {  	v15 =	vld [tilespmem:$0x1FF70];
	[tilespmem:v11+s14+$0x0] =	vst.idx.msk $0xffff, v3  }
0x3f: {  	v16 =	vld [tilespmem:$0x1FF80];
	[tilespmem:v12+s14+$0x0] =	vst.idx.msk $0xffff, v3  }
0x40: {  	v3 =	vld [tilespmem:$0x17710]  }
0x41: {  	v17 =	vld [tilespmem:$0x1FF90]  }
0x42: {  	v18 =	vld [tilespmem:$0x1FFA0]  }
0x43: {  	v19 =	vld [tilespmem:$0x1FFB0]  }
0x44: {  	v20 =	vld [tilespmem:$0x1FFC0]  }
0x45: {  	v21 =	vld [tilespmem:$0x1FFD0];
	[tilespmem:v13+s14+$0x0] =	vst.idx.msk $0xffff, v3  }
0x46: {  	v22 =	vld [tilespmem:$0x1FFE0];
	[tilespmem:v14+s14+$0x0] =	vst.idx.msk $0xffff, v3  }
0x47: {  	v23 =	vld [tilespmem:$0x1FFF0];
	[tilespmem:v15+s14+$0x0] =	vst.idx.msk $0xffff, v3  }
0x48: {  	[tilespmem:v16+s14+$0x0] =	vst.idx.msk $0xffff, v3  }
0x49: {  	[tilespmem:v17+s14+$0x0] =	vst.idx.msk $0xffff, v3  }
0x4a: {  	[tilespmem:v18+s14+$0x0] =	vst.idx.msk $0xffff, v3  }
0x4b: {  	[tilespmem:v19+s14+$0x0] =	vst.idx.msk $0xffff, v3  }
0x4c: {  	[tilespmem:v20+s14+$0x0] =	vst.idx.msk $0xffff, v3  }
0x4d: {  	[tilespmem:v21+s14+$0x0] =	vst.idx.msk $0xffff, v3  }
0x4e: {  	[tilespmem:v22+s14+$0x0] =	vst.idx.msk $0xffff, v3  }
0x4f: {  	[tilespmem:v23+s14+$0x0] =	vst.idx.msk $0xffff, v3  }
0x50: {  	[tilespmem:v28+s14+$0x0] =	vst.idx.msk $0xffff, v3  }
0x51: {  	[tilespmem:v29+s14+$0x0] =	vst.idx.msk $0xffff, v3  }
0x52: {  	[tilespmem:v30+s14+$0x0] =	vst.idx.msk $0xffff, v3  }
0x53: {  	[tilespmem:v31+s14+$0x0] =	vst.idx.msk $0xffff, v3  }
0x54: {  	[tilespmem:v32+s14+$0x0] =	vst.idx.msk $0xffff, v3  }
0x55: {  	v3 =	vld [tilespmem:$0x17720];
	_ =	sdelay $0x4  }
0x56: {  	[tilespmem:v33+s14+$0x0] =	vst.idx.msk $0xffff, v3  }
0x57: {  	[tilespmem:v34+s14+$0x0] =	vst.idx.msk $0xffff, v3  }
0x58: {  	[tilespmem:v35+s14+$0x0] =	vst.idx.msk $0xffff, v3  }
0x59: {  	[tilespmem:v36+s14+$0x0] =	vst.idx.msk $0xffff, v3  }
0x5a: {  	[tilespmem:v37+s14+$0x0] =	vst.idx.msk $0xffff, v3  }
0x5b: {  	[tilespmem:v38+s14+$0x0] =	vst.idx.msk $0xffff, v3  }
0x5c: {  	[tilespmem:v39+s14+$0x0] =	vst.idx.msk $0xffff, v3  }
0x5d: {  	[tilespmem:v40+s14+$0x0] =	vst.idx.msk $0xffff, v3  }
0x5e: {  	[tilespmem:v41+s14+$0x0] =	vst.idx.msk $0xffff, v3  }
0x5f: {  	[tilespmem:v42+s14+$0x0] =	vst.idx.msk $0xffff, v3  }
0x60: {  	[tilespmem:v43+s14+$0x0] =	vst.idx.msk $0xffff, v3  }
0x61: {  	[tilespmem:v44+s14+$0x0] =	vst.idx.msk $0xffff, v3  }
0x62: {  	[tilespmem:v45+s14+$0x0] =	vst.idx.msk $0xffff, v3  }
0x63: {  	[tilespmem:v46+s14+$0x0] =	vst.idx.msk $0xffff, v3  }
0x64: {  	[tilespmem:v47+s14+$0x0] =	vst.idx.msk $0xffff, v3  }
0x65: {  	[tilespmem:v48+s14+$0x0] =	vst.idx.msk $0xffff, v3  }
0x66: {  	v3 =	vld [tilespmem:$0x17730];
	_ =	sdelay $0x4  }
0x67: {  	[tilespmem:v49+s14+$0x0] =	vst.idx.msk $0xffff, v3  }
0x68: {  	[tilespmem:v50+s14+$0x0] =	vst.idx.msk $0xffff, v3  }
0x69: {  	[tilespmem:v51+s14+$0x0] =	vst.idx.msk $0xffff, v3  }
0x6a: {  	[tilespmem:v52+s14+$0x0] =	vst.idx.msk $0xffff, v3  }
0x6b: {  	[tilespmem:v53+s14+$0x0] =	vst.idx.msk $0xffff, v3  }
0x6c: {  	[tilespmem:v54+s14+$0x0] =	vst.idx.msk $0xffff, v3  }
0x6d: {  	[tilespmem:v55+s14+$0x0] =	vst.idx.msk $0xffff, v3  }
0x6e: {  	[tilespmem:v56+s14+$0x0] =	vst.idx.msk $0xffff, v3  }
0x6f: {  	[tilespmem:v57+s14+$0x0] =	vst.idx.msk $0xffff, v3  }
0x70: {  	[tilespmem:v58+s14+$0x0] =	vst.idx.msk $0xffff, v3  }
0x71: {  	[tilespmem:v59+s14+$0x0] =	vst.idx.msk $0xffff, v3  }
0x72: {  	[tilespmem:v60+s14+$0x0] =	vst.idx.msk $0xffff, v3  }
0x73: {  	[tilespmem:v61+s14+$0x0] =	vst.idx.msk $0xffff, v3  }
0x74: {  	[tilespmem:v62+s14+$0x0] =	vst.idx.msk $0xffff, v3  }
0x75: {  	[tilespmem:v63+s14+$0x0] =	vst.idx.msk $0xffff, v3  }
0x76: {  	[tilespmem:v2+s14+$0x0] =	vst.idx.msk $0xffff, v3  }
0x77: {  	v24 =	vor.u32 $0x400, v1;
	v3 =	vld [tilespmem:$0x17740]  }
0x78: {  	v5 =	vor.u32 $0x401, v1  }
0x79: {  	v6 =	vor.u32 $0x402, v1  }
0x7a: {  	v7 =	vor.u32 $0x403, v1  }
0x7b: {  	v8 =	vor.u32 $0x404, v1  }
0x7c: {  	v25 =	vor.u32 $0x405, v1;
	[tilespmem:v24+s14+$0x0] =	vst.idx.msk $0xffff, v3  }
0x7d: {  	v26 =	vor.u32 $0x406, v1;
	[tilespmem:v5+s14+$0x0] =	vst.idx.msk $0xffff, v3  }
0x7e: {  	v12 =	vor.u32 $0x407, v1;
	[tilespmem:v6+s14+$0x0] =	vst.idx.msk $0xffff, v3  }
0x7f: {  	v13 =	vor.u32 $0x408, v1;
	[tilespmem:v7+s14+$0x0] =	vst.idx.msk $0xffff, v3  }
0x80: {  	v14 =	vor.u32 $0x409, v1;
	[tilespmem:v8+s14+$0x0] =	vst.idx.msk $0xffff, v3  }
0x81: {  	v15 =	vor.u32 $0x40A, v1;
	[tilespmem:v25+s14+$0x0] =	vst.idx.msk $0xffff, v3  }
0x82: {  	v16 =	vor.u32 $0x40B, v1;
	[tilespmem:v26+s14+$0x0] =	vst.idx.msk $0xffff, v3  }
0x83: {  	v17 =	vor.u32 $0x40C, v1;
	[tilespmem:v12+s14+$0x0] =	vst.idx.msk $0xffff, v3  }
0x84: {  	v18 =	vor.u32 $0x40D, v1;
	[tilespmem:v13+s14+$0x0] =	vst.idx.msk $0xffff, v3  }
0x85: {  	v19 =	vor.u32 $0x40E, v1;
	[tilespmem:v14+s14+$0x0] =	vst.idx.msk $0xffff, v3  }
0x86: {  	v20 =	vor.u32 $0x40F, v1;
	[tilespmem:v15+s14+$0x0] =	vst.idx.msk $0xffff, v3  }
0x87: {  	[tilespmem:v16+s14+$0x0] =	vst.idx.msk $0xffff, v3  }
0x88: {  	[tilespmem:v17+s14+$0x0] =	vst.idx.msk $0xffff, v3  }
0x89: {  	[tilespmem:v18+s14+$0x0] =	vst.idx.msk $0xffff, v3  }
0x8a: {  	[tilespmem:v19+s14+$0x0] =	vst.idx.msk $0xffff, v3  }
0x8b: {  	[tilespmem:v20+s14+$0x0] =	vst.idx.msk $0xffff, v3  }
0x8c: {  	v21 =	vor.u32 $0x500, v1;
	v3 =	vld [tilespmem:$0x17750]  }
0x8d: {  	v22 =	vor.u32 $0x501, v1  }
0x8e: {  	v23 =	vor.u32 $0x502, v1  }
0x8f: {  	v24 =	vor.u32 $0x503, v1  }
0x90: {  	v25 =	vor.u32 $0x504, v1  }
0x91: {  	v26 =	vor.u32 $0x505, v1;
	[tilespmem:v21+s14+$0x0] =	vst.idx.msk $0xffff, v3  }
0x92: {  	v12 =	vor.u32 $0x506, v1;
	[tilespmem:v22+s14+$0x0] =	vst.idx.msk $0xffff, v3  }
0x93: {  	v13 =	vor.u32 $0x507, v1;
	[tilespmem:v23+s14+$0x0] =	vst.idx.msk $0xffff, v3  }
0x94: {  	v14 =	vor.u32 $0x508, v1;
	[tilespmem:v24+s14+$0x0] =	vst.idx.msk $0xffff, v3  }
0x95: {  	v15 =	vor.u32 $0x509, v1;
	[tilespmem:v25+s14+$0x0] =	vst.idx.msk $0xffff, v3  }
0x96: {  	v16 =	vor.u32 $0x50A, v1;
	[tilespmem:v26+s14+$0x0] =	vst.idx.msk $0xffff, v3  }
0x97: {  	v17 =	vor.u32 $0x50B, v1;
	[tilespmem:v12+s14+$0x0] =	vst.idx.msk $0xffff, v3  }
0x98: {  	v18 =	vor.u32 $0x50C, v1;
	[tilespmem:v13+s14+$0x0] =	vst.idx.msk $0xffff, v3  }
0x99: {  	v19 =	vor.u32 $0x50D, v1;
	[tilespmem:v14+s14+$0x0] =	vst.idx.msk $0xffff, v3  }
0x9a: {  	v20 =	vor.u32 $0x50E, v1;
	[tilespmem:v15+s14+$0x0] =	vst.idx.msk $0xffff, v3  }
0x9b: {  	v21 =	vor.u32 $0x50F, v1;
	[tilespmem:v16+s14+$0x0] =	vst.idx.msk $0xffff, v3  }
0x9c: {  	[tilespmem:v17+s14+$0x0] =	vst.idx.msk $0xffff, v3  }
0x9d: {  	[tilespmem:v18+s14+$0x0] =	vst.idx.msk $0xffff, v3  }
0x9e: {  	[tilespmem:v19+s14+$0x0] =	vst.idx.msk $0xffff, v3  }
0x9f: {  	[tilespmem:v20+s14+$0x0] =	vst.idx.msk $0xffff, v3  }
0xa0: {  	[tilespmem:v21+s14+$0x0] =	vst.idx.msk $0xffff, v3  }
0xa1: {  	v22 =	vor.u32 $0x600, v1;
	v3 =	vld [tilespmem:$0x17760]  }
0xa2: {  	v23 =	vor.u32 $0x601, v1  }
0xa3: {  	v24 =	vor.u32 $0x602, v1  }
0xa4: {  	v25 =	vor.u32 $0x603, v1  }
0xa5: {  	v26 =	vor.u32 $0x604, v1  }
0xa6: {  	v12 =	vor.u32 $0x605, v1;
	[tilespmem:v22+s14+$0x0] =	vst.idx.msk $0xffff, v3  }
0xa7: {  	v13 =	vor.u32 $0x606, v1;
	[tilespmem:v23+s14+$0x0] =	vst.idx.msk $0xffff, v3  }
0xa8: {  	v14 =	vor.u32 $0x607, v1;
	[tilespmem:v24+s14+$0x0] =	vst.idx.msk $0xffff, v3  }
0xa9: {  	v15 =	vor.u32 $0x608, v1;
	[tilespmem:v25+s14+$0x0] =	vst.idx.msk $0xffff, v3  }
0xaa: {  	v16 =	vor.u32 $0x609, v1;
	[tilespmem:v26+s14+$0x0] =	vst.idx.msk $0xffff, v3  }
0xab: {  	v17 =	vor.u32 $0x60A, v1;
	[tilespmem:v12+s14+$0x0] =	vst.idx.msk $0xffff, v3  }
0xac: {  	v18 =	vor.u32 $0x60B, v1;
	[tilespmem:v13+s14+$0x0] =	vst.idx.msk $0xffff, v3  }
0xad: {  	v19 =	vor.u32 $0x60C, v1;
	[tilespmem:v14+s14+$0x0] =	vst.idx.msk $0xffff, v3  }
0xae: {  	v20 =	vor.u32 $0x60D, v1;
	[tilespmem:v15+s14+$0x0] =	vst.idx.msk $0xffff, v3  }
0xaf: {  	v21 =	vor.u32 $0x60E, v1;
	[tilespmem:v16+s14+$0x0] =	vst.idx.msk $0xffff, v3  }
0xb0: {  	v22 =	vor.u32 $0x60F, v1;
	[tilespmem:v17+s14+$0x0] =	vst.idx.msk $0xffff, v3  }
0xb1: {  	[tilespmem:v18+s14+$0x0] =	vst.idx.msk $0xffff, v3  }
0xb2: {  	[tilespmem:v19+s14+$0x0] =	vst.idx.msk $0xffff, v3  }
0xb3: {  	[tilespmem:v20+s14+$0x0] =	vst.idx.msk $0xffff, v3  }
0xb4: {  	[tilespmem:v21+s14+$0x0] =	vst.idx.msk $0xffff, v3  }
0xb5: {  	[tilespmem:v22+s14+$0x0] =	vst.idx.msk $0xffff, v3  }
0xb6: {  	v23 =	vor.u32 $0x700, v1;
	v3 =	vld [tilespmem:$0x17770]  }
0xb7: {  	v24 =	vor.u32 $0x701, v1  }
0xb8: {  	v25 =	vor.u32 $0x702, v1  }
0xb9: {  	v26 =	vor.u32 $0x703, v1  }
0xba: {  	v12 =	vor.u32 $0x704, v1  }
0xbb: {  	v13 =	vor.u32 $0x705, v1;
	[tilespmem:v23+s14+$0x0] =	vst.idx.msk $0xffff, v3  }
0xbc: {  	v14 =	vor.u32 $0x706, v1;
	[tilespmem:v24+s14+$0x0] =	vst.idx.msk $0xffff, v3  }
0xbd: {  	v15 =	vor.u32 $0x707, v1;
	[tilespmem:v25+s14+$0x0] =	vst.idx.msk $0xffff, v3  }
0xbe: {  	v16 =	vor.u32 $0x708, v1;
	[tilespmem:v26+s14+$0x0] =	vst.idx.msk $0xffff, v3  }
0xbf: {  	v17 =	vor.u32 $0x709, v1;
	[tilespmem:v12+s14+$0x0] =	vst.idx.msk $0xffff, v3  }
0xc0: {  	v18 =	vor.u32 $0x70A, v1;
	[tilespmem:v13+s14+$0x0] =	vst.idx.msk $0xffff, v3  }
0xc1: {  	v19 =	vor.u32 $0x70B, v1;
	[tilespmem:v14+s14+$0x0] =	vst.idx.msk $0xffff, v3  }
0xc2: {  	v20 =	vor.u32 $0x70C, v1;
	[tilespmem:v15+s14+$0x0] =	vst.idx.msk $0xffff, v3  }
0xc3: {  	v21 =	vor.u32 $0x70D, v1;
	[tilespmem:v16+s14+$0x0] =	vst.idx.msk $0xffff, v3  }
0xc4: {  	v22 =	vor.u32 $0x70E, v1;
	[tilespmem:v17+s14+$0x0] =	vst.idx.msk $0xffff, v3  }
0xc5: {  	v23 =	vor.u32 $0x70F, v1;
	[tilespmem:v18+s14+$0x0] =	vst.idx.msk $0xffff, v3  }
0xc6: {  	[tilespmem:v19+s14+$0x0] =	vst.idx.msk $0xffff, v3  }
0xc7: {  	[tilespmem:v20+s14+$0x0] =	vst.idx.msk $0xffff, v3  }
0xc8: {  	[tilespmem:v21+s14+$0x0] =	vst.idx.msk $0xffff, v3  }
0xc9: {  	[tilespmem:v22+s14+$0x0] =	vst.idx.msk $0xffff, v3  }
0xca: {  	[tilespmem:v23+s14+$0x0] =	vst.idx.msk $0xffff, v3  }
0xcb: {  	v24 =	vor.u32 $0x800, v1;
	v3 =	vld [tilespmem:$0x17780]  }
0xcc: {  	v25 =	vor.u32 $0x801, v1  }
0xcd: {  	v26 =	vor.u32 $0x802, v1  }
0xce: {  	v12 =	vor.u32 $0x803, v1  }
0xcf: {  	v13 =	vor.u32 $0x804, v1  }
0xd0: {  	v14 =	vor.u32 $0x805, v1;
	[tilespmem:v24+s14+$0x0] =	vst.idx.msk $0xffff, v3  }
0xd1: {  	v15 =	vor.u32 $0x806, v1;
	[tilespmem:v25+s14+$0x0] =	vst.idx.msk $0xffff, v3  }
0xd2: {  	v16 =	vor.u32 $0x807, v1;
	[tilespmem:v26+s14+$0x0] =	vst.idx.msk $0xffff, v3  }
0xd3: {  	v17 =	vor.u32 $0x808, v1;
	[tilespmem:v12+s14+$0x0] =	vst.idx.msk $0xffff, v3  }
0xd4: {  	v18 =	vor.u32 $0x809, v1;
	[tilespmem:v13+s14+$0x0] =	vst.idx.msk $0xffff, v3  }
0xd5: {  	v19 =	vor.u32 $0x80A, v1;
	[tilespmem:v14+s14+$0x0] =	vst.idx.msk $0xffff, v3  }
0xd6: {  	v20 =	vor.u32 $0x80B, v1;
	[tilespmem:v15+s14+$0x0] =	vst.idx.msk $0xffff, v3  }
0xd7: {  	v21 =	vor.u32 $0x80C, v1;
	[tilespmem:v16+s14+$0x0] =	vst.idx.msk $0xffff, v3  }
0xd8: {  	v22 =	vor.u32 $0x80D, v1;
	[tilespmem:v17+s14+$0x0] =	vst.idx.msk $0xffff, v3  }
0xd9: {  	v23 =	vor.u32 $0x80E, v1;
	[tilespmem:v18+s14+$0x0] =	vst.idx.msk $0xffff, v3  }
0xda: {  	v24 =	vor.u32 $0x80F, v1;
	[tilespmem:v19+s14+$0x0] =	vst.idx.msk $0xffff, v3  }
0xdb: {  	[tilespmem:v20+s14+$0x0] =	vst.idx.msk $0xffff, v3  }
0xdc: {  	[tilespmem:v21+s14+$0x0] =	vst.idx.msk $0xffff, v3  }
0xdd: {  	[tilespmem:v22+s14+$0x0] =	vst.idx.msk $0xffff, v3  }
0xde: {  	[tilespmem:v23+s14+$0x0] =	vst.idx.msk $0xffff, v3  }
0xdf: {  	[tilespmem:v24+s14+$0x0] =	vst.idx.msk $0xffff, v3  }
0xe0: {  	v25 =	vor.u32 $0x900, v1;
	v3 =	vld [tilespmem:$0x17790]  }
0xe1: {  	v26 =	vor.u32 $0x901, v1  }
0xe2: {  	v12 =	vor.u32 $0x902, v1  }
0xe3: {  	v13 =	vor.u32 $0x903, v1  }
0xe4: {  	v14 =	vor.u32 $0x904, v1  }
0xe5: {  	v15 =	vor.u32 $0x905, v1;
	[tilespmem:v25+s14+$0x0] =	vst.idx.msk $0xffff, v3  }
0xe6: {  	v16 =	vor.u32 $0x906, v1;
	[tilespmem:v26+s14+$0x0] =	vst.idx.msk $0xffff, v3  }
0xe7: {  	v17 =	vor.u32 $0x907, v1;
	[tilespmem:v12+s14+$0x0] =	vst.idx.msk $0xffff, v3  }
0xe8: {  	v18 =	vor.u32 $0x908, v1;
	[tilespmem:v13+s14+$0x0] =	vst.idx.msk $0xffff, v3  }
0xe9: {  	v19 =	vor.u32 $0x909, v1;
	[tilespmem:v14+s14+$0x0] =	vst.idx.msk $0xffff, v3  }
0xea: {  	v20 =	vor.u32 $0x90A, v1;
	[tilespmem:v15+s14+$0x0] =	vst.idx.msk $0xffff, v3  }
0xeb: {  	v21 =	vor.u32 $0x90B, v1;
	[tilespmem:v16+s14+$0x0] =	vst.idx.msk $0xffff, v3  }
0xec: {  	v22 =	vor.u32 $0x90C, v1;
	[tilespmem:v17+s14+$0x0] =	vst.idx.msk $0xffff, v3  }
0xed: {  	v23 =	vor.u32 $0x90D, v1;
	[tilespmem:v18+s14+$0x0] =	vst.idx.msk $0xffff, v3  }
0xee: {  	v24 =	vor.u32 $0x90E, v1;
	[tilespmem:v19+s14+$0x0] =	vst.idx.msk $0xffff, v3  }
0xef: {  	v25 =	vor.u32 $0x90F, v1;
	[tilespmem:v20+s14+$0x0] =	vst.idx.msk $0xffff, v3  }
0xf0: {  	[tilespmem:v21+s14+$0x0] =	vst.idx.msk $0xffff, v3  }
0xf1: {  	[tilespmem:v22+s14+$0x0] =	vst.idx.msk $0xffff, v3  }
0xf2: {  	[tilespmem:v23+s14+$0x0] =	vst.idx.msk $0xffff, v3  }
0xf3: {  	[tilespmem:v24+s14+$0x0] =	vst.idx.msk $0xffff, v3  }
0xf4: {  	[tilespmem:v25+s14+$0x0] =	vst.idx.msk $0xffff, v3  }
0xf5: {  	v26 =	vadd.s32 $0x9E0, v1;
	v3 =	vld [tilespmem:$0x1779E]  }
0xf6: {  	v12 =	vadd.s32 $0x9E1, v1  }
0xf7: {  	v13 =	vadd.s32 $0x9E2, v1  }
0xf8: {  	v14 =	vadd.s32 $0x9E3, v1  }
0xf9: {  	v15 =	vadd.s32 $0x9E4, v1  }
0xfa: {  	v16 =	vadd.s32 $0x9E5, v1;
	[tilespmem:v26+s14+$0x0] =	vst.idx.msk $0xffff, v3  }
0xfb: {  	v17 =	vadd.s32 $0x9E6, v1;
	[tilespmem:v12+s14+$0x0] =	vst.idx.msk $0xffff, v3  }
0xfc: {  	v18 =	vadd.s32 $0x9E7, v1;
	[tilespmem:v13+s14+$0x0] =	vst.idx.msk $0xffff, v3  }
0xfd: {  	v19 =	vadd.s32 $0x9E8, v1;
	[tilespmem:v14+s14+$0x0] =	vst.idx.msk $0xffff, v3  }
0xfe: {  	v20 =	vadd.s32 $0x9E9, v1;
	[tilespmem:v15+s14+$0x0] =	vst.idx.msk $0xffff, v3  }
0xff: {  	v21 =	vadd.s32 $0x9EA, v1;
	[tilespmem:v16+s14+$0x0] =	vst.idx.msk $0xffff, v3  }
0x100: {  	v22 =	vadd.s32 $0x9EB, v1;
	[tilespmem:v17+s14+$0x0] =	vst.idx.msk $0xffff, v3  }
0x101: {  	v23 =	vadd.s32 $0x9EC, v1;
	[tilespmem:v18+s14+$0x0] =	vst.idx.msk $0xffff, v3  }
0x102: {  	v24 =	vadd.s32 $0x9ED, v1;
	[tilespmem:v19+s14+$0x0] =	vst.idx.msk $0xffff, v3  }
0x103: {  	v25 =	vadd.s32 $0x9EE, v1;
	[tilespmem:v20+s14+$0x0] =	vst.idx.msk $0xffff, v3  }
0x104: {  	v26 =	vadd.s32 $0x9EF, v1;
	[tilespmem:v21+s14+$0x0] =	vst.idx.msk $0xffff, v3  }
0x105: {  	[tilespmem:v22+s14+$0x0] =	vst.idx.msk $0xffff, v3  }
0x106: {  	[tilespmem:v23+s14+$0x0] =	vst.idx.msk $0xffff, v3  }
0x107: {  	[tilespmem:v24+s14+$0x0] =	vst.idx.msk $0xffff, v3  }
0x108: {  	s17 =	simm.s32 $0x10;
	[tilespmem:v25+s14+$0x0] =	vst.idx.msk $0xffff, v3  }
0x109: {  	s20 =	sadd.s32 $0x0, s8;
	s18 =	simm.s32 $0x100;
	s19 =	simm.s32 $0x0;
	[tilespmem:v26+s14+$0x0] =	vst.idx.msk $0xffff, v3  }
.LBB2_2:
0x10a: {  	[tilespmem:s19], [sflag:$0x1] =	stream.linear.gather [hbm4b:s20+s5], $0x80, $0x38;
	[tilespmem:$0x18300] =	vst v63  }
0x10b: {  	s20 =	smov.u32 s17;
	s19 =	smov.u32 s18;
	p0 =	sne.s32 s17, $0x7C0  }
.Ltmp2:
0x10c: {  	s17 =	sadd.s32 $0x10, s17;
	(pc) =	sbr.rel @p0 .LBB2_2-.Ltmp2, $2  }
0x10d: {  	_ =	sdelay $0x2  }
0x10e: {  	s18 =	sadd.s32 $0x100, s18;
	s20 =	sadd.s32 s20, s8  }
.Ltmp3:
0x10f: {  	(pc) =	sbr.rel .LBB2_4-.Ltmp3, $4  }
0x110: {  	_ = 	snop  }
0x111: {  	[tilespmem:s19], [sflag:$0x1] =	stream.linear.gather [hbm4b:s20+s5], $0x80, $0x38;
	[tilespmem:$0x18300] =	vst v63  }
0x112: {  	s17 =	simm.s32 $0x0;
	p0 =	por $0x1, $0x1;
	p1 =	por $0x0, $0x0  }
0x113: {  	[tilespmem:s15], [sflag:$0x1] =	stream.linear.gather [hbm4b:s9+s17], $0x7D00, $0x38;
	[tilespmem:$0x18300] =	vst v63  }
.LBB2_12:
0x114: {  	s17 =	sadd.s32 $0x1, s17  }
0x115: {  	p2 =	sne.s32 s17, $0x4  }
.Ltmp4:
0x116: {  	_ = 	snop;
	(pc) =	sbr.rel @!p2 .LBB2_13-.Ltmp4, $2  }
0x117: {  	_ =	sdelay $0x2  }
0x118: {  	p0 =	por !p0, !p0;
	p1 =	por !p1, !p1  }
.LBB2_4:
0x119: {  	s18 =	sshll.u32 s17, $0x5  }
0x11a: {  	s18 =	sor.u32 s6, s18  }
0x11b: {  	p2 =	sgt.u32 s18, $0x7C  }
.Ltmp5:
0x11c: {  	_ = 	snop;
	(pc) =	sbr.rel @p2 .LBB2_12-.Ltmp5, $1  }
0x11d: {  	_ =	sdelay $0x3  }
0x11e: {  	s19 =	sand.u32 $0x1, s17  }
0x11f: {  	s20 =	sadd.s32 $0x1, s19  }
0x120: {  	_ =	swait.ge [sflag:s20], $0x3E80  }
0x121: {  	[sflag:s20] =	ssyncset.done $0x0  }
0x122: {  	[sflag:s20] =	ssyncadd.s32 $0xFFFFC180  }
0x123: {  	p2 =	seq.s32 s17, $0x0;
	p3 =	sgt.u32 s18, $0x5C;
	_ =	swait.ge [sflag:s20], $0x7D00  }
.Ltmp6:
0x124: {  	s21 =	sxor.u32 @!p2 $0x1, s19;
	[sflag:s20] =	ssyncset.done $0x0;
	(pc) =	sbr.rel @p3 .LBB2_9-.Ltmp6, $4  }
0x125: {  	[sflag:s20] =	ssyncadd.s32 $0xFFFF8300;
	s20 =	sadd.s32 @!p2 $0x3, s21  }
0x126: {  	_ =	swait.ge @!p2 [sflag:s20], $0x7D00  }
0x127: {  	[sflag:s20] =	ssyncset.done @!p2 $0x0  }
0x128: {  	[sflag:s20] =	ssyncadd.s32 @!p2 $0xFFFF8300  }
0x129: {  	s20 =	sadd.s32 $0x20, s18  }
0x12a: {  	s21 =	simm.s32 $0x1;
	s24 =	smul.u32 $0x7D0, s20  }
0x12b: {  	s22 =	sxor.u32 $0x1, s19;
	s21 =	simm.s32 @!p0 $0x0  }
0x12c: {  	s25 =	simm.s32 $0x10;
	s23 =	sshll.u32 s21, $0x7;
	s24 =	sadd.s32 s1, s24  }
0x12d: {  	s21 =	sadd.s32 $0x1, s22;
	s26 =	sadd.s32 $0x100, s23;
	s28 =	sadd.s32 $0x0, s24  }
.LBB2_7:
0x12e: {  	[tilespmem:s23], [sflag:s21] =	stream.linear.gather [hbm4b:s28+s5], $0x80, $0x38;
	[tilespmem:$0x18300] =	vst v63  }
0x12f: {  	s28 =	smov.u32 s25;
	s23 =	smov.u32 s26;
	p2 =	sne.s32 s25, $0x7C0  }
.Ltmp7:
0x130: {  	s25 =	sadd.s32 $0x10, s25;
	(pc) =	sbr.rel @p2 .LBB2_7-.Ltmp7, $2  }
0x131: {  	_ =	sdelay $0x2  }
0x132: {  	s26 =	sadd.s32 $0x100, s26;
	s28 =	sadd.s32 s28, s24  }
0x133: {  	[tilespmem:s23], [sflag:s21] =	stream.linear.gather [hbm4b:s28+s5], $0x80, $0x38;
	[tilespmem:$0x18300] =	vst v63  }
0x134: {  	s22 =	smul.u32 $0x1F400, s22  }
0x135: {  	s20 =	smul.u32 $0xFA0, s20  }
0x136: {  	s22 =	sshrl.u32 s22, $0x2  }
0x137: {  	s20 =	sadd.s32 s0, s20;
	s22 =	sadd.s32 $0x7D00, s22  }
0x138: {  	[tilespmem:s22], [sflag:s21] =	stream.linear.gather [hbm4b:s20+s5], $0x7D00, $0x38;
	[tilespmem:$0x18300] =	vst v63  }
.LBB2_9:
0x139: {  	s20 =	simm.s32 $0x1  }
0x13a: {  	s20 =	simm.s32 @!p1 $0x0  }
0x13b: {  	s21 =	smul.u32 $0x1F400, s20;
	_ =	sdelay $0x1  }
0x13c: {  	s21 =	sshrl.u32 s21, $0x2  }
0x13d: {  	s21 =	sadd.s32 $0x7D80, s21  }
0x13e: {  	v3 =	vmov s21;
	_ =	sdelay $0x1  }
0x13f: {  	s20 =	sshll.u32 s20, $0x7  }
0x140: {  	v4 =	vmov s20  }
0x141: {  	s20 =	simm.s32 $0x0  }
0x142: {  	v5 =	vld.idx.msk [tilespmem:v3+s20+$0xFFFFFF80 ss:$0x1], $0xffff  }
0x143: {  	v6 =	vld.idx.msk [tilespmem:v3+s20+$0x0 ss:$0x1], $0xffff;
	_ =	sdelay $0x1  }
0x144: {  	v7 =	vld.idx.msk [tilespmem:v4+s20+$0x0 ss:$0x1], $0xffff;
	_ =	sdelay $0x1  }
0x145: {  	v5 =	vmin.f32 v5, $4.000000000e+00  }
0x146: {  	v6 =	vmin.f32 v6, $4.000000000e+00;
	v5 =	vmax.f32 v5, $-4.000000000e+00  }
0x147: {  	v6 =	vmax.f32 v6, $-4.000000000e+00;
	v5 =	vmul.f32 $1.442695020e+00, v5  }
0x148: {  	v7 =	vshll.u32 v7, $0x5;
	v6 =	vmul.f32 $1.442695020e+00, v6  }
0x149: {  	v10 =	vor.u32 $0x10, v0;
	v8 =	vor.u32 v0, v7;
	(erf) = vpow2.f32 v5  }
0x14a: {  	v5 =	vor.u32 v10, v7;
	(erf) = vpow2.f32 v6;
	_ =	sdelay $0x3  }
0x14b: {  	v6 =	vld.idx.msk [tilespmem:v8+s14+$0x0], $0xffff  }
0x14c: {  	v5 =	vld.idx.msk [tilespmem:v5+s14+$0x0], $0xffff;
	_ =	sdelay $0x2  }
0x14d: {  	v7 =	vpop (erf)  }
0x14e: {  	v6 =	vmul.f32 v7, v6;
	v7 =	vpop (erf)  }
0x14f: {  	v5 =	vmul.f32 v7, v5  }
0x150: {  	[tilespmem:v3+s20+$0xFFFFFF80 ss:$0x1] =	vst.idx.msk $0xffff, v6  }
0x151: {  	[tilespmem:v3+s20+$0x0 ss:$0x1] =	vst.idx.msk $0xffff, v5  }
0x152: {  	v5 =	vld.idx.msk [tilespmem:v3+s20+$0xFFFFFF90 ss:$0x1], $0xffff  }
0x153: {  	v6 =	vld.idx.msk [tilespmem:v3+s20+$0x10 ss:$0x1], $0xffff;
	_ =	sdelay $0x1  }
0x154: {  	v7 =	vld.idx.msk [tilespmem:v4+s20+$0x10 ss:$0x1], $0xffff;
	_ =	sdelay $0x1  }
0x155: {  	v5 =	vmin.f32 v5, $4.000000000e+00  }
0x156: {  	v6 =	vmin.f32 v6, $4.000000000e+00;
	v5 =	vmax.f32 v5, $-4.000000000e+00  }
0x157: {  	v6 =	vmax.f32 v6, $-4.000000000e+00;
	v5 =	vmul.f32 $1.442695020e+00, v5  }
0x158: {  	v7 =	vshll.u32 v7, $0x5;
	v6 =	vmul.f32 $1.442695020e+00, v6  }
0x159: {  	v8 =	vor.u32 v0, v7;
	(erf) = vpow2.f32 v5  }
0x15a: {  	v5 =	vor.u32 v10, v7;
	(erf) = vpow2.f32 v6;
	_ =	sdelay $0x3  }
0x15b: {  	v6 =	vld.idx.msk [tilespmem:v8+s14+$0x0], $0xffff  }
0x15c: {  	s21 =	simm.s32 $0x100;
	v5 =	vld.idx.msk [tilespmem:v5+s14+$0x0], $0xffff  }
0x15d: {  	v7 =	vld.idx.msk [tilespmem:v3+s21+$0xFFFFFF80 ss:$0x1], $0xffff  }
0x15e: {  	v8 =	vld.idx.msk [tilespmem:v3+s21+$0x0 ss:$0x1], $0xffff  }
0x15f: {  	v9 =	vpop (erf)  }
0x160: {  	v11 =	vld.idx.msk [tilespmem:v4+s21+$0x0 ss:$0x1], $0xffff;
	v12 =	vpop (erf);
	v6 =	vmul.f32 v9, v6  }
0x161: {  	v5 =	vmul.f32 v12, v5  }
0x162: {  	v7 =	vmin.f32 v7, $4.000000000e+00;
	[tilespmem:v3+s20+$0xFFFFFF90 ss:$0x1] =	vst.idx.msk $0xffff, v6  }
0x163: {  	v7 =	vmax.f32 v7, $-4.000000000e+00;
	v6 =	vmin.f32 v8, $4.000000000e+00;
	[tilespmem:v3+s20+$0x10 ss:$0x1] =	vst.idx.msk $0xffff, v5  }
0x164: {  	v5 =	vmul.f32 $1.442695020e+00, v7;
	v6 =	vmax.f32 v6, $-4.000000000e+00;
	v7 =	vld.idx.msk [tilespmem:v3+s20+$0xFFFFFFA0 ss:$0x1], $0xffff  }
0x165: {  	v8 =	vshll.u32 v11, $0x5;
	v6 =	vmul.f32 $1.442695020e+00, v6;
	v9 =	vld.idx.msk [tilespmem:v3+s20+$0x20 ss:$0x1], $0xffff  }
0x166: {  	v11 =	vor.u32 v0, v8;
	(erf) = vpow2.f32 v5  }
0x167: {  	v5 =	vor.u32 v10, v8;
	(erf) = vpow2.f32 v6;
	v6 =	vld.idx.msk [tilespmem:v4+s20+$0x20 ss:$0x1], $0xffff;
	_ =	sdelay $0x1  }
0x168: {  	v7 =	vmin.f32 v7, $4.000000000e+00  }
0x169: {  	v8 =	vmin.f32 v9, $4.000000000e+00;
	v7 =	vmax.f32 v7, $-4.000000000e+00  }
0x16a: {  	v9 =	vld.idx.msk [tilespmem:v11+s14+$0x0], $0xffff;
	v8 =	vmax.f32 v8, $-4.000000000e+00;
	v7 =	vmul.f32 $1.442695020e+00, v7  }
0x16b: {  	v5 =	vld.idx.msk [tilespmem:v5+s14+$0x0], $0xffff;
	v6 =	vshll.u32 v6, $0x5;
	v8 =	vmul.f32 $1.442695020e+00, v8  }
0x16c: {  	v11 =	vor.u32 v0, v6;
	(erf) = vpow2.f32 v7  }
0x16d: {  	v6 =	vor.u32 v10, v6;
	(erf) = vpow2.f32 v8  }
0x16e: {  	v7 =	vpop (erf)  }
0x16f: {  	v7 =	vmul.f32 v7, v9;
	v8 =	vpop (erf)  }
0x170: {  	v5 =	vmul.f32 v8, v5  }
0x171: {  	[tilespmem:v3+s21+$0xFFFFFF80 ss:$0x1] =	vst.idx.msk $0xffff, v7;
	v7 =	vld.idx.msk [tilespmem:v11+s14+$0x0], $0xffff  }
0x172: {  	[tilespmem:v3+s21+$0x0 ss:$0x1] =	vst.idx.msk $0xffff, v5;
	v5 =	vld.idx.msk [tilespmem:v6+s14+$0x0], $0xffff  }
0x173: {  	v6 =	vld.idx.msk [tilespmem:v3+s21+$0xFFFFFF90 ss:$0x1], $0xffff  }
0x174: {  	v8 =	vld.idx.msk [tilespmem:v3+s21+$0x10 ss:$0x1], $0xffff  }
0x175: {  	v9 =	vld.idx.msk [tilespmem:v4+s21+$0x10 ss:$0x1], $0xffff;
	v11 =	vpop (erf)  }
0x176: {  	s22 =	simm.s32 $0x200;
	v12 =	vpop (erf);
	v7 =	vmul.f32 v11, v7  }
0x177: {  	v11 =	vld.idx.msk [tilespmem:v4+s22+$0x0 ss:$0x1], $0xffff;
	v5 =	vmul.f32 v12, v5  }
0x178: {  	v12 =	vld.idx.msk [tilespmem:v3+s22+$0xFFFFFF80 ss:$0x1], $0xffff;
	v6 =	vmin.f32 v6, $4.000000000e+00;
	[tilespmem:v3+s20+$0xFFFFFFA0 ss:$0x1] =	vst.idx.msk $0xffff, v7  }
0x179: {  	v7 =	vmin.f32 v8, $4.000000000e+00;
	v8 =	vld.idx.msk [tilespmem:v3+s22+$0x0 ss:$0x1], $0xffff;
	v6 =	vmax.f32 v6, $-4.000000000e+00;
	[tilespmem:v3+s20+$0x20 ss:$0x1] =	vst.idx.msk $0xffff, v5  }
0x17a: {  	v5 =	vshll.u32 v9, $0x5;
	v7 =	vmax.f32 v7, $-4.000000000e+00;
	v6 =	vmul.f32 $1.442695020e+00, v6;
	v9 =	vld.idx.msk [tilespmem:v3+s20+$0xFFFFFFB0 ss:$0x1], $0xffff  }
0x17b: {  	v7 =	vmul.f32 $1.442695020e+00, v7;
	v14 =	vld.idx.msk [tilespmem:v3+s20+$0x30 ss:$0x1], $0xffff  }
0x17c: {  	v13 =	vor.u32 v0, v5;
	v5 =	vor.u32 v10, v5;
	(erf) = vpow2.f32 v6  }
0x17d: {  	v6 =	vshll.u32 v11, $0x5;
	v11 =	vmin.f32 v12, $4.000000000e+00;
	(erf) = vpow2.f32 v7  }
0x17e: {  	v12 =	vld.idx.msk [tilespmem:v4+s20+$0x30 ss:$0x1], $0xffff;
	v8 =	vmin.f32 v8, $4.000000000e+00;
	v11 =	vmax.f32 v11, $-4.000000000e+00  }
0x17f: {  	v11 =	vmul.f32 $1.442695020e+00, v11;
	v8 =	vmax.f32 v8, $-4.000000000e+00;
	v9 =	vmin.f32 v9, $4.000000000e+00  }
0x180: {  	v8 =	vmul.f32 $1.442695020e+00, v8;
	v14 =	vmin.f32 v14, $4.000000000e+00;
	v9 =	vmax.f32 v9, $-4.000000000e+00  }
0x181: {  	(erf) = vpow2.f32 v11;
	v11 =	vmax.f32 v14, $-4.000000000e+00;
	v9 =	vmul.f32 $1.442695020e+00, v9  }
0x182: {  	v7 =	vor.u32 v0, v6;
	v5 =	vld.idx.msk [tilespmem:v5+s14+$0x0], $0xffff;
	v11 =	vmul.f32 $1.442695020e+00, v11  }
0x183: {  	v6 =	vor.u32 v10, v6;
	v13 =	vld.idx.msk [tilespmem:v13+s14+$0x0], $0xffff;
	(erf) = vpow2.f32 v8;
	v8 =	vshll.u32 v12, $0x5  }
0x184: {  	v12 =	vor.u32 v0, v8;
	(erf) = vpow2.f32 v9  }
0x185: {  	v8 =	vor.u32 v10, v8;
	(erf) = vpow2.f32 v11;
	v9 =	vpop (erf)  }
0x186: {  	v11 =	vpop (erf)  }
0x187: {  	v7 =	vld.idx.msk [tilespmem:v7+s14+$0x0], $0xffff;
	v5 =	vmul.f32 v11, v5  }
0x188: {  	v6 =	vld.idx.msk [tilespmem:v6+s14+$0x0], $0xffff;
	v9 =	vmul.f32 v9, v13  }
0x189: {  	v11 =	vld.idx.msk [tilespmem:v12+s14+$0x0], $0xffff  }
0x18a: {  	v8 =	vld.idx.msk [tilespmem:v8+s14+$0x0], $0xffff;
	[tilespmem:v3+s21+$0xFFFFFF90 ss:$0x1] =	vst.idx.msk $0xffff, v9  }
0x18b: {  	[tilespmem:v3+s21+$0x10 ss:$0x1] =	vst.idx.msk $0xffff, v5;
	v5 =	vpop (erf)  }
0x18c: {  	v9 =	vld.idx.msk [tilespmem:v3+s21+$0xFFFFFFA0 ss:$0x1], $0xffff;
	v5 =	vmul.f32 v5, v7;
	v7 =	vpop (erf)  }
0x18d: {  	v6 =	vmul.f32 v7, v6;
	v7 =	vld.idx.msk [tilespmem:v3+s21+$0x20 ss:$0x1], $0xffff;
	v12 =	vpop (erf)  }
0x18e: {  	v13 =	vld.idx.msk [tilespmem:v4+s21+$0x20 ss:$0x1], $0xffff;
	[tilespmem:v3+s22+$0xFFFFFF80 ss:$0x1] =	vst.idx.msk $0xffff, v5;
	v5 =	vmul.f32 v12, v11;
	v11 =	vpop (erf)  }
0x18f: {  	[tilespmem:v3+s22+$0x0 ss:$0x1] =	vst.idx.msk $0xffff, v6;
	v6 =	vmul.f32 v11, v8  }
0x190: {  	v8 =	vld.idx.msk [tilespmem:v3+s22+$0xFFFFFF90 ss:$0x1], $0xffff;
	[tilespmem:v3+s20+$0xFFFFFFB0 ss:$0x1] =	vst.idx.msk $0xffff, v5  }
0x191: {  	v5 =	vmin.f32 v9, $4.000000000e+00;
	v9 =	vld.idx.msk [tilespmem:v3+s22+$0x10 ss:$0x1], $0xffff;
	[tilespmem:v3+s20+$0x30 ss:$0x1] =	vst.idx.msk $0xffff, v6  }
0x192: {  	v5 =	vmax.f32 v5, $-4.000000000e+00;
	v6 =	vmin.f32 v7, $4.000000000e+00;
	v7 =	vld.idx.msk [tilespmem:v3+s20+$0x40 ss:$0x1], $0xffff  }
0x193: {  	v11 =	vshll.u32 v13, $0x5;
	v5 =	vmul.f32 $1.442695020e+00, v5;
	v12 =	vld.idx.msk [tilespmem:v3+s20+$0xFFFFFFC0 ss:$0x1], $0xffff;
	v6 =	vmax.f32 v6, $-4.000000000e+00  }
0x194: {  	v13 =	vor.u32 v0, v11;
	v6 =	vmul.f32 $1.442695020e+00, v6  }
0x195: {  	v11 =	vor.u32 v10, v11;
	(erf) = vpow2.f32 v5;
	v5 =	vmin.f32 v8, $4.000000000e+00;
	v8 =	vld.idx.msk [tilespmem:v4+s20+$0x40 ss:$0x1], $0xffff  }
0x196: {  	(erf) = vpow2.f32 v6;
	v5 =	vmax.f32 v5, $-4.000000000e+00;
	v6 =	vmin.f32 v9, $4.000000000e+00  }
0x197: {  	v5 =	vmul.f32 $1.442695020e+00, v5;
	v6 =	vmax.f32 v6, $-4.000000000e+00;
	v7 =	vmin.f32 v7, $4.000000000e+00  }
0x198: {  	v9 =	vmin.f32 v12, $4.000000000e+00;
	v6 =	vmul.f32 $1.442695020e+00, v6;
	v7 =	vmax.f32 v7, $-4.000000000e+00  }
0x199: {  	v12 =	vld.idx.msk [tilespmem:v4+s22+$0x10 ss:$0x1], $0xffff;
	(erf) = vpow2.f32 v5;
	v5 =	vmax.f32 v9, $-4.000000000e+00;
	v7 =	vmul.f32 $1.442695020e+00, v7  }
0x19a: {  	v9 =	vld.idx.msk [tilespmem:v13+s14+$0x0], $0xffff;
	v8 =	vshll.u32 v8, $0x5;
	(erf) = vpow2.f32 v6;
	v5 =	vmul.f32 $1.442695020e+00, v5  }
0x19b: {  	v6 =	vld.idx.msk [tilespmem:v11+s14+$0x0], $0xffff;
	v11 =	vor.u32 v10, v8;
	(erf) = vpow2.f32 v7  }
0x19c: {  	s23 =	simm.s32 $0x300;
	v7 =	vor.u32 v0, v8;
	(erf) = vpow2.f32 v5  }
0x19d: {  	v14 =	vld.idx.msk [tilespmem:v3+s23+$0x0 ss:$0x1], $0xffff  }
0x19e: {  	v13 =	vld.idx.msk [tilespmem:v3+s23+$0xFFFFFF80 ss:$0x1], $0xffff;
	v8 =	vpop (erf)  }
0x19f: {  	v5 =	vld.idx.msk [tilespmem:v4+s23+$0x0 ss:$0x1], $0xffff;
	v12 =	vshll.u32 v12, $0x5;
	v8 =	vmul.f32 v8, v9;
	v15 =	vpop (erf)  }
0x1a0: {  	v9 =	vor.u32 v0, v12;
	v6 =	vmul.f32 v15, v6;
	v11 =	vld.idx.msk [tilespmem:v11+s14+$0x0], $0xffff  }
0x1a1: {  	[tilespmem:v3+s21+$0xFFFFFFA0 ss:$0x1] =	vst.idx.msk $0xffff, v8;
	v7 =	vld.idx.msk [tilespmem:v7+s14+$0x0], $0xffff  }
0x1a2: {  	v8 =	vor.u32 v10, v12;
	v12 =	vpop (erf);
	[tilespmem:v3+s21+$0x20 ss:$0x1] =	vst.idx.msk $0xffff, v6  }
0x1a3: {  	v14 =	vmin.f32 v14, $4.000000000e+00;
	v6 =	vmin.f32 v13, $4.000000000e+00;
	v13 =	vld.idx.msk [tilespmem:v3+s21+$0xFFFFFFB0 ss:$0x1], $0xffff;
	v15 =	vpop (erf)  }
0x1a4: {  	v14 =	vmax.f32 v14, $-4.000000000e+00;
	v6 =	vmax.f32 v6, $-4.000000000e+00;
	v16 =	vld.idx.msk [tilespmem:v3+s21+$0x30 ss:$0x1], $0xffff;
	v17 =	vpop (erf)  }
0x1a5: {  	v5 =	vshll.u32 v5, $0x5;
	v9 =	vld.idx.msk [tilespmem:v9+s14+$0x0], $0xffff;
	v6 =	vmul.f32 $1.442695020e+00, v6;
	v11 =	vmul.f32 v17, v11;
	v17 =	vpop (erf)  }
0x1a6: {  	v14 =	vmul.f32 $1.442695020e+00, v14;
	v18 =	vor.u32 v0, v5;
	v19 =	vld.idx.msk [tilespmem:v4+s21+$0x30 ss:$0x1], $0xffff;
	v7 =	vmul.f32 v17, v7  }
0x1a7: {  	v8 =	vld.idx.msk [tilespmem:v8+s14+$0x0], $0xffff;
	(erf) = vpow2.f32 v6;
	[tilespmem:v3+s20+$0x40 ss:$0x1] =	vst.idx.msk $0xffff, v11  }
0x1a8: {  	v5 =	vor.u32 v10, v5;
	(erf) = vpow2.f32 v14;
	v6 =	vmin.f32 v13, $4.000000000e+00;
	[tilespmem:v3+s20+$0xFFFFFFC0 ss:$0x1] =	vst.idx.msk $0xffff, v7  }
0x1a9: {  	v11 =	vmin.f32 v16, $4.000000000e+00;
	v7 =	vld.idx.msk [tilespmem:v3+s20+$0x50 ss:$0x1], $0xffff;
	v6 =	vmax.f32 v6, $-4.000000000e+00  }
0x1aa: {  	v13 =	vld.idx.msk [tilespmem:v3+s20+$0xFFFFFFD0 ss:$0x1], $0xffff;
	v11 =	vmax.f32 v11, $-4.000000000e+00;
	v6 =	vmul.f32 $1.442695020e+00, v6  }
0x1ab: {  	v14 =	vld.idx.msk [tilespmem:v18+s14+$0x0], $0xffff;
	v9 =	vmul.f32 v12, v9;
	v12 =	vshll.u32 v19, $0x5;
	v11 =	vmul.f32 $1.442695020e+00, v11  }
0x1ac: {  	v16 =	vor.u32 v0, v12;
	v8 =	vmul.f32 v15, v8;
	v15 =	vld.idx.msk [tilespmem:v4+s20+$0x50 ss:$0x1], $0xffff;
	(erf) = vpow2.f32 v6  }
0x1ad: {  	v5 =	vld.idx.msk [tilespmem:v5+s14+$0x0], $0xffff;
	[tilespmem:v3+s22+$0xFFFFFF90 ss:$0x1] =	vst.idx.msk $0xffff, v9;
	v6 =	vor.u32 v10, v12;
	(erf) = vpow2.f32 v11  }
0x1ae: {  	[tilespmem:v3+s22+$0x10 ss:$0x1] =	vst.idx.msk $0xffff, v8;
	v7 =	vmin.f32 v7, $4.000000000e+00  }
0x1af: {  	v8 =	vld.idx.msk [tilespmem:v4+s22+$0x20 ss:$0x1], $0xffff;
	v9 =	vmin.f32 v13, $4.000000000e+00;
	v7 =	vmax.f32 v7, $-4.000000000e+00  }
0x1b0: {  	v12 =	vld.idx.msk [tilespmem:v3+s22+$0xFFFFFFA0 ss:$0x1], $0xffff;
	v11 =	vpop (erf);
	v9 =	vmax.f32 v9, $-4.000000000e+00;
	v7 =	vmul.f32 $1.442695020e+00, v7  }
0x1b1: {  	v15 =	vshll.u32 v15, $0x5;
	v11 =	vmul.f32 v11, v14;
	v13 =	vpop (erf);
	v14 =	vld.idx.msk [tilespmem:v16+s14+$0x0], $0xffff;
	v9 =	vmul.f32 $1.442695020e+00, v9  }
0x1b2: {  	v5 =	vmul.f32 v13, v5;
	v6 =	vld.idx.msk [tilespmem:v6+s14+$0x0], $0xffff;
	v13 =	vor.u32 v10, v15;
	(erf) = vpow2.f32 v7  }
0x1b3: {  	[tilespmem:v3+s23+$0xFFFFFF80 ss:$0x1] =	vst.idx.msk $0xffff, v11;
	v7 =	vld.idx.msk [tilespmem:v3+s22+$0x20 ss:$0x1], $0xffff;
	v11 =	vor.u32 v0, v15;
	(erf) = vpow2.f32 v9  }
0x1b4: {  	[tilespmem:v3+s23+$0x0 ss:$0x1] =	vst.idx.msk $0xffff, v5  }
0x1b5: {  	v12 =	vmin.f32 v12, $4.000000000e+00;
	v5 =	vld.idx.msk [tilespmem:v4+s23+$0x10 ss:$0x1], $0xffff;
	v9 =	vpop (erf)  }
0x1b6: {  	v12 =	vmax.f32 v12, $-4.000000000e+00;
	v15 =	vld.idx.msk [tilespmem:v3+s23+$0xFFFFFF90 ss:$0x1], $0xffff;
	v9 =	vmul.f32 v9, v14;
	v14 =	vpop (erf)  }
0x1b7: {  	v12 =	vmul.f32 $1.442695020e+00, v12;
	v13 =	vld.idx.msk [tilespmem:v13+s14+$0x0], $0xffff;
	v6 =	vmul.f32 v14, v6  }
0x1b8: {  	v8 =	vshll.u32 v8, $0x5;
	v11 =	vld.idx.msk [tilespmem:v11+s14+$0x0], $0xffff;
	v7 =	vmin.f32 v7, $4.000000000e+00;
	[tilespmem:v3+s21+$0xFFFFFFB0 ss:$0x1] =	vst.idx.msk $0xffff, v9  }
0x1b9: {  	v14 =	vor.u32 v0, v8;
	v9 =	vld.idx.msk [tilespmem:v3+s23+$0x10 ss:$0x1], $0xffff;
	v7 =	vmax.f32 v7, $-4.000000000e+00;
	[tilespmem:v3+s21+$0x30 ss:$0x1] =	vst.idx.msk $0xffff, v6  }
0x1ba: {  	v6 =	vor.u32 v10, v8;
	v7 =	vmul.f32 $1.442695020e+00, v7;
	v8 =	vld.idx.msk [tilespmem:v3+s21+$0x40 ss:$0x1], $0xffff  }
0x1bb: {  	(erf) = vpow2.f32 v12;
	v16 =	vld.idx.msk [tilespmem:v3+s21+$0xFFFFFFC0 ss:$0x1], $0xffff;
	v12 =	vpop (erf)  }
0x1bc: {  	(erf) = vpow2.f32 v7;
	v7 =	vmul.f32 v12, v13;
	v12 =	vpop (erf)  }
0x1bd: {  	v15 =	vmin.f32 v15, $4.000000000e+00;
	v13 =	vld.idx.msk [tilespmem:v4+s21+$0x40 ss:$0x1], $0xffff;
	v11 =	vmul.f32 v12, v11  }
0x1be: {  	v15 =	vmax.f32 v15, $-4.000000000e+00;
	v14 =	vld.idx.msk [tilespmem:v14+s14+$0x0], $0xffff;
	v9 =	vmin.f32 v9, $4.000000000e+00;
	[tilespmem:v3+s20+$0x50 ss:$0x1] =	vst.idx.msk $0xffff, v7  }
0x1bf: {  	v5 =	vshll.u32 v5, $0x5;
	v15 =	vmul.f32 $1.442695020e+00, v15;
	v6 =	vld.idx.msk [tilespmem:v6+s14+$0x0], $0xffff;
	v7 =	vmax.f32 v9, $-4.000000000e+00;
	[tilespmem:v3+s20+$0xFFFFFFD0 ss:$0x1] =	vst.idx.msk $0xffff, v11  }
0x1c0: {  	v8 =	vmin.f32 v8, $4.000000000e+00;
	v7 =	vmul.f32 $1.442695020e+00, v7;
	v11 =	vmin.f32 v16, $4.000000000e+00;
	v9 =	vld.idx.msk [tilespmem:v3+s20+$0x60 ss:$0x1], $0xffff  }
0x1c1: {  	(erf) = vpow2.f32 v15;
	v8 =	vmax.f32 v8, $-4.000000000e+00;
	v11 =	vmax.f32 v11, $-4.000000000e+00;
	v16 =	vld.idx.msk [tilespmem:v3+s20+$0xFFFFFFE0 ss:$0x1], $0xffff  }
0x1c2: {  	v8 =	vmul.f32 $1.442695020e+00, v8;
	v13 =	vshll.u32 v13, $0x5;
	(erf) = vpow2.f32 v7  }
0x1c3: {  	v7 =	vmul.f32 $1.442695020e+00, v11;
	v17 =	vor.u32 v10, v13;
	v13 =	vor.u32 v0, v13  }
0x1c4: {  	s24 =	simm.s32 $0x400;
	v12 =	vor.u32 v0, v5;
	v5 =	vor.u32 v10, v5;
	v18 =	vpop (erf);
	v15 =	vld.idx.msk [tilespmem:v4+s20+$0x60 ss:$0x1], $0xffff;
	(erf) = vpow2.f32 v8  }
0x1c5: {  	v11 =	vld.idx.msk [tilespmem:v4+s24+$0x0 ss:$0x1], $0xffff;
	v14 =	vmul.f32 v18, v14;
	(erf) = vpow2.f32 v7;
	v19 =	vpop (erf);
	v9 =	vmin.f32 v9, $4.000000000e+00  }
0x1c6: {  	v8 =	vld.idx.msk [tilespmem:v3+s24+$0xFFFFFF80 ss:$0x1], $0xffff;
	v6 =	vmul.f32 v19, v6;
	v16 =	vmin.f32 v16, $4.000000000e+00;
	v9 =	vmax.f32 v9, $-4.000000000e+00  }
0x1c7: {  	[tilespmem:v3+s22+$0xFFFFFFA0 ss:$0x1] =	vst.idx.msk $0xffff, v14;
	v7 =	vld.idx.msk [tilespmem:v3+s24+$0x0 ss:$0x1], $0xffff;
	v16 =	vmax.f32 v16, $-4.000000000e+00;
	v9 =	vmul.f32 $1.442695020e+00, v9  }
0x1c8: {  	[tilespmem:v3+s22+$0x20 ss:$0x1] =	vst.idx.msk $0xffff, v6;
	v6 =	vld.idx.msk [tilespmem:v13+s14+$0x0], $0xffff;
	v13 =	vmul.f32 $1.442695020e+00, v16  }
0x1c9: {  	v15 =	vshll.u32 v15, $0x5;
	v14 =	vld.idx.msk [tilespmem:v17+s14+$0x0], $0xffff  }
0x1ca: {  	v12 =	vld.idx.msk [tilespmem:v12+s14+$0x0], $0xffff;
	v17 =	vor.u32 v10, v15;
	(erf) = vpow2.f32 v9  }
0x1cb: {  	v5 =	vld.idx.msk [tilespmem:v5+s14+$0x0], $0xffff;
	v15 =	vor.u32 v0, v15;
	v9 =	vpop (erf);
	(erf) = vpow2.f32 v13  }
0x1cc: {  	v8 =	vmin.f32 v8, $4.000000000e+00;
	v19 =	vld.idx.msk [tilespmem:v3+s22+$0xFFFFFFB0 ss:$0x1], $0xffff;
	v13 =	vpop (erf)  }
0x1cd: {  	v20 =	vld.idx.msk [tilespmem:v3+s22+$0x30 ss:$0x1], $0xffff;
	v7 =	vmin.f32 v7, $4.000000000e+00;
	v8 =	vmax.f32 v8, $-4.000000000e+00;
	v21 =	vpop (erf)  }
0x1ce: {  	v16 =	vld.idx.msk [tilespmem:v4+s22+$0x30 ss:$0x1], $0xffff;
	v8 =	vmul.f32 $1.442695020e+00, v8;
	v7 =	vmax.f32 v7, $-4.000000000e+00;
	v14 =	vmul.f32 v21, v14;
	v21 =	vpop (erf)  }
0x1cf: {  	v11 =	vshll.u32 v11, $0x5;
	v7 =	vmul.f32 $1.442695020e+00, v7;
	v17 =	vld.idx.msk [tilespmem:v17+s14+$0x0], $0xffff;
	v6 =	vmul.f32 v21, v6  }
0x1d0: {  	v18 =	vor.u32 v0, v11;
	(erf) = vpow2.f32 v8;
	v8 =	vld.idx.msk [tilespmem:v15+s14+$0x0], $0xffff;
	[tilespmem:v3+s21+$0x40 ss:$0x1] =	vst.idx.msk $0xffff, v14  }
0x1d1: {  	v11 =	vor.u32 v10, v11;
	(erf) = vpow2.f32 v7;
	v7 =	vmul.f32 v9, v12;
	[tilespmem:v3+s21+$0xFFFFFFC0 ss:$0x1] =	vst.idx.msk $0xffff, v6  }
0x1d2: {  	v5 =	vmul.f32 v13, v5;
	v9 =	vmin.f32 v19, $4.000000000e+00;
	v12 =	vmin.f32 v20, $4.000000000e+00;
	v6 =	vld.idx.msk [tilespmem:v3+s21+$0x50 ss:$0x1], $0xffff  }
0x1d3: {  	v9 =	vmax.f32 v9, $-4.000000000e+00;
	v12 =	vmax.f32 v12, $-4.000000000e+00;
	[tilespmem:v3+s23+$0xFFFFFF90 ss:$0x1] =	vst.idx.msk $0xffff, v7;
	v7 =	vld.idx.msk [tilespmem:v3+s21+$0xFFFFFFD0 ss:$0x1], $0xffff;
	v13 =	vpop (erf)  }
0x1d4: {  	v14 =	vshll.u32 v16, $0x5;
	v9 =	vmul.f32 $1.442695020e+00, v9;
	[tilespmem:v3+s23+$0x10 ss:$0x1] =	vst.idx.msk $0xffff, v5;
	v5 =	vld.idx.msk [tilespmem:v4+s21+$0x50 ss:$0x1], $0xffff;
	v13 =	vmul.f32 v13, v17;
	v17 =	vpop (erf)  }
0x1d5: {  	v18 =	vld.idx.msk [tilespmem:v18+s14+$0x0], $0xffff;
	v12 =	vmul.f32 $1.442695020e+00, v12;
	v16 =	vor.u32 v0, v14;
	v8 =	vmul.f32 v17, v8  }
0x1d6: {  	v11 =	vld.idx.msk [tilespmem:v11+s14+$0x0], $0xffff;
	(erf) = vpow2.f32 v9  }
0x1d7: {  	v15 =	vld.idx.msk [tilespmem:v4+s23+$0x20 ss:$0x1], $0xffff;
	v9 =	vor.u32 v10, v14;
	(erf) = vpow2.f32 v12  }
0x1d8: {  	[tilespmem:v3+s20+$0x60 ss:$0x1] =	vst.idx.msk $0xffff, v13;
	v13 =	vld.idx.msk [tilespmem:v3+s23+$0xFFFFFFA0 ss:$0x1], $0xffff;
	v6 =	vmin.f32 v6, $4.000000000e+00  }
0x1d9: {  	v12 =	vld.idx.msk [tilespmem:v3+s20+$0x70 ss:$0x1], $0xffff;
	[tilespmem:v3+s20+$0xFFFFFFE0 ss:$0x1] =	vst.idx.msk $0xffff, v8;
	v7 =	vmin.f32 v7, $4.000000000e+00;
	v5 =	vshll.u32 v5, $0x5;
	v6 =	vmax.f32 v6, $-4.000000000e+00;
	v8 =	vpop (erf)  }
0x1da: {  	v16 =	vld.idx.msk [tilespmem:v16+s14+$0x0], $0xffff;
	v7 =	vmax.f32 v7, $-4.000000000e+00;
	v6 =	vmul.f32 $1.442695020e+00, v6;
	v8 =	vmul.f32 v8, v18;
	v17 =	vpop (erf)  }
0x1db: {  	v14 =	vld.idx.msk [tilespmem:v4+s20+$0x70 ss:$0x1], $0xffff;
	v7 =	vmul.f32 $1.442695020e+00, v7;
	v11 =	vmul.f32 v17, v11;
	v17 =	vor.u32 v10, v5  }
0x1dc: {  	v9 =	vld.idx.msk [tilespmem:v9+s14+$0x0], $0xffff;
	(erf) = vpow2.f32 v6;
	v5 =	vor.u32 v0, v5;
	[tilespmem:v3+s24+$0xFFFFFF80 ss:$0x1] =	vst.idx.msk $0xffff, v8  }
0x1dd: {  	v6 =	vld.idx.msk [tilespmem:v3+s23+$0x20 ss:$0x1], $0xffff;
	(erf) = vpow2.f32 v7;
	[tilespmem:v3+s24+$0x0 ss:$0x1] =	vst.idx.msk $0xffff, v11  }
0x1de: {  	v8 =	vmin.f32 v12, $4.000000000e+00;
	v11 =	vld.idx.msk [tilespmem:v4+s24+$0x10 ss:$0x1], $0xffff  }
0x1df: {  	v15 =	vshll.u32 v15, $0x5;
	v8 =	vmax.f32 v8, $-4.000000000e+00;
	v12 =	vpop (erf);
	v18 =	vld.idx.msk [tilespmem:v3+s24+$0xFFFFFF90 ss:$0x1], $0xffff  }
0x1e0: {  	v14 =	vshll.u32 v14, $0x5;
	v8 =	vmul.f32 $1.442695020e+00, v8;
	v12 =	vmul.f32 v12, v16;
	v16 =	vpop (erf);
	v17 =	vld.idx.msk [tilespmem:v17+s14+$0x0], $0xffff  }
0x1e1: {  	v13 =	vmin.f32 v13, $4.000000000e+00;
	v19 =	vor.u32 v10, v14;
	v9 =	vmul.f32 v16, v9;
	v5 =	vld.idx.msk [tilespmem:v5+s14+$0x0], $0xffff  }
0x1e2: {  	s25 =	simm.s32 $0x500;
	v13 =	vmax.f32 v13, $-4.000000000e+00;
	(erf) = vpow2.f32 v8;
	[tilespmem:v3+s22+$0xFFFFFFB0 ss:$0x1] =	vst.idx.msk $0xffff, v12;
	v8 =	vld.idx.msk [tilespmem:v3+s24+$0x10 ss:$0x1], $0xffff;
	v6 =	vmin.f32 v6, $4.000000000e+00  }
0x1e3: {  	v7 =	vld.idx.msk [tilespmem:v4+s25+$0x0 ss:$0x1], $0xffff;
	v13 =	vmul.f32 $1.442695020e+00, v13;
	v12 =	vor.u32 v0, v15;
	[tilespmem:v3+s22+$0x30 ss:$0x1] =	vst.idx.msk $0xffff, v9;
	v6 =	vmax.f32 v6, $-4.000000000e+00  }
0x1e4: {  	v9 =	vor.u32 v10, v15;
	v6 =	vmul.f32 $1.442695020e+00, v6;
	v16 =	vld.idx.msk [tilespmem:v3+s22+$0x40 ss:$0x1], $0xffff  }
0x1e5: {  	v14 =	vor.u32 v0, v14;
	(erf) = vpow2.f32 v13;
	v15 =	vld.idx.msk [tilespmem:v3+s22+$0xFFFFFFC0 ss:$0x1], $0xffff;
	v20 =	vpop (erf)  }
0x1e6: {  	v11 =	vshll.u32 v11, $0x5;
	v13 =	vld.idx.msk [tilespmem:v19+s14+$0x0], $0xffff;
	(erf) = vpow2.f32 v6;
	v17 =	vmul.f32 v20, v17;
	v19 =	vpop (erf)  }
0x1e7: {  	v18 =	vmin.f32 v18, $4.000000000e+00;
	v6 =	vld.idx.msk [tilespmem:v4+s22+$0x40 ss:$0x1], $0xffff;
	v8 =	vmin.f32 v8, $4.000000000e+00;
	v5 =	vmul.f32 v19, v5  }
0x1e8: {  	v18 =	vmax.f32 v18, $-4.000000000e+00;
	v12 =	vld.idx.msk [tilespmem:v12+s14+$0x0], $0xffff;
	v19 =	vor.u32 v0, v11;
	v8 =	vmax.f32 v8, $-4.000000000e+00;
	[tilespmem:v3+s21+$0x50 ss:$0x1] =	vst.idx.msk $0xffff, v17  }
0x1e9: {  	v9 =	vld.idx.msk [tilespmem:v9+s14+$0x0], $0xffff;
	v17 =	vmul.f32 $1.442695020e+00, v18;
	v8 =	vmul.f32 $1.442695020e+00, v8;
	v16 =	vmin.f32 v16, $4.000000000e+00;
	[tilespmem:v3+s21+$0xFFFFFFD0 ss:$0x1] =	vst.idx.msk $0xffff, v5  }
0x1ea: {  	v15 =	vmin.f32 v15, $4.000000000e+00;
	v5 =	vor.u32 v10, v11;
	v16 =	vmax.f32 v16, $-4.000000000e+00;
	v11 =	vld.idx.msk [tilespmem:v3+s21+$0x60 ss:$0x1], $0xffff  }
0x1eb: {  	v15 =	vmax.f32 v15, $-4.000000000e+00;
	(erf) = vpow2.f32 v17;
	v17 =	vld.idx.msk [tilespmem:v4+s21+$0x60 ss:$0x1], $0xffff;
	v18 =	vpop (erf);
	v16 =	vmul.f32 $1.442695020e+00, v16  }
0x1ec: {  	v20 =	vld.idx.msk [tilespmem:v3+s21+$0xFFFFFFE0 ss:$0x1], $0xffff;
	v21 =	vshll.u32 v6, $0x5;
	v13 =	vmul.f32 v18, v13;
	(erf) = vpow2.f32 v8  }
0x1ed: {  	v18 =	vld.idx.msk [tilespmem:v3+s25+$0xFFFFFF80 ss:$0x1], $0xffff;
	v8 =	vmul.f32 $1.442695020e+00, v15;
	(erf) = vpow2.f32 v16;
	v16 =	vor.u32 v0, v21  }
0x1ee: {  	v6 =	vld.idx.msk [tilespmem:v14+s14+$0x0], $0xffff;
	v15 =	vor.u32 v10, v21;
	v14 =	vpop (erf)  }
0x1ef: {  	v12 =	vmul.f32 v14, v12;
	(erf) = vpow2.f32 v8;
	v8 =	vmin.f32 v11, $4.000000000e+00;
	v11 =	vpop (erf)  }
0x1f0: {  	[tilespmem:v3+s20+$0x70 ss:$0x1] =	vst.idx.msk $0xffff, v13;
	v13 =	vld.idx.msk [tilespmem:v3+s25+$0x0 ss:$0x1], $0xffff;
	v9 =	vmul.f32 v11, v9  }
0x1f1: {  	v7 =	vshll.u32 v7, $0x5;
	v21 =	vld.idx.msk [tilespmem:v3+s20+$0xFFFFFFF0 ss:$0x1], $0xffff;
	[tilespmem:v3+s23+$0xFFFFFFA0 ss:$0x1] =	vst.idx.msk $0xffff, v12;
	v17 =	vshll.u32 v17, $0x5  }
0x1f2: {  	v8 =	vmax.f32 v8, $-4.000000000e+00;
	v11 =	vmin.f32 v20, $4.000000000e+00;
	[tilespmem:v3+s23+$0x20 ss:$0x1] =	vst.idx.msk $0xffff, v9;
	v9 =	vld.idx.msk [tilespmem:v16+s14+$0x0], $0xffff;
	v16 =	vmin.f32 v18, $4.000000000e+00  }
0x1f3: {  	v12 =	vld.idx.msk [tilespmem:v15+s14+$0x0], $0xffff;
	v8 =	vmul.f32 $1.442695020e+00, v8;
	v11 =	vmax.f32 v11, $-4.000000000e+00;
	v16 =	vmax.f32 v16, $-4.000000000e+00  }
0x1f4: {  	v14 =	vld.idx.msk [tilespmem:v19+s14+$0x0], $0xffff;
	v15 =	vor.u32 v10, v17;
	v11 =	vmul.f32 $1.442695020e+00, v11;
	v16 =	vmul.f32 $1.442695020e+00, v16  }
0x1f5: {  	v5 =	vld.idx.msk [tilespmem:v5+s14+$0x0], $0xffff;
	(erf) = vpow2.f32 v8;
	v8 =	vor.u32 v0, v7;
	v18 =	vpop (erf);
	v7 =	vor.u32 v10, v7  }
0x1f6: {  	v17 =	vor.u32 v0, v17;
	v13 =	vmin.f32 v13, $4.000000000e+00;
	(erf) = vpow2.f32 v11;
	v11 =	vld.idx.msk [tilespmem:v3+s23+$0xFFFFFFB0 ss:$0x1], $0xffff;
	v20 =	vpop (erf)  }
0x1f7: {  	v22 =	vld.idx.msk [tilespmem:v3+s23+$0x30 ss:$0x1], $0xffff;
	v13 =	vmax.f32 v13, $-4.000000000e+00;
	v23 =	vpop (erf)  }
0x1f8: {  	v19 =	vld.idx.msk [tilespmem:v4+s23+$0x30 ss:$0x1], $0xffff;
	v21 =	vmin.f32 v21, $4.000000000e+00;
	(erf) = vpow2.f32 v16;
	v12 =	vmul.f32 v23, v12;
	v16 =	vpop (erf)  }
0x1f9: {  	v13 =	vmul.f32 $1.442695020e+00, v13;
	v15 =	vld.idx.msk [tilespmem:v15+s14+$0x0], $0xffff;
	v16 =	vmul.f32 v16, v9;
	v9 =	vmax.f32 v21, $-4.000000000e+00  }
0x1fa: {  	[tilespmem:v3+s22+$0x40 ss:$0x1] =	vst.idx.msk $0xffff, v12;
	v12 =	vmul.f32 $1.442695020e+00, v9;
	v9 =	vld.idx.msk [tilespmem:v7+s14+$0x0], $0xffff;
	v7 =	vmul.f32 v18, v14  }
0x1fb: {  	v17 =	vld.idx.msk [tilespmem:v17+s14+$0x0], $0xffff;
	v5 =	vmul.f32 v20, v5;
	v11 =	vmin.f32 v11, $4.000000000e+00;
	[tilespmem:v3+s22+$0xFFFFFFC0 ss:$0x1] =	vst.idx.msk $0xffff, v16  }
0x1fc: {  	(erf) = vpow2.f32 v13;
	v16 =	vld.idx.msk [tilespmem:v3+s22+$0x50 ss:$0x1], $0xffff;
	[tilespmem:v3+s24+$0xFFFFFF90 ss:$0x1] =	vst.idx.msk $0xffff, v7;
	v7 =	vmax.f32 v11, $-4.000000000e+00;
	v11 =	vmin.f32 v22, $4.000000000e+00  }
0x1fd: {  	v8 =	vld.idx.msk [tilespmem:v8+s14+$0x0], $0xffff;
	(erf) = vpow2.f32 v12  }
0x1fe: {  	v13 =	vpop (erf);
	v20 =	vld.idx.msk [tilespmem:v3+s22+$0xFFFFFFD0 ss:$0x1], $0xffff;
	[tilespmem:v3+s24+$0x10 ss:$0x1] =	vst.idx.msk $0xffff, v5;
	v5 =	vmul.f32 $1.442695020e+00, v7;
	v7 =	vmax.f32 v11, $-4.000000000e+00  }
0x1ff: {  	v19 =	vshll.u32 v19, $0x5;
	v13 =	vmul.f32 v13, v15;
	v7 =	vmul.f32 $1.442695020e+00, v7;
	v11 =	vpop (erf)  }
0x200: {  	v18 =	vor.u32 v0, v19;
	v15 =	vld.idx.msk [tilespmem:v4+s22+$0x50 ss:$0x1], $0xffff;
	(erf) = vpow2.f32 v5;
	v11 =	vmul.f32 v11, v17  }
0x201: {  	s26 =	smul.u32 $0x1F400, s19;
	v12 =	vld.idx.msk [tilespmem:v4+s24+$0x20 ss:$0x1], $0xffff;
	v17 =	vor.u32 v10, v19;
	(erf) = vpow2.f32 v7;
	v7 =	vmin.f32 v16, $4.000000000e+00  }
0x202: {  	[tilespmem:v3+s21+$0x60 ss:$0x1] =	vst.idx.msk $0xffff, v13;
	v13 =	vld.idx.msk [tilespmem:v3+s24+$0xFFFFFFA0 ss:$0x1], $0xffff;
	v5 =	vpop (erf)  }
0x203: {  	s26 =	sshrl.u32 s26, $0x2;
	v14 =	vld.idx.msk [tilespmem:v3+s21+$0x70 ss:$0x1], $0xffff;
	v20 =	vmin.f32 v20, $4.000000000e+00;
	[tilespmem:v3+s21+$0xFFFFFFE0 ss:$0x1] =	vst.idx.msk $0xffff, v11;
	v19 =	vmul.f32 v5, v8  }
0x204: {  	s28 =	simm.s32 $0x1800;
	s26 =	sadd.s32 $0x7D00, s26;
	v21 =	vmax.f32 v7, $-4.000000000e+00;
	v8 =	vmovc v10;
	v5 =	vmovc v10;
	v16 =	vld.idx.msk [tilespmem:v4+s21+$0x70 ss:$0x1], $0xffff;
	v11 =	vmov v10;
	v7 =	vmov v10  }
.LBB2_10:
0x205: {  	p2 =	sne.s32 s28, $0x1F000;
	v22 =	vpop (erf);
	v18 =	vld.idx.msk [tilespmem:v18+s14+$0x0], $0xffff;
	v15 =	vshll.u32 v15, $0x5;
	v20 =	vmax.f32 v20, $-4.000000000e+00;
	v21 =	vmul.f32 $1.442695020e+00, v21  }
0x206: {  	v9 =	vmul.f32 v22, v9;
	v17 =	vld.idx.msk [tilespmem:v17+s14+$0x0], $0xffff;
	v22 =	vor.u32 v8, v15;
	v20 =	vmul.f32 $1.442695020e+00, v20;
	v23 =	vpop (erf)  }
0x207: {  	s29 =	sshra.s32 s28, $0x2;
	v15 =	vor.u32 v0, v15;
	[tilespmem:v3+s25+$0xFFFFFF80 ss:$0x1] =	vst.idx.msk $0xffff, v19;
	v19 =	vld.idx.msk [tilespmem:v3+s24+$0x20 ss:$0x1], $0xffff;
	(erf) = vpow2.f32 v21  }
0x208: {  	v6 =	vmul.f32 v23, v6;
	v21 =	vld.idx.msk [tilespmem:v4+s29+$0x0 ss:$0x1], $0xffff;
	[tilespmem:v3+s25+$0x0 ss:$0x1] =	vst.idx.msk $0xffff, v9;
	(erf) = vpow2.f32 v20;
	v9 =	vmin.f32 v14, $4.000000000e+00  }
0x209: {  	v14 =	vld.idx.msk [tilespmem:v4+s25+$0x10 ss:$0x1], $0xffff;
	v9 =	vmax.f32 v9, $-4.000000000e+00  }
0x20a: {  	v16 =	vshll.u32 v16, $0x5;
	v20 =	vld.idx.msk [tilespmem:v3+s25+$0xFFFFFF90 ss:$0x1], $0xffff;
	v23 =	vpop (erf);
	v9 =	vmul.f32 $1.442695020e+00, v9;
	[tilespmem:v3+s20+$0xFFFFFFF0 ss:$0x1] =	vst.idx.msk $0xffff, v6;
	s20 =	smov.u32 s21;
	s21 =	smov.u32 s22;
	s22 =	smov.u32 s23  }
0x20b: {  	v6 =	vshll.u32 v12, $0x5;
	s23 =	smov.u32 s24;
	s24 =	smov.u32 s25;
	s25 =	smov.u32 s29;
	v12 =	vmul.f32 v23, v18;
	v18 =	vpop (erf);
	v22 =	vld.idx.msk [tilespmem:v22+s14+$0x0], $0xffff;
	v23 =	vor.u32 v11, v16  }
0x20c: {  	v13 =	vmin.f32 v13, $4.000000000e+00;
	v11 =	vmovc v8;
	v8 =	vmovc v7;
	v17 =	vmul.f32 v18, v17;
	v15 =	vld.idx.msk [tilespmem:v15+s14+$0x0], $0xffff;
	(erf) = vpow2.f32 v9  }
0x20d: {  	v26 =	vmax.f32 v13, $-4.000000000e+00;
	v18 =	vor.u32 v0, v6;
	v13 =	vmin.f32 v19, $4.000000000e+00;
	v9 =	vld.idx.msk [tilespmem:v3+s24+$0x10 ss:$0x1], $0xffff;
	[tilespmem:v3+s22+$0xFFFFFFB0 ss:$0x1] =	vst.idx.msk $0xffff, v12  }
0x20e: {  	v25 =	vmul.f32 $1.442695020e+00, v26;
	v6 =	vor.u32 v5, v6;
	v24 =	vmax.f32 v13, $-4.000000000e+00;
	[tilespmem:v3+s22+$0x30 ss:$0x1] =	vst.idx.msk $0xffff, v17;
	v13 =	vld.idx.msk [tilespmem:v3+s22+$0xFFFFFFC0 ss:$0x1], $0xffff  }
0x20f: {  	v7 =	vmov v5;
	v5 =	vmov v10;
	v17 =	vmul.f32 $1.442695020e+00, v24;
	v19 =	vld.idx.msk [tilespmem:v3+s22+$0x40 ss:$0x1], $0xffff  }
0x210: {  	v14 =	vshll.u32 v14, $0x5;
	(erf) = vpow2.f32 v25;
	v12 =	vpop (erf);
	v23 =	vld.idx.msk [tilespmem:v23+s14+$0x0], $0xffff  }
0x211: {  	v20 =	vmin.f32 v20, $4.000000000e+00;
	(erf) = vpow2.f32 v17;
	v17 =	vld.idx.msk [tilespmem:v4+s22+$0x40 ss:$0x1], $0xffff;
	v12 =	vmul.f32 v12, v22;
	v22 =	vpop (erf)  }
0x212: {  	v24 =	vor.u32 v0, v14;
	v20 =	vmax.f32 v20, $-4.000000000e+00;
	v18 =	vld.idx.msk [tilespmem:v18+s14+$0x0], $0xffff;
	v15 =	vmul.f32 v22, v15  }
0x213: {  	v20 =	vmul.f32 $1.442695020e+00, v20;
	v9 =	vmin.f32 v9, $4.000000000e+00;
	v22 =	vld.idx.msk [tilespmem:v6+s14+$0x0], $0xffff;
	[tilespmem:v3+s21+$0x50 ss:$0x1] =	vst.idx.msk $0xffff, v12;
	v6 =	vor.u32 v0, v16  }
0x214: {  	v12 =	vor.u32 v5, v14;
	v9 =	vmax.f32 v9, $-4.000000000e+00;
	[tilespmem:v3+s21+$0xFFFFFFD0 ss:$0x1] =	vst.idx.msk $0xffff, v15;
	v14 =	vld.idx.msk [tilespmem:v3+s21+$0x60 ss:$0x1], $0xffff  }
0x215: {  	v9 =	vmul.f32 $1.442695020e+00, v9;
	v15 =	vmin.f32 v19, $4.000000000e+00;
	(erf) = vpow2.f32 v20;
	v16 =	vld.idx.msk [tilespmem:v4+s21+$0x60 ss:$0x1], $0xffff;
	v19 =	vpop (erf)  }
0x216: {  	v13 =	vmin.f32 v13, $4.000000000e+00;
	v15 =	vmax.f32 v15, $-4.000000000e+00;
	v20 =	vld.idx.msk [tilespmem:v3+s21+$0xFFFFFFE0 ss:$0x1], $0xffff;
	v19 =	vmul.f32 v19, v23  }
0x217: {  	v13 =	vmax.f32 v13, $-4.000000000e+00;
	v17 =	vshll.u32 v17, $0x5;
	v26 =	vmul.f32 $1.442695020e+00, v15;
	v23 =	vld.idx.msk [tilespmem:v3+s25+$0xFFFFFF80 ss:$0x1], $0xffff  }
0x218: {  	v13 =	vmul.f32 $1.442695020e+00, v13;
	(erf) = vpow2.f32 v9;
	v9 =	vor.u32 v8, v17;
	v6 =	vld.idx.msk [tilespmem:v6+s14+$0x0], $0xffff;
	[tilespmem:v3+s20+$0x70 ss:$0x1] =	vst.idx.msk $0xffff, v19  }
0x219: {  	v17 =	vor.u32 v0, v17;
	v19 =	vld.idx.msk [tilespmem:v3+s25+$0x0 ss:$0x1], $0xffff;
	v25 =	vpop (erf);
	(erf) = vpow2.f32 v26  }
0x21a: {  	v15 =	vpop (erf);
	(erf) = vpow2.f32 v13;
	v13 =	vmin.f32 v14, $4.000000000e+00;
	v14 =	vld.idx.msk [tilespmem:v3+s20+$0xFFFFFFF0 ss:$0x1], $0xffff  }
0x21b: {  	v18 =	vmul.f32 v25, v18;
	v24 =	vld.idx.msk [tilespmem:v24+s14+$0x0], $0xffff;
	v15 =	vmul.f32 v15, v22;
	v13 =	vmax.f32 v13, $-4.000000000e+00  }
0x21c: {  	v16 =	vshll.u32 v16, $0x5;
	v20 =	vmin.f32 v20, $4.000000000e+00;
	v12 =	vld.idx.msk [tilespmem:v12+s14+$0x0], $0xffff;
	v13 =	vmul.f32 $1.442695020e+00, v13  }
0x21d: {  	v21 =	vshll.u32 v21, $0x5;
	v20 =	vmax.f32 v20, $-4.000000000e+00;
	[tilespmem:v3+s23+$0xFFFFFFA0 ss:$0x1] =	vst.idx.msk $0xffff, v18;
	v9 =	vld.idx.msk [tilespmem:v9+s14+$0x0], $0xffff;
	v18 =	vor.u32 v11, v16  }
0x21e: {  	v22 =	vor.u32 v0, v21;
	v25 =	vpop (erf);
	[tilespmem:v3+s23+$0x20 ss:$0x1] =	vst.idx.msk $0xffff, v15;
	v15 =	vld.idx.msk [tilespmem:v17+s14+$0x0], $0xffff;
	v17 =	vmul.f32 $1.442695020e+00, v20;
	(erf) = vpow2.f32 v13  }
0x21f: {  	v16 =	vor.u32 v0, v16;
	v13 =	vmin.f32 v23, $4.000000000e+00;
	v26 =	vmin.f32 v19, $4.000000000e+00;
	v20 =	vld.idx.msk [tilespmem:v4+s23+$0x30 ss:$0x1], $0xffff  }
0x220: {  	v21 =	vor.u32 v10, v21;
	v13 =	vmax.f32 v13, $-4.000000000e+00;
	v23 =	vld.idx.msk [tilespmem:v3+s23+$0xFFFFFFB0 ss:$0x1], $0xffff;
	(erf) = vpow2.f32 v17  }
0x221: {  	v14 =	vmin.f32 v14, $4.000000000e+00;
	v13 =	vmul.f32 $1.442695020e+00, v13;
	v17 =	vmax.f32 v26, $-4.000000000e+00;
	v19 =	vpop (erf);
	v26 =	vld.idx.msk [tilespmem:v3+s23+$0x30 ss:$0x1], $0xffff  }
0x222: {  	v14 =	vmax.f32 v14, $-4.000000000e+00;
	v17 =	vmul.f32 $1.442695020e+00, v17;
	v27 =	vpop (erf);
	v18 =	vld.idx.msk [tilespmem:v18+s14+$0x0], $0xffff  }
0x223: {  	v22 =	vld.idx.msk [tilespmem:v22+s14+$0x0], $0xffff;
	(erf) = vpow2.f32 v13;
	v13 =	vmul.f32 v27, v9;
	v9 =	vpop (erf)  }
0x224: {  	v14 =	vmul.f32 $1.442695020e+00, v14;
	v15 =	vmul.f32 v9, v15;
	v16 =	vld.idx.msk [tilespmem:v16+s14+$0x0], $0xffff  }
0x225: {  	v9 =	vld.idx.msk [tilespmem:v21+s14+$0x0], $0xffff;
	(erf) = vpow2.f32 v17;
	v21 =	vmul.f32 v25, v24;
	[tilespmem:v3+s22+$0x40 ss:$0x1] =	vst.idx.msk $0xffff, v13  }
0x226: {  	v12 =	vmul.f32 v19, v12;
	v13 =	vmin.f32 v23, $4.000000000e+00;
	[tilespmem:v3+s22+$0xFFFFFFC0 ss:$0x1] =	vst.idx.msk $0xffff, v15;
	v19 =	vld.idx.msk [tilespmem:v3+s22+$0x50 ss:$0x1], $0xffff;
	(erf) = vpow2.f32 v14  }
0x227: {  	v14 =	vshll.u32 v20, $0x5;
	v13 =	vmax.f32 v13, $-4.000000000e+00;
	v15 =	vmin.f32 v26, $4.000000000e+00;
	[tilespmem:v3+s24+$0xFFFFFF90 ss:$0x1] =	vst.idx.msk $0xffff, v21;
	v20 =	vld.idx.msk [tilespmem:v3+s22+$0xFFFFFFD0 ss:$0x1], $0xffff;
	v17 =	vpop (erf)  }
0x228: {  	v13 =	vmul.f32 $1.442695020e+00, v13;
	v21 =	vmax.f32 v15, $-4.000000000e+00;
	[tilespmem:v3+s24+$0x10 ss:$0x1] =	vst.idx.msk $0xffff, v12;
	v15 =	vld.idx.msk [tilespmem:v4+s22+$0x50 ss:$0x1], $0xffff;
	v23 =	vmul.f32 v17, v18  }
.Ltmp8:
0x229: {  	v18 =	vor.u32 v0, v14;
	v25 =	vmul.f32 $1.442695020e+00, v21;
	v12 =	vld.idx.msk [tilespmem:v4+s24+$0x20 ss:$0x1], $0xffff;
	v24 =	vpop (erf);
	(pc) =	sbr.rel @p2 .LBB2_10-.Ltmp8, $4  }
0x22a: {  	v17 =	vor.u32 v7, v14;
	(erf) = vpow2.f32 v13;
	v16 =	vmul.f32 v24, v16;
	[tilespmem:v3+s21+$0x60 ss:$0x1] =	vst.idx.msk $0xffff, v23  }
0x22b: {  	(erf) = vpow2.f32 v25;
	v14 =	vld.idx.msk [tilespmem:v3+s21+$0x70 ss:$0x1], $0xffff  }
0x22c: {  	v23 =	vmin.f32 v19, $4.000000000e+00;
	v21 =	vpop (erf);
	v13 =	vld.idx.msk [tilespmem:v3+s24+$0xFFFFFFA0 ss:$0x1], $0xffff;
	[tilespmem:v3+s21+$0xFFFFFFE0 ss:$0x1] =	vst.idx.msk $0xffff, v16  }
0x22d: {  	s28 =	sadd.s32 $0x400, s28;
	v20 =	vmin.f32 v20, $4.000000000e+00;
	v19 =	vmul.f32 v21, v22;
	v21 =	vmax.f32 v23, $-4.000000000e+00;
	v16 =	vld.idx.msk [tilespmem:v4+s21+$0x70 ss:$0x1], $0xffff  }
0x22e: {  	_ = 	snop  }
0x22f: {  	v20 =	vmax.f32 v20, $-4.000000000e+00;
	v21 =	vmul.f32 $1.442695020e+00, v21  }
0x230: {  	v22 =	vpop (erf);
	v15 =	vshll.u32 v15, $0x5;
	v20 =	vmul.f32 $1.442695020e+00, v20  }
0x231: {  	v9 =	vmul.f32 v22, v9;
	v25 =	vor.u32 v8, v15;
	(erf) = vpow2.f32 v21  }
0x232: {  	v18 =	vld.idx.msk [tilespmem:v18+s14+$0x0], $0xffff;
	v15 =	vor.u32 v0, v15;
	(erf) = vpow2.f32 v20  }
0x233: {  	v17 =	vld.idx.msk [tilespmem:v17+s14+$0x0], $0xffff;
	[tilespmem:v3+s25+$0xFFFFFF80 ss:$0x1] =	vst.idx.msk $0xffff, v19  }
0x234: {  	v26 =	vld.idx.msk [tilespmem:v3+s24+$0x20 ss:$0x1], $0xffff;
	v14 =	vmin.f32 v14, $4.000000000e+00;
	[tilespmem:v3+s25+$0x0 ss:$0x1] =	vst.idx.msk $0xffff, v9  }
0x235: {  	v14 =	vmax.f32 v14, $-4.000000000e+00;
	v13 =	vmin.f32 v13, $4.000000000e+00;
	v21 =	vld.idx.msk [tilespmem:v3+s25+$0xFFFFFF90 ss:$0x1], $0xffff;
	v9 =	vpop (erf)  }
0x236: {  	v14 =	vmul.f32 $1.442695020e+00, v14;
	v13 =	vmax.f32 v13, $-4.000000000e+00;
	v23 =	vpop (erf);
	v22 =	vld.idx.msk [tilespmem:v25+s14+$0x0], $0xffff  }
0x237: {  	v16 =	vshll.u32 v16, $0x5;
	v13 =	vmul.f32 $1.442695020e+00, v13;
	v15 =	vld.idx.msk [tilespmem:v15+s14+$0x0], $0xffff;
	v18 =	vmul.f32 v23, v18;
	v24 =	vpop (erf)  }
0x238: {  	v20 =	vld.idx.msk [tilespmem:v4+s25+$0x10 ss:$0x1], $0xffff;
	v11 =	vor.u32 v11, v16;
	(erf) = vpow2.f32 v14;
	v17 =	vmul.f32 v24, v17  }
0x239: {  	v19 =	vmin.f32 v26, $4.000000000e+00;
	v14 =	vld.idx.msk [tilespmem:v3+s25+$0x10 ss:$0x1], $0xffff;
	[tilespmem:v3+s23+$0xFFFFFFB0 ss:$0x1] =	vst.idx.msk $0xffff, v18  }
0x23a: {  	v19 =	vmax.f32 v19, $-4.000000000e+00;
	(erf) = vpow2.f32 v13;
	[tilespmem:v3+s23+$0x30 ss:$0x1] =	vst.idx.msk $0xffff, v17;
	v23 =	vpop (erf)  }
0x23b: {  	v12 =	vshll.u32 v12, $0x5;
	v17 =	vmul.f32 $1.442695020e+00, v19;
	v19 =	vld.idx.msk [tilespmem:v3+s23+$0x40 ss:$0x1], $0xffff;
	v25 =	vmul.f32 v23, v22;
	v26 =	vpop (erf)  }
0x23c: {  	v18 =	vor.u32 v0, v12;
	v21 =	vmin.f32 v21, $4.000000000e+00;
	v24 =	vld.idx.msk [tilespmem:v3+s23+$0xFFFFFFC0 ss:$0x1], $0xffff;
	v15 =	vmul.f32 v26, v15  }
0x23d: {  	v12 =	vor.u32 v5, v12;
	v20 =	vshll.u32 v20, $0x5;
	v11 =	vld.idx.msk [tilespmem:v11+s14+$0x0], $0xffff;
	v21 =	vmax.f32 v21, $-4.000000000e+00;
	[tilespmem:v3+s22+$0x50 ss:$0x1] =	vst.idx.msk $0xffff, v25  }
0x23e: {  	v14 =	vmin.f32 v14, $4.000000000e+00;
	(erf) = vpow2.f32 v17;
	v17 =	vld.idx.msk [tilespmem:v4+s23+$0x40 ss:$0x1], $0xffff;
	v22 =	vor.u32 v0, v20;
	[tilespmem:v3+s22+$0xFFFFFFD0 ss:$0x1] =	vst.idx.msk $0xffff, v15  }
0x23f: {  	v14 =	vmax.f32 v14, $-4.000000000e+00;
	v25 =	vmul.f32 $1.442695020e+00, v21;
	v15 =	vor.u32 v10, v20;
	v20 =	vld.idx.msk [tilespmem:v3+s22+$0x60 ss:$0x1], $0xffff  }
0x240: {  	v16 =	vor.u32 v0, v16;
	v14 =	vmul.f32 $1.442695020e+00, v14;
	v19 =	vmin.f32 v19, $4.000000000e+00  }
0x241: {  	v13 =	vld.idx.msk [tilespmem:v18+s14+$0x0], $0xffff;
	v26 =	vpop (erf);
	(erf) = vpow2.f32 v25;
	v24 =	vmin.f32 v24, $4.000000000e+00;
	v19 =	vmax.f32 v19, $-4.000000000e+00  }
0x242: {  	v12 =	vld.idx.msk [tilespmem:v12+s14+$0x0], $0xffff;
	v18 =	vmul.f32 v26, v11;
	v25 =	vmax.f32 v24, $-4.000000000e+00;
	v19 =	vmul.f32 $1.442695020e+00, v19  }
0x243: {  	v23 =	vld.idx.msk [tilespmem:v3+s22+$0xFFFFFFE0 ss:$0x1], $0xffff;
	v17 =	vshll.u32 v17, $0x5;
	(erf) = vpow2.f32 v14;
	v14 =	vmul.f32 $1.442695020e+00, v25  }
0x244: {  	v21 =	vld.idx.msk [tilespmem:v4+s22+$0x60 ss:$0x1], $0xffff;
	v24 =	vor.u32 v7, v17;
	(erf) = vpow2.f32 v19;
	v26 =	vmin.f32 v20, $4.000000000e+00  }
0x245: {  	v11 =	vld.idx.msk [tilespmem:v16+s14+$0x0], $0xffff;
	v16 =	vor.u32 v0, v17;
	(erf) = vpow2.f32 v14  }
0x246: {  	v25 =	vpop (erf);
	v14 =	vmax.f32 v26, $-4.000000000e+00  }
0x247: {  	[tilespmem:v3+s21+$0x70 ss:$0x1] =	vst.idx.msk $0xffff, v18;
	v13 =	vmul.f32 v25, v13;
	v14 =	vmul.f32 $1.442695020e+00, v14;
	v26 =	vpop (erf)  }
0x248: {  	v18 =	vld.idx.msk [tilespmem:v3+s21+$0xFFFFFFF0 ss:$0x1], $0xffff;
	v23 =	vmin.f32 v23, $4.000000000e+00;
	v12 =	vmul.f32 v26, v12  }
0x249: {  	v25 =	vshll.u32 v21, $0x5;
	v17 =	vmax.f32 v23, $-4.000000000e+00;
	[tilespmem:v3+s24+$0xFFFFFFA0 ss:$0x1] =	vst.idx.msk $0xffff, v13;
	v13 =	vld.idx.msk [tilespmem:v24+s14+$0x0], $0xffff  }
0x24a: {  	v21 =	vor.u32 v8, v25;
	v17 =	vmul.f32 $1.442695020e+00, v17;
	[tilespmem:v3+s24+$0x20 ss:$0x1] =	vst.idx.msk $0xffff, v12;
	v12 =	vld.idx.msk [tilespmem:v16+s14+$0x0], $0xffff  }
0x24b: {  	v15 =	vld.idx.msk [tilespmem:v15+s14+$0x0], $0xffff;
	(erf) = vpow2.f32 v14;
	v14 =	vpop (erf)  }
0x24c: {  	v20 =	vld.idx.msk [tilespmem:v22+s14+$0x0], $0xffff;
	v19 =	vor.u32 v0, v25;
	(erf) = vpow2.f32 v17;
	v22 =	vpop (erf)  }
0x24d: {  	v17 =	vld.idx.msk [tilespmem:v3+s24+$0xFFFFFFB0 ss:$0x1], $0xffff;
	v24 =	vpop (erf)  }
0x24e: {  	v23 =	vld.idx.msk [tilespmem:v3+s24+$0x30 ss:$0x1], $0xffff;
	v13 =	vmul.f32 v24, v13;
	v24 =	vpop (erf)  }
0x24f: {  	v18 =	vmin.f32 v18, $4.000000000e+00;
	v21 =	vld.idx.msk [tilespmem:v21+s14+$0x0], $0xffff;
	v12 =	vmul.f32 v24, v12  }
0x250: {  	v18 =	vmax.f32 v18, $-4.000000000e+00;
	v16 =	vld.idx.msk [tilespmem:v4+s24+$0x30 ss:$0x1], $0xffff;
	[tilespmem:v3+s23+$0x40 ss:$0x1] =	vst.idx.msk $0xffff, v13  }
0x251: {  	v19 =	vld.idx.msk [tilespmem:v19+s14+$0x0], $0xffff;
	v26 =	vmul.f32 v22, v15;
	v13 =	vmul.f32 v14, v20;
	[tilespmem:v3+s23+$0xFFFFFFC0 ss:$0x1] =	vst.idx.msk $0xffff, v12  }
0x252: {  	v18 =	vmul.f32 $1.442695020e+00, v18;
	v22 =	vmin.f32 v17, $4.000000000e+00;
	v12 =	vld.idx.msk [tilespmem:v3+s23+$0x50 ss:$0x1], $0xffff  }
0x253: {  	v24 =	vmin.f32 v23, $4.000000000e+00;
	v15 =	vmax.f32 v22, $-4.000000000e+00;
	[tilespmem:v3+s25+$0xFFFFFF90 ss:$0x1] =	vst.idx.msk $0xffff, v13;
	v13 =	vld.idx.msk [tilespmem:v3+s23+$0xFFFFFFD0 ss:$0x1], $0xffff  }
0x254: {  	(erf) = vpow2.f32 v18;
	v25 =	vpop (erf);
	v17 =	vmax.f32 v24, $-4.000000000e+00;
	v15 =	vmul.f32 $1.442695020e+00, v15;
	[tilespmem:v3+s25+$0x10 ss:$0x1] =	vst.idx.msk $0xffff, v26;
	v14 =	vld.idx.msk [tilespmem:v4+s23+$0x50 ss:$0x1], $0xffff  }
0x255: {  	v16 =	vshll.u32 v16, $0x5;
	v20 =	vmul.f32 v25, v21;
	v17 =	vmul.f32 $1.442695020e+00, v17;
	v26 =	vpop (erf);
	v22 =	vld.idx.msk [tilespmem:v4+s25+$0x20 ss:$0x1], $0xffff  }
0x256: {  	v18 =	vor.u32 v0, v16;
	(erf) = vpow2.f32 v15;
	v24 =	vmul.f32 v26, v19;
	v26 =	vld.idx.msk [tilespmem:v3+s25+$0xFFFFFFA0 ss:$0x1], $0xffff  }
0x257: {  	v16 =	vor.u32 v5, v16;
	[tilespmem:v3+s22+$0x60 ss:$0x1] =	vst.idx.msk $0xffff, v20;
	v20 =	vld.idx.msk [tilespmem:v3+s25+$0x20 ss:$0x1], $0xffff;
	(erf) = vpow2.f32 v17  }
0x258: {  	v25 =	vld.idx.msk [tilespmem:v3+s22+$0x70 ss:$0x1], $0xffff;
	v12 =	vmin.f32 v12, $4.000000000e+00  }
0x259: {  	[tilespmem:v3+s22+$0xFFFFFFE0 ss:$0x1] =	vst.idx.msk $0xffff, v24;
	v12 =	vmax.f32 v12, $-4.000000000e+00  }
0x25a: {  	v15 =	vld.idx.msk [tilespmem:v4+s22+$0x70 ss:$0x1], $0xffff;
	v13 =	vmin.f32 v13, $4.000000000e+00;
	v14 =	vshll.u32 v14, $0x5;
	v12 =	vmul.f32 $1.442695020e+00, v12  }
0x25b: {  	v13 =	vmax.f32 v13, $-4.000000000e+00;
	v21 =	vor.u32 v7, v14  }
0x25c: {  	v16 =	vld.idx.msk [tilespmem:v16+s14+$0x0], $0xffff;
	v14 =	vor.u32 v0, v14;
	v22 =	vshll.u32 v22, $0x5;
	v13 =	vmul.f32 $1.442695020e+00, v13  }
0x25d: {  	v18 =	vld.idx.msk [tilespmem:v18+s14+$0x0], $0xffff;
	v19 =	vmin.f32 v26, $4.000000000e+00;
	v20 =	vmin.f32 v20, $4.000000000e+00;
	v17 =	vmin.f32 v25, $4.000000000e+00  }
0x25e: {  	v19 =	vmax.f32 v19, $-4.000000000e+00;
	(erf) = vpow2.f32 v12;
	v24 =	vmax.f32 v17, $-4.000000000e+00;
	v12 =	vpop (erf)  }
0x25f: {  	(erf) = vpow2.f32 v13;
	v15 =	vshll.u32 v15, $0x5;
	v13 =	vmul.f32 $1.442695020e+00, v24;
	v25 =	vpop (erf)  }
0x260: {  	v24 =	vmul.f32 $1.442695020e+00, v19;
	v19 =	vor.u32 v0, v22;
	v23 =	vor.u32 v8, v15;
	v26 =	vpop (erf)  }
0x261: {  	(erf) = vpow2.f32 v13;
	v16 =	vmul.f32 v26, v16;
	v26 =	vmax.f32 v20, $-4.000000000e+00  }
0x262: {  	v17 =	vmul.f32 v25, v18;
	v25 =	vmul.f32 $1.442695020e+00, v26  }
0x263: {  	(erf) = vpow2.f32 v24;
	v20 =	vld.idx.msk [tilespmem:v21+s14+$0x0], $0xffff  }
0x264: {  	v14 =	vld.idx.msk [tilespmem:v14+s14+$0x0], $0xffff;
	v26 =	vor.u32 v10, v22;
	(erf) = vpow2.f32 v25  }
0x265: {  	[tilespmem:v3+s24+$0xFFFFFFB0 ss:$0x1] =	vst.idx.msk $0xffff, v17;
	v19 =	vld.idx.msk [tilespmem:v19+s14+$0x0], $0xffff  }
0x266: {  	v15 =	vor.u32 v0, v15;
	[tilespmem:v3+s24+$0x30 ss:$0x1] =	vst.idx.msk $0xffff, v16;
	v8 =	vld.idx.msk [tilespmem:v23+s14+$0x0], $0xffff  }
0x267: {  	v13 =	vld.idx.msk [tilespmem:v3+s24+$0xFFFFFFC0 ss:$0x1], $0xffff;
	v24 =	vpop (erf)  }
0x268: {  	v16 =	vld.idx.msk [tilespmem:v3+s24+$0x40 ss:$0x1], $0xffff;
	v18 =	vmul.f32 v24, v20;
	v25 =	vpop (erf)  }
0x269: {  	v14 =	vmul.f32 v25, v14;
	v17 =	vld.idx.msk [tilespmem:v26+s14+$0x0], $0xffff  }
0x26a: {  	[tilespmem:v3+s23+$0x50 ss:$0x1] =	vst.idx.msk $0xffff, v18;
	v18 =	vld.idx.msk [tilespmem:v4+s24+$0x40 ss:$0x1], $0xffff;
	v26 =	vpop (erf)  }
0x26b: {  	[tilespmem:v3+s23+$0xFFFFFFD0 ss:$0x1] =	vst.idx.msk $0xffff, v14;
	v20 =	vmul.f32 v26, v8;
	v8 =	vld.idx.msk [tilespmem:v15+s14+$0x0], $0xffff  }
0x26c: {  	v24 =	vpop (erf);
	v14 =	vld.idx.msk [tilespmem:v3+s23+$0x60 ss:$0x1], $0xffff  }
0x26d: {  	v16 =	vmin.f32 v16, $4.000000000e+00;
	v21 =	vld.idx.msk [tilespmem:v4+s23+$0x60 ss:$0x1], $0xffff;
	v19 =	vmul.f32 v24, v19;
	v25 =	vpop (erf)  }
0x26e: {  	v13 =	vmin.f32 v13, $4.000000000e+00;
	v26 =	vld.idx.msk [tilespmem:v3+s23+$0xFFFFFFE0 ss:$0x1], $0xffff;
	v16 =	vmax.f32 v16, $-4.000000000e+00;
	[tilespmem:v3+s22+$0x70 ss:$0x1] =	vst.idx.msk $0xffff, v20;
	v15 =	vmul.f32 v25, v17  }
0x26f: {  	v13 =	vmax.f32 v13, $-4.000000000e+00;
	v16 =	vmul.f32 $1.442695020e+00, v16;
	[tilespmem:v3+s25+$0xFFFFFFA0 ss:$0x1] =	vst.idx.msk $0xffff, v19  }
0x270: {  	v13 =	vmul.f32 $1.442695020e+00, v13;
	v23 =	vshll.u32 v18, $0x5;
	v18 =	vld.idx.msk [tilespmem:v3+s22+$0xFFFFFFF0 ss:$0x1], $0xffff;
	[tilespmem:v3+s25+$0x20 ss:$0x1] =	vst.idx.msk $0xffff, v15  }
0x271: {  	(erf) = vpow2.f32 v16;
	v17 =	vor.u32 v0, v23;
	v19 =	vld.idx.msk [tilespmem:v3+s25+$0xFFFFFFB0 ss:$0x1], $0xffff  }
0x272: {  	(erf) = vpow2.f32 v13;
	v14 =	vmin.f32 v14, $4.000000000e+00;
	v24 =	vshll.u32 v21, $0x5;
	v16 =	vld.idx.msk [tilespmem:v3+s25+$0x30 ss:$0x1], $0xffff  }
0x273: {  	v25 =	vmin.f32 v26, $4.000000000e+00;
	v15 =	vor.u32 v5, v23;
	v14 =	vmax.f32 v14, $-4.000000000e+00  }
0x274: {  	v13 =	vor.u32 v7, v24;
	v21 =	vmax.f32 v25, $-4.000000000e+00;
	v14 =	vmul.f32 $1.442695020e+00, v14;
	v26 =	vld.idx.msk [tilespmem:v4+s25+$0x30 ss:$0x1], $0xffff  }
0x275: {  	v24 =	vor.u32 v0, v24;
	v21 =	vmul.f32 $1.442695020e+00, v21;
	v23 =	vmin.f32 v18, $4.000000000e+00  }
0x276: {  	(erf) = vpow2.f32 v14;
	v14 =	vmax.f32 v23, $-4.000000000e+00;
	v19 =	vmin.f32 v19, $4.000000000e+00  }
0x277: {  	v14 =	vmul.f32 $1.442695020e+00, v14;
	v16 =	vmin.f32 v16, $4.000000000e+00;
	v19 =	vmax.f32 v19, $-4.000000000e+00  }
0x278: {  	(erf) = vpow2.f32 v21;
	v16 =	vmax.f32 v16, $-4.000000000e+00;
	v19 =	vmul.f32 $1.442695020e+00, v19  }
0x279: {  	v15 =	vld.idx.msk [tilespmem:v15+s14+$0x0], $0xffff;
	(erf) = vpow2.f32 v14;
	v25 =	vshll.u32 v26, $0x5;
	v16 =	vmul.f32 $1.442695020e+00, v16  }
0x27a: {  	v17 =	vld.idx.msk [tilespmem:v17+s14+$0x0], $0xffff;
	v26 =	vor.u32 v0, v25;
	(erf) = vpow2.f32 v19  }
0x27b: {  	v14 =	vor.u32 v10, v25;
	(erf) = vpow2.f32 v16;
	_ =	sdelay $0x1  }
0x27c: {  	v13 =	vld.idx.msk [tilespmem:v13+s14+$0x0], $0xffff;
	v22 =	vpop (erf)  }
0x27d: {  	v24 =	vld.idx.msk [tilespmem:v24+s14+$0x0], $0xffff;
	v23 =	vpop (erf);
	v15 =	vmul.f32 v22, v15  }
0x27e: {  	v17 =	vmul.f32 v23, v17;
	v18 =	vld.idx.msk [tilespmem:v26+s14+$0x0], $0xffff  }
0x27f: {  	[tilespmem:v3+s24+$0x40 ss:$0x1] =	vst.idx.msk $0xffff, v15;
	v25 =	vpop (erf);
	v14 =	vld.idx.msk [tilespmem:v14+s14+$0x0], $0xffff  }
0x280: {  	[tilespmem:v3+s24+$0xFFFFFFC0 ss:$0x1] =	vst.idx.msk $0xffff, v17;
	v26 =	vpop (erf)  }
0x281: {  	v15 =	vmul.f32 v25, v13;
	v19 =	vld.idx.msk [tilespmem:v3+s24+$0x50 ss:$0x1], $0xffff;
	v13 =	vpop (erf)  }
0x282: {  	v20 =	vld.idx.msk [tilespmem:v3+s24+$0xFFFFFFD0 ss:$0x1], $0xffff;
	v16 =	vmul.f32 v26, v24;
	v24 =	vpop (erf)  }
0x283: {  	v26 =	vld.idx.msk [tilespmem:v4+s24+$0x50 ss:$0x1], $0xffff;
	[tilespmem:v3+s23+$0x60 ss:$0x1] =	vst.idx.msk $0xffff, v15;
	v15 =	vmul.f32 v24, v18;
	v25 =	vpop (erf)  }
0x284: {  	v17 =	vld.idx.msk [tilespmem:v3+s23+$0x70 ss:$0x1], $0xffff;
	[tilespmem:v3+s23+$0xFFFFFFE0 ss:$0x1] =	vst.idx.msk $0xffff, v16;
	v14 =	vmul.f32 v25, v14  }
0x285: {  	[tilespmem:v3+s25+$0xFFFFFFB0 ss:$0x1] =	vst.idx.msk $0xffff, v15  }
0x286: {  	v16 =	vld.idx.msk [tilespmem:v4+s23+$0x70 ss:$0x1], $0xffff;
	[tilespmem:v3+s25+$0x30 ss:$0x1] =	vst.idx.msk $0xffff, v14  }
0x287: {  	v22 =	vmin.f32 v19, $4.000000000e+00;
	v18 =	vld.idx.msk [tilespmem:v3+s25+$0x40 ss:$0x1], $0xffff  }
0x288: {  	v23 =	vmin.f32 v20, $4.000000000e+00;
	v15 =	vmax.f32 v22, $-4.000000000e+00;
	v24 =	vld.idx.msk [tilespmem:v3+s25+$0xFFFFFFC0 ss:$0x1], $0xffff  }
0x289: {  	v25 =	vshll.u32 v26, $0x5;
	v14 =	vmax.f32 v23, $-4.000000000e+00;
	v15 =	vmul.f32 $1.442695020e+00, v15  }
0x28a: {  	v21 =	vor.u32 v5, v25;
	v20 =	vor.u32 v0, v25;
	v14 =	vmul.f32 $1.442695020e+00, v14;
	v26 =	vld.idx.msk [tilespmem:v4+s25+$0x40 ss:$0x1], $0xffff  }
0x28b: {  	v22 =	vmin.f32 v17, $4.000000000e+00;
	v16 =	vshll.u32 v16, $0x5;
	(erf) = vpow2.f32 v15  }
0x28c: {  	(erf) = vpow2.f32 v14;
	v14 =	vmax.f32 v22, $-4.000000000e+00;
	v23 =	vmin.f32 v18, $4.000000000e+00  }
0x28d: {  	v14 =	vmul.f32 $1.442695020e+00, v14;
	v24 =	vmin.f32 v24, $4.000000000e+00;
	v17 =	vmax.f32 v23, $-4.000000000e+00  }
0x28e: {  	v7 =	vor.u32 v7, v16;
	v18 =	vmax.f32 v24, $-4.000000000e+00;
	v17 =	vmul.f32 $1.442695020e+00, v17  }
0x28f: {  	(erf) = vpow2.f32 v14;
	v25 =	vshll.u32 v26, $0x5;
	v26 =	vmul.f32 $1.442695020e+00, v18  }
0x290: {  	v22 =	vor.u32 v10, v25;
	(erf) = vpow2.f32 v17  }
0x291: {  	v21 =	vld.idx.msk [tilespmem:v21+s14+$0x0], $0xffff;
	v14 =	vor.u32 v0, v25;
	(erf) = vpow2.f32 v26  }
0x292: {  	v23 =	vld.idx.msk [tilespmem:v20+s14+$0x0], $0xffff;
	_ =	sdelay $0x1  }
0x293: {  	v16 =	vor.u32 v0, v16;
	v7 =	vld.idx.msk [tilespmem:v7+s14+$0x0], $0xffff  }
0x294: {  	v24 =	vpop (erf);
	v19 =	vld.idx.msk [tilespmem:v22+s14+$0x0], $0xffff  }
0x295: {  	v15 =	vmul.f32 v24, v21;
	v25 =	vpop (erf);
	v14 =	vld.idx.msk [tilespmem:v14+s14+$0x0], $0xffff  }
0x296: {  	v17 =	vmul.f32 v25, v23  }
0x297: {  	[tilespmem:v3+s24+$0x50 ss:$0x1] =	vst.idx.msk $0xffff, v15;
	v26 =	vpop (erf)  }
0x298: {  	v16 =	vld.idx.msk [tilespmem:v16+s14+$0x0], $0xffff;
	[tilespmem:v3+s24+$0xFFFFFFD0 ss:$0x1] =	vst.idx.msk $0xffff, v17;
	v7 =	vmul.f32 v26, v7;
	v20 =	vpop (erf)  }
0x299: {  	v17 =	vld.idx.msk [tilespmem:v3+s24+$0x60 ss:$0x1], $0xffff;
	v15 =	vmul.f32 v20, v19;
	v21 =	vpop (erf)  }
0x29a: {  	v22 =	vld.idx.msk [tilespmem:v3+s24+$0xFFFFFFE0 ss:$0x1], $0xffff;
	[tilespmem:v3+s23+$0x70 ss:$0x1] =	vst.idx.msk $0xffff, v7;
	v23 =	vmul.f32 v21, v14  }
0x29b: {  	v24 =	vld.idx.msk [tilespmem:v4+s24+$0x60 ss:$0x1], $0xffff;
	[tilespmem:v3+s25+$0x40 ss:$0x1] =	vst.idx.msk $0xffff, v15  }
0x29c: {  	v15 =	vld.idx.msk [tilespmem:v3+s23+$0xFFFFFFF0 ss:$0x1], $0xffff;
	[tilespmem:v3+s25+$0xFFFFFFC0 ss:$0x1] =	vst.idx.msk $0xffff, v23  }
0x29d: {  	v7 =	vld.idx.msk [tilespmem:v3+s25+$0x50 ss:$0x1], $0xffff  }
0x29e: {  	v17 =	vmin.f32 v17, $4.000000000e+00;
	v25 =	vld.idx.msk [tilespmem:v3+s25+$0xFFFFFFD0 ss:$0x1], $0xffff  }
0x29f: {  	v19 =	vmin.f32 v22, $4.000000000e+00;
	v17 =	vmax.f32 v17, $-4.000000000e+00  }
0x2a0: {  	v14 =	vshll.u32 v24, $0x5;
	v19 =	vmax.f32 v19, $-4.000000000e+00;
	v17 =	vmul.f32 $1.442695020e+00, v17;
	v26 =	vld.idx.msk [tilespmem:v4+s25+$0x50 ss:$0x1], $0xffff  }
0x2a1: {  	v24 =	vor.u32 v5, v14;
	v19 =	vmul.f32 $1.442695020e+00, v19;
	v15 =	vmin.f32 v15, $4.000000000e+00  }
0x2a2: {  	(erf) = vpow2.f32 v17;
	v15 =	vmax.f32 v15, $-4.000000000e+00;
	v7 =	vmin.f32 v7, $4.000000000e+00  }
0x2a3: {  	v15 =	vmul.f32 $1.442695020e+00, v15;
	v25 =	vmin.f32 v25, $4.000000000e+00;
	v7 =	vmax.f32 v7, $-4.000000000e+00  }
0x2a4: {  	(erf) = vpow2.f32 v19;
	v17 =	vmax.f32 v25, $-4.000000000e+00;
	v7 =	vmul.f32 $1.442695020e+00, v7  }
0x2a5: {  	v26 =	vshll.u32 v26, $0x5;
	(erf) = vpow2.f32 v15;
	v17 =	vmul.f32 $1.442695020e+00, v17  }
0x2a6: {  	v22 =	vor.u32 v10, v26;
	(erf) = vpow2.f32 v7  }
0x2a7: {  	v23 =	vor.u32 v0, v26;
	(erf) = vpow2.f32 v17  }
0x2a8: {  	v14 =	vor.u32 v0, v14;
	_ =	sdelay $0x1  }
0x2a9: {  	v24 =	vld.idx.msk [tilespmem:v24+s14+$0x0], $0xffff  }
0x2aa: {  	v25 =	vld.idx.msk [tilespmem:v22+s14+$0x0], $0xffff  }
0x2ab: {  	v26 =	vpop (erf);
	v7 =	vld.idx.msk [tilespmem:v23+s14+$0x0], $0xffff  }
0x2ac: {  	v14 =	vld.idx.msk [tilespmem:v14+s14+$0x0], $0xffff;
	v19 =	vpop (erf)  }
0x2ad: {  	v20 =	vpop (erf)  }
0x2ae: {  	v15 =	vmul.f32 v26, v24;
	v23 =	vpop (erf)  }
0x2af: {  	v17 =	vmul.f32 v23, v25;
	v24 =	vpop (erf)  }
0x2b0: {  	[tilespmem:v3+s24+$0x60 ss:$0x1] =	vst.idx.msk $0xffff, v15;
	v7 =	vmul.f32 v24, v7  }
0x2b1: {  	v14 =	vmul.f32 v19, v14;
	[tilespmem:v3+s25+$0x50 ss:$0x1] =	vst.idx.msk $0xffff, v17  }
0x2b2: {  	v15 =	vld.idx.msk [tilespmem:v3+s24+$0x70 ss:$0x1], $0xffff;
	[tilespmem:v3+s25+$0xFFFFFFD0 ss:$0x1] =	vst.idx.msk $0xffff, v7  }
0x2b3: {  	[tilespmem:v3+s24+$0xFFFFFFE0 ss:$0x1] =	vst.idx.msk $0xffff, v14;
	v7 =	vld.idx.msk [tilespmem:v3+s25+$0x60 ss:$0x1], $0xffff  }
0x2b4: {  	v14 =	vld.idx.msk [tilespmem:v4+s24+$0x70 ss:$0x1], $0xffff  }
0x2b5: {  	v17 =	vld.idx.msk [tilespmem:v4+s25+$0x60 ss:$0x1], $0xffff  }
0x2b6: {  	v25 =	vld.idx.msk [tilespmem:v3+s25+$0xFFFFFFE0 ss:$0x1], $0xffff  }
0x2b7: {  	v15 =	vmin.f32 v15, $4.000000000e+00  }
0x2b8: {  	v15 =	vmax.f32 v15, $-4.000000000e+00;
	v7 =	vmin.f32 v7, $4.000000000e+00  }
0x2b9: {  	v14 =	vshll.u32 v14, $0x5;
	v15 =	vmul.f32 $1.442695020e+00, v15;
	v7 =	vmax.f32 v7, $-4.000000000e+00  }
0x2ba: {  	v26 =	vor.u32 v5, v14;
	v7 =	vmul.f32 $1.442695020e+00, v7  }
0x2bb: {  	(erf) = vpow2.f32 v15;
	v21 =	vshll.u32 v17, $0x5;
	v22 =	vmin.f32 v25, $4.000000000e+00  }
0x2bc: {  	v23 =	vor.u32 v10, v21;
	v17 =	vmax.f32 v22, $-4.000000000e+00;
	(erf) = vpow2.f32 v7  }
0x2bd: {  	v24 =	vmul.f32 $1.442695020e+00, v17;
	_ =	sdelay $0x1  }
0x2be: {  	v15 =	vor.u32 v0, v21;
	(erf) = vpow2.f32 v24  }
0x2bf: {  	v5 =	vld.idx.msk [tilespmem:v26+s14+$0x0], $0xffff  }
0x2c0: {  	v26 =	vld.idx.msk [tilespmem:v23+s14+$0x0], $0xffff  }
0x2c1: {  	v25 =	vor.u32 v0, v14;
	_ =	sdelay $0x1  }
0x2c2: {  	v21 =	vpop (erf);
	v15 =	vld.idx.msk [tilespmem:v15+s14+$0x0], $0xffff  }
0x2c3: {  	v5 =	vmul.f32 v21, v5;
	v22 =	vpop (erf)  }
0x2c4: {  	v14 =	vmul.f32 v22, v26  }
0x2c5: {  	v7 =	vld.idx.msk [tilespmem:v25+s14+$0x0], $0xffff;
	[tilespmem:v3+s24+$0x70 ss:$0x1] =	vst.idx.msk $0xffff, v5  }
0x2c6: {  	v5 =	vld.idx.msk [tilespmem:v3+s24+$0xFFFFFFF0 ss:$0x1], $0xffff;
	v23 =	vpop (erf);
	[tilespmem:v3+s25+$0x60 ss:$0x1] =	vst.idx.msk $0xffff, v14  }
0x2c7: {  	v24 =	vmul.f32 v23, v15;
	v25 =	vld.idx.msk [tilespmem:v3+s25+$0x70 ss:$0x1], $0xffff;
	_ =	sdelay $0x1  }
0x2c8: {  	[tilespmem:v3+s25+$0xFFFFFFE0 ss:$0x1] =	vst.idx.msk $0xffff, v24  }
0x2c9: {  	v26 =	vld.idx.msk [tilespmem:v4+s25+$0x70 ss:$0x1], $0xffff  }
0x2ca: {  	v5 =	vmin.f32 v5, $4.000000000e+00  }
0x2cb: {  	v5 =	vmax.f32 v5, $-4.000000000e+00;
	v17 =	vmin.f32 v25, $4.000000000e+00  }
0x2cc: {  	v5 =	vmul.f32 $1.442695020e+00, v5;
	v14 =	vmax.f32 v17, $-4.000000000e+00  }
0x2cd: {  	v14 =	vmul.f32 $1.442695020e+00, v14  }
0x2ce: {  	(erf) = vpow2.f32 v5;
	v4 =	vshll.u32 v26, $0x5  }
0x2cf: {  	v18 =	vor.u32 v10, v4;
	(erf) = vpow2.f32 v14;
	_ =	sdelay $0x4  }
0x2d0: {  	v5 =	vld.idx.msk [tilespmem:v18+s14+$0x0], $0xffff;
	_ =	sdelay $0x1  }
0x2d1: {  	v4 =	vor.u32 v0, v4  }
0x2d2: {  	v19 =	vpop (erf)  }
0x2d3: {  	v14 =	vpop (erf)  }
0x2d4: {  	v5 =	vmul.f32 v14, v5;
	_ =	sdelay $0x1  }
0x2d5: {  	v4 =	vld.idx.msk [tilespmem:v4+s14+$0x0], $0xffff;
	[tilespmem:v3+s25+$0x70 ss:$0x1] =	vst.idx.msk $0xffff, v5  }
0x2d6: {  	v5 =	vld.idx.msk [tilespmem:v3+s25+$0xFFFFFFF0 ss:$0x1], $0xffff;
	_ =	sdelay $0x4  }
0x2d7: {  	v5 =	vmin.f32 v5, $4.000000000e+00  }
0x2d8: {  	v5 =	vmax.f32 v5, $-4.000000000e+00  }
0x2d9: {  	v5 =	vmul.f32 $1.442695020e+00, v5;
	_ =	sdelay $0x1  }
0x2da: {  	(erf) = vpow2.f32 v5;
	_ =	sdelay $0x4  }
0x2db: {  	v21 =	vmul.f32 v9, v6  }
0x2dc: {  	v22 =	vmul.f32 v12, v11  }
0x2dd: {  	[tilespmem:v3+s20+$0xFFFFFFF0 ss:$0x1] =	vst.idx.msk $0xffff, v21;
	v23 =	vmul.f32 v13, v8  }
0x2de: {  	[tilespmem:v3+s21+$0xFFFFFFF0 ss:$0x1] =	vst.idx.msk $0xffff, v22;
	v24 =	vmul.f32 v20, v16  }
.Ltmp9:
0x2df: {  	[tilespmem:v3+s22+$0xFFFFFFF0 ss:$0x1] =	vst.idx.msk $0xffff, v23;
	v25 =	vmul.f32 v19, v7;
	v26 =	vpop (erf);
	(pc) =	sbr.rel .LBB2_12-.Ltmp9, $4  }
0x2e0: {  	s18 =	smul.u32 $0xFA0, s18;
	[tilespmem:v3+s23+$0xFFFFFFF0 ss:$0x1] =	vst.idx.msk $0xffff, v24;
	v4 =	vmul.f32 v26, v4  }
0x2e1: {  	[tilespmem:v3+s24+$0xFFFFFFF0 ss:$0x1] =	vst.idx.msk $0xffff, v25  }
0x2e2: {  	s19 =	sadd.s32 $0x3, s19;
	s18 =	sadd.s32 s3, s18;
	[tilespmem:v3+s25+$0xFFFFFFF0 ss:$0x1] =	vst.idx.msk $0xffff, v4  }
0x2e3: {  	[hbm4b:s18+s5] =	stream.linear.scatter [tilespmem:s26], [sflag:s19], $0x7D00, $0x38;
	[tilespmem:$0x18300] =	vst v63  }
.LBB2_14:
0x2e4: {  	_ =	sfence.sel $0x180000  }
0x2e5: {  	[bflag:$0x0] =	sbarrier.arrive $0xFFFF  }
0x2e6: {  	p0 =	sne.s32 s4, $0x0;
	_ =	strace $0x90000047  }
0x2e7: {  	s0 =	sadd.s32 @!p0 $0x100000, s2;
	[bflag:$0x2] =	sbarrier.arrive $0xFFFF  }
0x2e8: {  	[sflag:s0] =	ssyncadd.tile.s32 @!p0 $0x1;
	_ =	shalt  }
.Lfunc_end2:
_tile_overlayer_lowered:
.L_overlay_start_2:
0x2e9: {  	(tag) =	ssettag $0x2  }
0x2ea: {  	s0 =	rddreg [dreg:$0x0];
	s2 =	stileid.u32  }
0x2eb: {  	s1 =	rddreg [dreg:$0x1];
	p0 =	sne.s32 s2, $0x0  }
0x2ec: {  	s3 =	rddreg [dreg:$0x2];
	[bflag:$0x3] =	sbarrier.arrive $0xFFFF;
	s2 =	simm.s32 @!p0 $0x1C05  }
0x2ed: {  	[timem:s3], [sflag:s2] =	dma.local @!p0 [hbm:s0], s1  }
0x2ee: {  	s0 =	simm.s32 @!p0 $0x5  }
0x2ef: {  	_ =	swait.ge @!p0 [sflag:s0], s1  }
0x2f0: {  	s1 =	ssub.s32 @!p0 $0x0, s1;
	[sflag:s0] =	ssyncset.done @!p0 $0x0  }
0x2f1: {  	[sflag:s0] =	ssyncadd.s32 @!p0 s1  }
0x2f2: {  	[bflag:$0x3] =	sbarrier.arrive $0xFFFF  }
0x2f3: {  	_ =	shalt  }

</sc_bundles>
